<compile_context>
chip_gen: v7x
topology: tpu7x:2x2x1
jax: 0.10.2.dev20260603
libtpu: 0.0.44.dev20260713+nightly
codegen_flags: <defaults>
</compile_context>

<pallas_src>
import functools

import jax
import jax.numpy as jnp
from jax import lax
from jax.experimental import pallas as pl
from jax.experimental.pallas import tpu as pltpu
from jax.experimental.pallas import tpu_sc as plsc

N_NODES = 10000
N_EDGES = 320000
D = 128
L = 16

NC = 2
NS = 16
NW = NC * NS

CHUNK = 128
N_CHUNKS = N_EDGES // CHUNK
N_CHUNKS_PAD = 2528
OCTETS = N_CHUNKS_PAD // 8
IMAX = 8 * (-(-OCTETS // NW))
TPAIR = IMAX // 2
ROW = CHUNK * L

_ROWS_TC = 2000
_CHUNKS_FOLD = 250


def _node_projections(x, Wn, bn, We0, be0):

    def body(x_ref, wn_ref, bn_ref, we0_ref, be0_ref, p_ref, q_ref):
        h = jnp.maximum(
            jnp.dot(x_ref[...], wn_ref[...], preferred_element_type=jnp.float32)
            + bn_ref[...], 0.0)
        w = we0_ref[...]
        p_ref[...] = jnp.dot(h, w[:D], preferred_element_type=jnp.float32) + be0_ref[...]
        q_ref[...] = jnp.dot(h, w[D:], preferred_element_type=jnp.float32)

    return pl.pallas_call(
        body,
        grid=(N_NODES // _ROWS_TC,),
        in_specs=[
            pl.BlockSpec((_ROWS_TC, D), lambda i: (i, 0)),
            pl.BlockSpec((D, D), lambda i: (0, 0)),
            pl.BlockSpec((1, D), lambda i: (0, 0)),
            pl.BlockSpec((2 * D, D), lambda i: (0, 0)),
            pl.BlockSpec((1, D), lambda i: (0, 0)),
        ],
        out_specs=[
            pl.BlockSpec((_ROWS_TC, D), lambda i: (i, 0)),
            pl.BlockSpec((_ROWS_TC, D), lambda i: (i, 0)),
        ],
        out_shape=[
            jax.ShapeDtypeStruct((N_NODES, D), jnp.float32),
            jax.ShapeDtypeStruct((N_NODES, D), jnp.float32),
        ],
    )(x, Wn, bn.reshape(1, D), We0, be0.reshape(1, D))


def _edge_partials(P, Q, epad, w1, be1v):
    mesh = plsc.VectorSubcoreMesh(
        core_axis_name="c", subcore_axis_name="s", num_cores=NC, num_subcores=NS)

    @functools.partial(
        pl.kernel,
        mesh=mesh,
        out_type=jax.ShapeDtypeStruct((N_CHUNKS, ROW), jnp.float32),
        scratch_types=[
            pltpu.VMEM((IMAX * CHUNK,), jnp.int32),
            pltpu.VMEM((IMAX * CHUNK,), jnp.int32),
            [pltpu.VMEM((CHUNK, D), jnp.float32)] * 2,
            [pltpu.VMEM((CHUNK, D), jnp.float32)] * 2,
            [pltpu.VMEM((ROW,), jnp.float32)] * 2,
            pltpu.VMEM((D,), jnp.float32),
            pltpu.VMEM((L,), jnp.float32),
            [pltpu.SemaphoreType.DMA] * 2,
            [pltpu.SemaphoreType.DMA] * 2,
            [pltpu.SemaphoreType.DMA] * 2,
        ],
    )
    def k(p_hbm, q_hbm, e_hbm, w1_hbm, be1_hbm, out_hbm,
          idx_s, idx_d, bufP, bufQ, out_v, w1_v, be1_v, semP, semQ, semO):
        wid = lax.axis_index("s") * NC + lax.axis_index("c")
        ostart = wid * OCTETS // NW
        start = pl.multiple_of(ostart * 8, 8)
        nw = ((wid + 1) * OCTETS // NW - ostart) * 8

        pltpu.sync_copy(w1_hbm, w1_v)
        pltpu.sync_copy(be1_hbm, be1_v)
        pltpu.sync_copy(e_hbm.at[0, pl.ds(start * CHUNK, IMAX * CHUNK)], idx_s)
        pltpu.sync_copy(e_hbm.at[1, pl.ds(start * CHUNK, IMAX * CHUNK)], idx_d)
        w1r = [w1_v[pl.ds(c * L, L)] for c in range(D // L)]
        be1r = be1_v[...]

        def issue(r, b):
            pltpu.async_copy(
                p_hbm.at[idx_s.at[pl.ds(r * CHUNK, CHUNK)]], bufP[b], semP[b])
            pltpu.async_copy(
                q_hbm.at[idx_d.at[pl.ds(r * CHUNK, CHUNK)]], bufQ[b], semQ[b])

        def wait_gather(r, b):
            pltpu.make_async_copy(
                p_hbm.at[idx_s.at[pl.ds(r * CHUNK, CHUNK)]], bufP[b], semP[b]).wait()
            pltpu.make_async_copy(
                q_hbm.at[idx_d.at[pl.ds(r * CHUNK, CHUNK)]], bufQ[b], semQ[b]).wait()

        issue(0, 0)

        def pair(t, carry):
            for b in range(2):
                r = t * 2 + b

                @pl.when((r + 1 < nw) & (start + r + 1 < N_CHUNKS))
                def _():
                    issue(r + 1, 1 - b)

                @pl.when((r < nw) & (start + r < N_CHUNKS))
                def _():
                    wait_gather(r, b)

                    @pl.when(r >= 2)
                    def _():
                        pltpu.make_async_copy(
                            out_hbm.at[0], out_v[b], semO[b]).wait()

                    bP, bQ, oV = bufP[b], bufQ[b], out_v[b]

                    def edge_row(row, c2):
                        for kk in range(8):
                            e = row * 8 + kk
                            acc = be1r
                            for c in range(D // L):
                                pv = bP[e, pl.ds(c * L, L)]
                                qv = bQ[e, pl.ds(c * L, L)]
                                acc = acc + jnp.maximum(pv + qv, 0.0) * w1r[c]
                            oV[pl.ds(e * L, L)] = acc
                        return c2

                    lax.fori_loop(0, CHUNK // 8, edge_row, 0)
                    pltpu.async_copy(oV, out_hbm.at[start + r], semO[b])
            return carry

        lax.fori_loop(0, TPAIR, pair, 0)
        for b in range(2):
            pltpu.make_async_copy(out_hbm.at[0], out_v[b], semO[b]).wait()

    return k(P, Q, epad, w1, be1v)


def _fold_partials(part):

    def body(g_ref, s_ref):
        fold = jnp.asarray(
            lax.broadcasted_iota(jnp.int32, (ROW, D), 0) // L
            == lax.broadcasted_iota(jnp.int32, (ROW, D), 1), jnp.float32)
        s_ref[...] = jnp.dot(g_ref[...], fold, preferred_element_type=jnp.float32)

    return pl.pallas_call(
        body,
        grid=(1,),
        in_specs=[pl.BlockSpec((N_CHUNKS, ROW), lambda i: (0, 0))],
        out_specs=pl.BlockSpec((N_CHUNKS, D), lambda i: (0, 0)),
        out_shape=jax.ShapeDtypeStruct((N_CHUNKS, D), jnp.float32),
    )(part)


def kernel(x, edge_index, Wn, bn, We0, be0, We1, be1):
    P, Q = _node_projections(x, Wn, bn, We0, be0)
    ei = edge_index.astype(jnp.int32)
    epad = jnp.pad(ei, ((0, 0), (0, N_CHUNKS_PAD * CHUNK - N_EDGES)))
    w1 = We1[:, 0]
    be1v = jnp.full((L,), be1[0] / L, dtype=jnp.float32)
    part = _edge_partials(P, Q, epad, w1, be1v)
    score = _fold_partials(part)
    return score.reshape(N_EDGES, 1)

# --- scband reference (transcript-rebuilt; emitter-appended) ---
"""Pipeline reference for scband-edge-pred-model-86852828660286 (READ-ONLY COPY).

The authoritative reference and input builder live on the scoring server;
editing this copy changes nothing except your own understanding.
"""

import jax, jax.numpy as jnp
import numpy as np

N_NODES = 10000
N_EDGES = 320000
D_FEAT = 128
NODE_HID = 128
EDGE_HID = 128
OUT = 1


def setup_inputs(seed: int = 0) -> dict:
    key = jax.random.key(seed)
    k = jax.random.split(key, 8)
    x = jax.random.normal(k[0], (N_NODES, D_FEAT), dtype=jnp.float32)
    edge_index = jax.random.randint(k[1], (2, N_EDGES), 0, N_NODES, dtype=jnp.int64 if jax.config.jax_enable_x64 else jnp.int32)
    # NodeMLP: Linear(D_FEAT -> NODE_HID)
    Wn = jax.random.normal(k[2], (D_FEAT, NODE_HID), dtype=jnp.float32) * (1.0 / np.sqrt(D_FEAT))
    bn = jnp.zeros((NODE_HID,), dtype=jnp.float32)
    # EdgeMLP_alt: layer_sizes = [2*NODE_HID, EDGE_HID, OUT]
    We0 = jax.random.normal(k[3], (2 * NODE_HID, EDGE_HID), dtype=jnp.float32) * (1.0 / np.sqrt(2 * NODE_HID))
    be0 = jnp.zeros((EDGE_HID,), dtype=jnp.float32)
    We1 = jax.random.normal(k[4], (EDGE_HID, OUT), dtype=jnp.float32) * (1.0 / np.sqrt(EDGE_HID))
    be1 = jnp.zeros((OUT,), dtype=jnp.float32)
    return {"x": x, "edge_index": edge_index, "Wn": Wn, "bn": bn, "We0": We0, "be0": be0, "We1": We1, "be1": be1}


def reference(x, edge_index, Wn, bn, We0, be0, We1, be1):
    # NodeMLP (dropout p=0.0 -> identity): h = relu(linear(x))
    h = jax.nn.relu(x @ Wn + bn)
    # EdgeMLP_alt.apply_edges: gather src/dst node features per edge
    src = edge_index[0]
    dst = edge_index[1]
    h_u = jnp.take(h, src, axis=0)
    h_v = jnp.take(h, dst, axis=0)
    he = jnp.concatenate([h_u, h_v], axis=1)
    # layer 0 (no activation before first layer)
    he = he @ We0 + be0
    # layer 1: relu(dropout(h)) then linear
    he = jax.nn.relu(he)
    score = he @ We1 + be1
    return score

if __name__ == "__main__":
    import jax
    _d = setup_inputs()
    print(jax.jit(kernel)(*tuple(_d.values())))

</pallas_src>

<mosaic_0001>
#map = affine_map<(d0, d1) -> (0, 0)>
#map1 = affine_map<(d0, d1) -> (0)>
module attributes {stable_mosaic.version = 14 : i64} {
  func.func @k(%arg0: i32, %arg1: i32, %arg2: memref<10000x128xf32, #tpu.memory_space<hbm>>, %arg3: memref<10000x128xf32, #tpu.memory_space<hbm>>, %arg4: memref<2x323584xi32, #tpu.memory_space<hbm>>, %arg5: memref<128xf32, #tpu.memory_space<hbm>>, %arg6: memref<16xf32, #tpu.memory_space<hbm>>, %arg7: memref<2500x2048xf32, #tpu.memory_space<hbm>>, %arg8: memref<10240xi32, #tpu.memory_space<vmem>>, %arg9: memref<10240xi32, #tpu.memory_space<vmem>>, %arg10: memref<128x128xf32, #tpu.memory_space<vmem>>, %arg11: memref<128x128xf32, #tpu.memory_space<vmem>>, %arg12: memref<128x128xf32, #tpu.memory_space<vmem>>, %arg13: memref<128x128xf32, #tpu.memory_space<vmem>>, %arg14: memref<2048xf32, #tpu.memory_space<vmem>>, %arg15: memref<2048xf32, #tpu.memory_space<vmem>>, %arg16: memref<128xf32, #tpu.memory_space<vmem>>, %arg17: memref<16xf32, #tpu.memory_space<vmem>>, %arg18: memref<!tpu.dma_semaphore, #tpu.memory_space<semaphore_mem>>, %arg19: memref<!tpu.dma_semaphore, #tpu.memory_space<semaphore_mem>>, %arg20: memref<!tpu.dma_semaphore, #tpu.memory_space<semaphore_mem>>, %arg21: memref<!tpu.dma_semaphore, #tpu.memory_space<semaphore_mem>>, %arg22: memref<!tpu.dma_semaphore, #tpu.memory_space<semaphore_mem>>, %arg23: memref<!tpu.dma_semaphore, #tpu.memory_space<semaphore_mem>>) attributes {dimension_semantics = [#tpu.dimension_semantics<core_parallel>, #tpu.dimension_semantics<subcore_parallel>], iteration_bounds = array<i64: 2, 16>, scalar_prefetch = 0 : i64, scratch_operands = 16 : i64, tpu.core_type = #tpu.core_type<sc_vector_subcore>, window_params = [{transform_indices = #map}, {transform_indices = #map}, {transform_indices = #map}, {transform_indices = #map1}, {transform_indices = #map1}, {transform_indices = #map}]} {
    %mul3A = arith.constant 2 : i32
    %mul3A_0 = arith.muli %arg1, %mul3A : i32
    %add3A = arith.addi %mul3A_0, %arg0 : i32
    %mul3A_1 = arith.constant 316 : i32
    %mul3A_2 = arith.muli %add3A, %mul3A_1 : i32
    %jit3A = arith.constant 32 : i32
    %div3A = arith.divsi %mul3A_2, %jit3A : i32
    %sign3A = arith.constant 0 : i32
    %sign3A_3 = arith.cmpi sgt, %mul3A_2, %sign3A : i32
    %sign3A_4 = arith.extui %sign3A_3 : i1 to i32
    %sign3A_5 = arith.constant 0 : i32
    %sign3A_6 = arith.cmpi slt, %mul3A_2, %sign3A_5 : i32
    %sign3A_7 = arith.extui %sign3A_6 : i1 to i32
    %sign3A_8 = arith.subi %sign3A_4, %sign3A_7 : i32
    %sign3A_9 = arith.constant 0 : i32
    %sign3A_10 = arith.cmpi sgt, %jit3A, %sign3A_9 : i32
    %sign3A_11 = arith.extui %sign3A_10 : i1 to i32
    %sign3A_12 = arith.constant 0 : i32
    %sign3A_13 = arith.cmpi slt, %jit3A, %sign3A_12 : i32
    %sign3A_14 = arith.extui %sign3A_13 : i1 to i32
    %sign3A_15 = arith.subi %sign3A_11, %sign3A_14 : i32
    %ne3A = arith.cmpi ne, %sign3A_8, %sign3A_15 : i32
    %rem3A = arith.remsi %mul3A_2, %jit3A : i32
    %ne3A_16 = arith.constant 0 : i32
    %ne3A_17 = arith.cmpi ne, %rem3A, %ne3A_16 : i32
    %and3A = arith.andi %ne3A, %ne3A_17 : i1
    %sub3A = arith.constant 1 : i32
    %sub3A_18 = arith.subi %div3A, %sub3A : i32
    %select_n3A = arith.select %and3A, %sub3A_18, %div3A : i32
    %mul3A_19 = arith.constant 8 : i32
    %mul3A_20 = arith.muli %select_n3A, %mul3A_19 : i32
    %multiple_of3A = tpu.assume_multiple %mul3A_20, 8 : i32
    %add3A_21 = arith.constant 1 : i32
    %add3A_22 = arith.addi %add3A, %add3A_21 : i32
    %mul3A_23 = arith.constant 316 : i32
    %mul3A_24 = arith.muli %add3A_22, %mul3A_23 : i32
    %jit3A_25 = arith.constant 32 : i32
    %div3A_26 = arith.divsi %mul3A_24, %jit3A_25 : i32
    %sign3A_27 = arith.constant 0 : i32
    %sign3A_28 = arith.cmpi sgt, %mul3A_24, %sign3A_27 : i32
    %sign3A_29 = arith.extui %sign3A_28 : i1 to i32
    %sign3A_30 = arith.constant 0 : i32
    %sign3A_31 = arith.cmpi slt, %mul3A_24, %sign3A_30 : i32
    %sign3A_32 = arith.extui %sign3A_31 : i1 to i32
    %sign3A_33 = arith.subi %sign3A_29, %sign3A_32 : i32
    %sign3A_34 = arith.constant 0 : i32
    %sign3A_35 = arith.cmpi sgt, %jit3A_25, %sign3A_34 : i32
    %sign3A_36 = arith.extui %sign3A_35 : i1 to i32
    %sign3A_37 = arith.constant 0 : i32
    %sign3A_38 = arith.cmpi slt, %jit3A_25, %sign3A_37 : i32
    %sign3A_39 = arith.extui %sign3A_38 : i1 to i32
    %sign3A_40 = arith.subi %sign3A_36, %sign3A_39 : i32
    %ne3A_41 = arith.cmpi ne, %sign3A_33, %sign3A_40 : i32
    %rem3A_42 = arith.remsi %mul3A_24, %jit3A_25 : i32
    %ne3A_43 = arith.constant 0 : i32
    %ne3A_44 = arith.cmpi ne, %rem3A_42, %ne3A_43 : i32
    %and3A_45 = arith.andi %ne3A_41, %ne3A_44 : i1
    %sub3A_46 = arith.constant 1 : i32
    %sub3A_47 = arith.subi %div3A_26, %sub3A_46 : i32
    %select_n3A_48 = arith.select %and3A_45, %sub3A_47, %div3A_26 : i32
    %sub3A_49 = arith.subi %select_n3A_48, %select_n3A : i32
    %mul3A_50 = arith.constant 8 : i32
    %mul3A_51 = arith.muli %sub3A_49, %mul3A_50 : i32
    "tpu.region"() ({
      %run_scoped3A_110 = tpu.sem_alloc : memref<!tpu.dma_semaphore, #tpu.memory_space<semaphore_mem>>
      tpu.enqueue_dma source(%arg5 : memref<128xf32, #tpu.memory_space<hbm>>) target(%arg16 : memref<128xf32, #tpu.memory_space<vmem>>) target_semaphore(%run_scoped3A_110 : memref<!tpu.dma_semaphore, #tpu.memory_space<semaphore_mem>>)
      tpu.wait_dma2 semaphore(%run_scoped3A_110 : memref<!tpu.dma_semaphore, #tpu.memory_space<semaphore_mem>>) src(%arg5 : memref<128xf32, #tpu.memory_space<hbm>>) dst(%arg16 : memref<128xf32, #tpu.memory_space<vmem>>)
      tpu.yield
    }) : () -> ()
    "tpu.region"() ({
      %run_scoped3A_110 = tpu.sem_alloc : memref<!tpu.dma_semaphore, #tpu.memory_space<semaphore_mem>>
      tpu.enqueue_dma source(%arg6 : memref<16xf32, #tpu.memory_space<hbm>>) target(%arg17 : memref<16xf32, #tpu.memory_space<vmem>>) target_semaphore(%run_scoped3A_110 : memref<!tpu.dma_semaphore, #tpu.memory_space<semaphore_mem>>)
      tpu.wait_dma2 semaphore(%run_scoped3A_110 : memref<!tpu.dma_semaphore, #tpu.memory_space<semaphore_mem>>) src(%arg6 : memref<16xf32, #tpu.memory_space<hbm>>) dst(%arg17 : memref<16xf32, #tpu.memory_space<vmem>>)
      tpu.yield
    }) : () -> ()
    %mul3A_52 = arith.constant 128 : i32
    %mul3A_53 = arith.muli %multiple_of3A, %mul3A_52 : i32
    %run_scoped3A = arith.constant 0 : i32
    "tpu.region"() ({
      %run_scoped3A_110 = tpu.sem_alloc : memref<!tpu.dma_semaphore, #tpu.memory_space<semaphore_mem>>
      %dma_start3A_111 = tpu.memref_slice %arg4[%run_scoped3A, %mul3A_53] : memref<2x323584xi32, #tpu.memory_space<hbm>> -> memref<1x10240xi32, #tpu.memory_space<hbm>>
      %dma_start3A_112 = tpu.memref_squeeze %dma_start3A_111 : memref<1x10240xi32, #tpu.memory_space<hbm>> -> memref<10240xi32, #tpu.memory_space<hbm>>
      %dma_start3A_113 = tpu.memref_slice %arg4[%run_scoped3A, %mul3A_53] : memref<2x323584xi32, #tpu.memory_space<hbm>> -> memref<1x10240xi32, #tpu.memory_space<hbm>>
      %dma_start3A_114 = tpu.memref_squeeze %dma_start3A_113 : memref<1x10240xi32, #tpu.memory_space<hbm>> -> memref<10240xi32, #tpu.memory_space<hbm>>
      tpu.enqueue_dma source(%dma_start3A_114 : memref<10240xi32, #tpu.memory_space<hbm>>) target(%arg8 : memref<10240xi32, #tpu.memory_space<vmem>>) target_semaphore(%run_scoped3A_110 : memref<!tpu.dma_semaphore, #tpu.memory_space<semaphore_mem>>)
      %dma_wait3A_115 = tpu.memref_slice %arg4[%run_scoped3A, %mul3A_53] : memref<2x323584xi32, #tpu.memory_space<hbm>> -> memref<1x10240xi32, #tpu.memory_space<hbm>>
      %dma_wait3A_116 = tpu.memref_squeeze %dma_wait3A_115 : memref<1x10240xi32, #tpu.memory_space<hbm>> -> memref<10240xi32, #tpu.memory_space<hbm>>
      %dma_wait3A_117 = tpu.memref_slice %arg4[%run_scoped3A, %mul3A_53] : memref<2x323584xi32, #tpu.memory_space<hbm>> -> memref<1x10240xi32, #tpu.memory_space<hbm>>
      %dma_wait3A_118 = tpu.memref_squeeze %dma_wait3A_117 : memref<1x10240xi32, #tpu.memory_space<hbm>> -> memref<10240xi32, #tpu.memory_space<hbm>>
      tpu.wait_dma2 semaphore(%run_scoped3A_110 : memref<!tpu.dma_semaphore, #tpu.memory_space<semaphore_mem>>) src(%dma_wait3A_118 : memref<10240xi32, #tpu.memory_space<hbm>>) dst(%arg8 : memref<10240xi32, #tpu.memory_space<vmem>>)
      tpu.yield
    }) : () -> ()
    %mul3A_54 = arith.constant 128 : i32
    %mul3A_55 = arith.muli %multiple_of3A, %mul3A_54 : i32
    %run_scoped3A_56 = arith.constant 1 : i32
    "tpu.region"() ({
      %run_scoped3A_110 = tpu.sem_alloc : memref<!tpu.dma_semaphore, #tpu.memory_space<semaphore_mem>>
      %dma_start3A_111 = tpu.memref_slice %arg4[%run_scoped3A_56, %mul3A_55] : memref<2x323584xi32, #tpu.memory_space<hbm>> -> memref<1x10240xi32, #tpu.memory_space<hbm>>
      %dma_start3A_112 = tpu.memref_squeeze %dma_start3A_111 : memref<1x10240xi32, #tpu.memory_space<hbm>> -> memref<10240xi32, #tpu.memory_space<hbm>>
      %dma_start3A_113 = tpu.memref_slice %arg4[%run_scoped3A_56, %mul3A_55] : memref<2x323584xi32, #tpu.memory_space<hbm>> -> memref<1x10240xi32, #tpu.memory_space<hbm>>
      %dma_start3A_114 = tpu.memref_squeeze %dma_start3A_113 : memref<1x10240xi32, #tpu.memory_space<hbm>> -> memref<10240xi32, #tpu.memory_space<hbm>>
      tpu.enqueue_dma source(%dma_start3A_114 : memref<10240xi32, #tpu.memory_space<hbm>>) target(%arg9 : memref<10240xi32, #tpu.memory_space<vmem>>) target_semaphore(%run_scoped3A_110 : memref<!tpu.dma_semaphore, #tpu.memory_space<semaphore_mem>>)
      %dma_wait3A_115 = tpu.memref_slice %arg4[%run_scoped3A_56, %mul3A_55] : memref<2x323584xi32, #tpu.memory_space<hbm>> -> memref<1x10240xi32, #tpu.memory_space<hbm>>
      %dma_wait3A_116 = tpu.memref_squeeze %dma_wait3A_115 : memref<1x10240xi32, #tpu.memory_space<hbm>> -> memref<10240xi32, #tpu.memory_space<hbm>>
      %dma_wait3A_117 = tpu.memref_slice %arg4[%run_scoped3A_56, %mul3A_55] : memref<2x323584xi32, #tpu.memory_space<hbm>> -> memref<1x10240xi32, #tpu.memory_space<hbm>>
      %dma_wait3A_118 = tpu.memref_squeeze %dma_wait3A_117 : memref<1x10240xi32, #tpu.memory_space<hbm>> -> memref<10240xi32, #tpu.memory_space<hbm>>
      tpu.wait_dma2 semaphore(%run_scoped3A_110 : memref<!tpu.dma_semaphore, #tpu.memory_space<semaphore_mem>>) src(%dma_wait3A_118 : memref<10240xi32, #tpu.memory_space<hbm>>) dst(%arg9 : memref<10240xi32, #tpu.memory_space<vmem>>)
      tpu.yield
    }) : () -> ()
    %get3A = arith.constant 0 : index
    %get3A_57 = tpu.vector_load %arg16[%get3A] {strides = array<i32>} : memref<128xf32, #tpu.memory_space<vmem>>, vector<16xf32>,
    %get3A_58 = vector.shape_cast %get3A_57 : vector<16xf32> to vector<16xf32>
    %get3A_59 = arith.constant 16 : index
    %get3A_60 = tpu.vector_load %arg16[%get3A_59] {strides = array<i32>} : memref<128xf32, #tpu.memory_space<vmem>>, vector<16xf32>,
    %get3A_61 = vector.shape_cast %get3A_60 : vector<16xf32> to vector<16xf32>
    %get3A_62 = arith.constant 32 : index
    %get3A_63 = tpu.vector_load %arg16[%get3A_62] {strides = array<i32>} : memref<128xf32, #tpu.memory_space<vmem>>, vector<16xf32>,
    %get3A_64 = vector.shape_cast %get3A_63 : vector<16xf32> to vector<16xf32>
    %get3A_65 = arith.constant 48 : index
    %get3A_66 = tpu.vector_load %arg16[%get3A_65] {strides = array<i32>} : memref<128xf32, #tpu.memory_space<vmem>>, vector<16xf32>,
    %get3A_67 = vector.shape_cast %get3A_66 : vector<16xf32> to vector<16xf32>
    %get3A_68 = arith.constant 64 : index
    %get3A_69 = tpu.vector_load %arg16[%get3A_68] {strides = array<i32>} : memref<128xf32, #tpu.memory_space<vmem>>, vector<16xf32>,
    %get3A_70 = vector.shape_cast %get3A_69 : vector<16xf32> to vector<16xf32>
    %get3A_71 = arith.constant 80 : index
    %get3A_72 = tpu.vector_load %arg16[%get3A_71] {strides = array<i32>} : memref<128xf32, #tpu.memory_space<vmem>>, vector<16xf32>,
    %get3A_73 = vector.shape_cast %get3A_72 : vector<16xf32> to vector<16xf32>
    %get3A_74 = arith.constant 96 : index
    %get3A_75 = tpu.vector_load %arg16[%get3A_74] {strides = array<i32>} : memref<128xf32, #tpu.memory_space<vmem>>, vector<16xf32>,
    %get3A_76 = vector.shape_cast %get3A_75 : vector<16xf32> to vector<16xf32>
    %get3A_77 = arith.constant 112 : index
    %get3A_78 = tpu.vector_load %arg16[%get3A_77] {strides = array<i32>} : memref<128xf32, #tpu.memory_space<vmem>>, vector<16xf32>,
    %get3A_79 = vector.shape_cast %get3A_78 : vector<16xf32> to vector<16xf32>
    %get3A_80 = arith.constant 0 : index
    %get3A_81 = tpu.vector_load %arg17[%get3A_80] {strides = array<i32>} : memref<16xf32, #tpu.memory_space<vmem>>, vector<16xf32>,
    %get3A_82 = vector.shape_cast %get3A_81 : vector<16xf32> to vector<16xf32>
    %dma_start3A = arith.constant 0 : i32
    %dma_start3A_83 = tpu.memref_slice %arg8[%dma_start3A] : memref<10240xi32, #tpu.memory_space<vmem>> -> memref<128xi32, #tpu.memory_space<vmem>>
    %dma_start3A_84 = arith.constant 0 : i32
    %dma_start3A_85 = arith.constant 0 : i32
    %dma_start3A_86 = tpu.memref_slice %arg2[%dma_start3A_84, %dma_start3A_85] : memref<10000x128xf32, #tpu.memory_space<hbm>> -> memref<10000x128xf32, #tpu.memory_space<hbm>>
    tpu.enqueue_indirect_dma source(%dma_start3A_86 : memref<10000x128xf32, #tpu.memory_space<hbm>>) target(%arg10 : memref<128x128xf32, #tpu.memory_space<vmem>>) offsets(%dma_start3A_83 : memref<128xi32, #tpu.memory_space<vmem>>) semaphore(%arg18 : memref<!tpu.dma_semaphore, #tpu.memory_space<semaphore_mem>>)
    %dma_start3A_87 = arith.constant 0 : i32
    %dma_start3A_88 = tpu.memref_slice %arg9[%dma_start3A_87] : memref<10240xi32, #tpu.memory_space<vmem>> -> memref<128xi32, #tpu.memory_space<vmem>>
    %dma_start3A_89 = arith.constant 0 : i32
    %dma_start3A_90 = arith.constant 0 : i32
    %dma_start3A_91 = tpu.memref_slice %arg3[%dma_start3A_89, %dma_start3A_90] : memref<10000x128xf32, #tpu.memory_space<hbm>> -> memref<10000x128xf32, #tpu.memory_space<hbm>>
    tpu.enqueue_indirect_dma source(%dma_start3A_91 : memref<10000x128xf32, #tpu.memory_space<hbm>>) target(%arg12 : memref<128x128xf32, #tpu.memory_space<vmem>>) offsets(%dma_start3A_88 : memref<128xi32, #tpu.memory_space<vmem>>) semaphore(%arg20 : memref<!tpu.dma_semaphore, #tpu.memory_space<semaphore_mem>>)
    %scan3A = arith.constant 0 : i32
    %scan3A_92 = arith.constant 0 : i32
    %scan3A_93 = arith.constant 40 : i32
    %scan3A_94 = arith.addi %scan3A_92, %scan3A_93 : i32
    %scan3A_95 = arith.constant 1 : i32
    scf.for %scan3A_110 = %scan3A_92 to %scan3A_94 step %scan3A_95  : i32 {
      %mul3A_111 = arith.constant 2 : i32
      %mul3A_112 = arith.muli %scan3A_110, %mul3A_111 : i32
      %add3A_113 = arith.constant 0 : i32
      %add3A_114 = arith.addi %mul3A_112, %add3A_113 : i32
      %add3A_115 = arith.constant 1 : i32
      %add3A_116 = arith.addi %add3A_114, %add3A_115 : i32
      %lt3A = arith.cmpi slt, %add3A_116, %mul3A_51 : i32
      %add3A_117 = arith.addi %multiple_of3A, %add3A_114 : i32
      %add3A_118 = arith.constant 1 : i32
      %add3A_119 = arith.addi %add3A_117, %add3A_118 : i32
      %lt3A_120 = arith.constant 2500 : i32
      %lt3A_121 = arith.cmpi slt, %add3A_119, %lt3A_120 : i32
      %and3A_122 = arith.andi %lt3A, %lt3A_121 : i1
      %convert_element_type3A = arith.extui %and3A_122 : i1 to i32
      %cond3A = arith.constant 0 : i32
      %cond3A_123 = arith.cmpi ne, %convert_element_type3A, %cond3A : i32
      scf.if %cond3A_123 {
        %add3A_156 = arith.constant 1 : i32
        %add3A_157 = arith.addi %add3A_114, %add3A_156 : i32
        %mul3A_158 = arith.constant 128 : i32
        %mul3A_159 = arith.muli %add3A_157, %mul3A_158 : i32
        %dma_start3A_160 = tpu.memref_slice %arg8[%mul3A_159] : memref<10240xi32, #tpu.memory_space<vmem>> -> memref<128xi32, #tpu.memory_space<vmem>>
        %dma_start3A_161 = arith.constant 0 : i32
        %dma_start3A_162 = arith.constant 0 : i32
        %dma_start3A_163 = tpu.memref_slice %arg2[%dma_start3A_161, %dma_start3A_162] : memref<10000x128xf32, #tpu.memory_space<hbm>> -> memref<10000x128xf32, #tpu.memory_space<hbm>>
        tpu.enqueue_indirect_dma source(%dma_start3A_163 : memref<10000x128xf32, #tpu.memory_space<hbm>>) target(%arg11 : memref<128x128xf32, #tpu.memory_space<vmem>>) offsets(%dma_start3A_160 : memref<128xi32, #tpu.memory_space<vmem>>) semaphore(%arg19 : memref<!tpu.dma_semaphore, #tpu.memory_space<semaphore_mem>>)
        %mul3A_164 = arith.constant 128 : i32
        %mul3A_165 = arith.muli %add3A_157, %mul3A_164 : i32
        %dma_start3A_166 = tpu.memref_slice %arg9[%mul3A_165] : memref<10240xi32, #tpu.memory_space<vmem>> -> memref<128xi32, #tpu.memory_space<vmem>>
        %dma_start3A_167 = arith.constant 0 : i32
        %dma_start3A_168 = arith.constant 0 : i32
        %dma_start3A_169 = tpu.memref_slice %arg3[%dma_start3A_167, %dma_start3A_168] : memref<10000x128xf32, #tpu.memory_space<hbm>> -> memref<10000x128xf32, #tpu.memory_space<hbm>>
        tpu.enqueue_indirect_dma source(%dma_start3A_169 : memref<10000x128xf32, #tpu.memory_space<hbm>>) target(%arg13 : memref<128x128xf32, #tpu.memory_space<vmem>>) offsets(%dma_start3A_166 : memref<128xi32, #tpu.memory_space<vmem>>) semaphore(%arg21 : memref<!tpu.dma_semaphore, #tpu.memory_space<semaphore_mem>>)
      } else {
      }
      %lt3A_124 = arith.cmpi slt, %add3A_114, %mul3A_51 : i32
      %add3A_125 = arith.addi %multiple_of3A, %add3A_114 : i32
      %lt3A_126 = arith.constant 2500 : i32
      %lt3A_127 = arith.cmpi slt, %add3A_125, %lt3A_126 : i32
      %and3A_128 = arith.andi %lt3A_124, %lt3A_127 : i1
      %convert_element_type3A_129 = arith.extui %and3A_128 : i1 to i32
      %cond3A_130 = arith.constant 0 : i32
      %cond3A_131 = arith.cmpi ne, %convert_element_type3A_129, %cond3A_130 : i32
      scf.if %cond3A_131 {
        %mul3A_156 = arith.constant 128 : i32
        %mul3A_157 = arith.muli %add3A_114, %mul3A_156 : i32
        %dma_wait3A_158 = tpu.memref_slice %arg8[%mul3A_157] : memref<10240xi32, #tpu.memory_space<vmem>> -> memref<128xi32, #tpu.memory_space<vmem>>
        %dma_wait3A_159 = arith.constant 0 : i32
        %dma_wait3A_160 = arith.constant 0 : i32
        %dma_wait3A_161 = tpu.memref_slice %arg2[%dma_wait3A_159, %dma_wait3A_160] : memref<10000x128xf32, #tpu.memory_space<hbm>> -> memref<10000x128xf32, #tpu.memory_space<hbm>>
        tpu.wait_indirect_dma semaphore(%arg18 : memref<!tpu.dma_semaphore, #tpu.memory_space<semaphore_mem>>) src(%dma_wait3A_161 : memref<10000x128xf32, #tpu.memory_space<hbm>>) dst(%arg10 : memref<128x128xf32, #tpu.memory_space<vmem>>)
        %mul3A_162 = arith.constant 128 : i32
        %mul3A_163 = arith.muli %add3A_114, %mul3A_162 : i32
        %dma_wait3A_164 = tpu.memref_slice %arg9[%mul3A_163] : memref<10240xi32, #tpu.memory_space<vmem>> -> memref<128xi32, #tpu.memory_space<vmem>>
        %dma_wait3A_165 = arith.constant 0 : i32
        %dma_wait3A_166 = arith.constant 0 : i32
        %dma_wait3A_167 = tpu.memref_slice %arg3[%dma_wait3A_165, %dma_wait3A_166] : memref<10000x128xf32, #tpu.memory_space<hbm>> -> memref<10000x128xf32, #tpu.memory_space<hbm>>
        tpu.wait_indirect_dma semaphore(%arg20 : memref<!tpu.dma_semaphore, #tpu.memory_space<semaphore_mem>>) src(%dma_wait3A_167 : memref<10000x128xf32, #tpu.memory_space<hbm>>) dst(%arg12 : memref<128x128xf32, #tpu.memory_space<vmem>>)
        %ge3A = arith.constant 2 : i32
        %ge3A_168 = arith.cmpi sge, %add3A_114, %ge3A : i32
        %convert_element_type3A_169 = arith.extui %ge3A_168 : i1 to i32
        %cond3A_170 = arith.constant 0 : i32
        %cond3A_171 = arith.cmpi ne, %convert_element_type3A_169, %cond3A_170 : i32
        scf.if %cond3A_171 {
          %dma_wait3A_185 = arith.constant 0 : i32
          %dma_wait3A_186 = arith.constant 0 : i32
          %dma_wait3A_187 = tpu.memref_slice %arg7[%dma_wait3A_185, %dma_wait3A_186] : memref<2500x2048xf32, #tpu.memory_space<hbm>> -> memref<1x2048xf32, #tpu.memory_space<hbm>>
          %dma_wait3A_188 = tpu.memref_squeeze %dma_wait3A_187 : memref<1x2048xf32, #tpu.memory_space<hbm>> -> memref<2048xf32, #tpu.memory_space<hbm>>
          %dma_wait3A_189 = arith.constant 0 : i32
          %dma_wait3A_190 = tpu.memref_slice %arg7[%dma_wait3A_185, %dma_wait3A_189] : memref<2500x2048xf32, #tpu.memory_space<hbm>> -> memref<1x2048xf32, #tpu.memory_space<hbm>>
          %dma_wait3A_191 = tpu.memref_squeeze %dma_wait3A_190 : memref<1x2048xf32, #tpu.memory_space<hbm>> -> memref<2048xf32, #tpu.memory_space<hbm>>
          tpu.wait_dma2 semaphore(%arg22 : memref<!tpu.dma_semaphore, #tpu.memory_space<semaphore_mem>>) src(%dma_wait3A_191 : memref<2048xf32, #tpu.memory_space<hbm>>) dst(%arg14 : memref<2048xf32, #tpu.memory_space<vmem>>)
        } else {
        }
        %scan3A_172 = arith.constant 0 : i32
        %scan3A_173 = arith.constant 0 : i32
        %scan3A_174 = arith.constant 16 : i32
        %scan3A_175 = arith.addi %scan3A_173, %scan3A_174 : i32
        %scan3A_176 = arith.constant 1 : i32
        scf.for %scan3A_185 = %scan3A_173 to %scan3A_175 step %scan3A_176  : i32 {
          %mul3A_186 = arith.constant 8 : i32
          %mul3A_187 = arith.muli %scan3A_185, %mul3A_186 : i32
          %add3A_188 = arith.constant 0 : i32
          %add3A_189 = arith.addi %mul3A_187, %add3A_188 : i32
          %get3A_190 = arith.index_cast %add3A_189 : i32 to index
          %get3A_191 = arith.constant 0 : index
          %get3A_192 = tpu.vector_load %arg10[%get3A_190, %get3A_191] {strides = array<i32>} : memref<128x128xf32, #tpu.memory_space<vmem>>, vector<1x16xf32>,
          %get3A_193 = vector.shape_cast %get3A_192 : vector<1x16xf32> to vector<16xf32>
          %get3A_194 = arith.index_cast %add3A_189 : i32 to index
          %get3A_195 = arith.constant 0 : index
          %get3A_196 = tpu.vector_load %arg12[%get3A_194, %get3A_195] {strides = array<i32>} : memref<128x128xf32, #tpu.memory_space<vmem>>, vector<1x16xf32>,
          %get3A_197 = vector.shape_cast %get3A_196 : vector<1x16xf32> to vector<16xf32>
          %add3A_198 = arith.addf %get3A_193, %get3A_197 : vector<16xf32>
          %max3A = arith.constant 0.000000e+00 : f32
          %max3A_199 = vector.broadcast %max3A : f32 to vector<16xf32>
          %max3A_200 = arith.maximumf %add3A_198, %max3A_199 : vector<16xf32>
          %mul3A_201 = arith.mulf %max3A_200, %get3A_58 : vector<16xf32>
          %add3A_202 = arith.addf %get3A_82, %mul3A_201 : vector<16xf32>
          %get3A_203 = arith.index_cast %add3A_189 : i32 to index
          %get3A_204 = arith.constant 16 : index
          %get3A_205 = tpu.vector_load %arg10[%get3A_203, %get3A_204] {strides = array<i32>} : memref<128x128xf32, #tpu.memory_space<vmem>>, vector<1x16xf32>,
          %get3A_206 = vector.shape_cast %get3A_205 : vector<1x16xf32> to vector<16xf32>
          %get3A_207 = arith.index_cast %add3A_189 : i32 to index
          %get3A_208 = arith.constant 16 : index
          %get3A_209 = tpu.vector_load %arg12[%get3A_207, %get3A_208] {strides = array<i32>} : memref<128x128xf32, #tpu.memory_space<vmem>>, vector<1x16xf32>,
          %get3A_210 = vector.shape_cast %get3A_209 : vector<1x16xf32> to vector<16xf32>
          %add3A_211 = arith.addf %get3A_206, %get3A_210 : vector<16xf32>
          %max3A_212 = arith.constant 0.000000e+00 : f32
          %max3A_213 = vector.broadcast %max3A_212 : f32 to vector<16xf32>
          %max3A_214 = arith.maximumf %add3A_211, %max3A_213 : vector<16xf32>
          %mul3A_215 = arith.mulf %max3A_214, %get3A_61 : vector<16xf32>
          %add3A_216 = arith.addf %add3A_202, %mul3A_215 : vector<16xf32>
          %get3A_217 = arith.index_cast %add3A_189 : i32 to index
          %get3A_218 = arith.constant 32 : index
          %get3A_219 = tpu.vector_load %arg10[%get3A_217, %get3A_218] {strides = array<i32>} : memref<128x128xf32, #tpu.memory_space<vmem>>, vector<1x16xf32>,
          %get3A_220 = vector.shape_cast %get3A_219 : vector<1x16xf32> to vector<16xf32>
          %get3A_221 = arith.index_cast %add3A_189 : i32 to index
          %get3A_222 = arith.constant 32 : index
          %get3A_223 = tpu.vector_load %arg12[%get3A_221, %get3A_222] {strides = array<i32>} : memref<128x128xf32, #tpu.memory_space<vmem>>, vector<1x16xf32>,
          %get3A_224 = vector.shape_cast %get3A_223 : vector<1x16xf32> to vector<16xf32>
          %add3A_225 = arith.addf %get3A_220, %get3A_224 : vector<16xf32>
          %max3A_226 = arith.constant 0.000000e+00 : f32
          %max3A_227 = vector.broadcast %max3A_226 : f32 to vector<16xf32>
          %max3A_228 = arith.maximumf %add3A_225, %max3A_227 : vector<16xf32>
          %mul3A_229 = arith.mulf %max3A_228, %get3A_64 : vector<16xf32>
          %add3A_230 = arith.addf %add3A_216, %mul3A_229 : vector<16xf32>
          %get3A_231 = arith.index_cast %add3A_189 : i32 to index
          %get3A_232 = arith.constant 48 : index
          %get3A_233 = tpu.vector_load %arg10[%get3A_231, %get3A_232] {strides = array<i32>} : memref<128x128xf32, #tpu.memory_space<vmem>>, vector<1x16xf32>,
          %get3A_234 = vector.shape_cast %get3A_233 : vector<1x16xf32> to vector<16xf32>
          %get3A_235 = arith.index_cast %add3A_189 : i32 to index
          %get3A_236 = arith.constant 48 : index
          %get3A_237 = tpu.vector_load %arg12[%get3A_235, %get3A_236] {strides = array<i32>} : memref<128x128xf32, #tpu.memory_space<vmem>>, vector<1x16xf32>,
          %get3A_238 = vector.shape_cast %get3A_237 : vector<1x16xf32> to vector<16xf32>
          %add3A_239 = arith.addf %get3A_234, %get3A_238 : vector<16xf32>
          %max3A_240 = arith.constant 0.000000e+00 : f32
          %max3A_241 = vector.broadcast %max3A_240 : f32 to vector<16xf32>
          %max3A_242 = arith.maximumf %add3A_239, %max3A_241 : vector<16xf32>
          %mul3A_243 = arith.mulf %max3A_242, %get3A_67 : vector<16xf32>
          %add3A_244 = arith.addf %add3A_230, %mul3A_243 : vector<16xf32>
          %get3A_245 = arith.index_cast %add3A_189 : i32 to index
          %get3A_246 = arith.constant 64 : index
          %get3A_247 = tpu.vector_load %arg10[%get3A_245, %get3A_246] {strides = array<i32>} : memref<128x128xf32, #tpu.memory_space<vmem>>, vector<1x16xf32>,
          %get3A_248 = vector.shape_cast %get3A_247 : vector<1x16xf32> to vector<16xf32>
          %get3A_249 = arith.index_cast %add3A_189 : i32 to index
          %get3A_250 = arith.constant 64 : index
          %get3A_251 = tpu.vector_load %arg12[%get3A_249, %get3A_250] {strides = array<i32>} : memref<128x128xf32, #tpu.memory_space<vmem>>, vector<1x16xf32>,
          %get3A_252 = vector.shape_cast %get3A_251 : vector<1x16xf32> to vector<16xf32>
          %add3A_253 = arith.addf %get3A_248, %get3A_252 : vector<16xf32>
          %max3A_254 = arith.constant 0.000000e+00 : f32
          %max3A_255 = vector.broadcast %max3A_254 : f32 to vector<16xf32>
          %max3A_256 = arith.maximumf %add3A_253, %max3A_255 : vector<16xf32>
          %mul3A_257 = arith.mulf %max3A_256, %get3A_70 : vector<16xf32>
          %add3A_258 = arith.addf %add3A_244, %mul3A_257 : vector<16xf32>
          %get3A_259 = arith.index_cast %add3A_189 : i32 to index
          %get3A_260 = arith.constant 80 : index
          %get3A_261 = tpu.vector_load %arg10[%get3A_259, %get3A_260] {strides = array<i32>} : memref<128x128xf32, #tpu.memory_space<vmem>>, vector<1x16xf32>,
          %get3A_262 = vector.shape_cast %get3A_261 : vector<1x16xf32> to vector<16xf32>
          %get3A_263 = arith.index_cast %add3A_189 : i32 to index
          %get3A_264 = arith.constant 80 : index
          %get3A_265 = tpu.vector_load %arg12[%get3A_263, %get3A_264] {strides = array<i32>} : memref<128x128xf32, #tpu.memory_space<vmem>>, vector<1x16xf32>,
          %get3A_266 = vector.shape_cast %get3A_265 : vector<1x16xf32> to vector<16xf32>
          %add3A_267 = arith.addf %get3A_262, %get3A_266 : vector<16xf32>
          %max3A_268 = arith.constant 0.000000e+00 : f32
          %max3A_269 = vector.broadcast %max3A_268 : f32 to vector<16xf32>
          %max3A_270 = arith.maximumf %add3A_267, %max3A_269 : vector<16xf32>
          %mul3A_271 = arith.mulf %max3A_270, %get3A_73 : vector<16xf32>
          %add3A_272 = arith.addf %add3A_258, %mul3A_271 : vector<16xf32>
          %get3A_273 = arith.index_cast %add3A_189 : i32 to index
          %get3A_274 = arith.constant 96 : index
          %get3A_275 = tpu.vector_load %arg10[%get3A_273, %get3A_274] {strides = array<i32>} : memref<128x128xf32, #tpu.memory_space<vmem>>, vector<1x16xf32>,
          %get3A_276 = vector.shape_cast %get3A_275 : vector<1x16xf32> to vector<16xf32>
          %get3A_277 = arith.index_cast %add3A_189 : i32 to index
          %get3A_278 = arith.constant 96 : index
          %get3A_279 = tpu.vector_load %arg12[%get3A_277, %get3A_278] {strides = array<i32>} : memref<128x128xf32, #tpu.memory_space<vmem>>, vector<1x16xf32>,
          %get3A_280 = vector.shape_cast %get3A_279 : vector<1x16xf32> to vector<16xf32>
          %add3A_281 = arith.addf %get3A_276, %get3A_280 : vector<16xf32>
          %max3A_282 = arith.constant 0.000000e+00 : f32
          %max3A_283 = vector.broadcast %max3A_282 : f32 to vector<16xf32>
          %max3A_284 = arith.maximumf %add3A_281, %max3A_283 : vector<16xf32>
          %mul3A_285 = arith.mulf %max3A_284, %get3A_76 : vector<16xf32>
          %add3A_286 = arith.addf %add3A_272, %mul3A_285 : vector<16xf32>
          %get3A_287 = arith.index_cast %add3A_189 : i32 to index
          %get3A_288 = arith.constant 112 : index
          %get3A_289 = tpu.vector_load %arg10[%get3A_287, %get3A_288] {strides = array<i32>} : memref<128x128xf32, #tpu.memory_space<vmem>>, vector<1x16xf32>,
          %get3A_290 = vector.shape_cast %get3A_289 : vector<1x16xf32> to vector<16xf32>
          %get3A_291 = arith.index_cast %add3A_189 : i32 to index
          %get3A_292 = arith.constant 112 : index
          %get3A_293 = tpu.vector_load %arg12[%get3A_291, %get3A_292] {strides = array<i32>} : memref<128x128xf32, #tpu.memory_space<vmem>>, vector<1x16xf32>,
          %get3A_294 = vector.shape_cast %get3A_293 : vector<1x16xf32> to vector<16xf32>
          %add3A_295 = arith.addf %get3A_290, %get3A_294 : vector<16xf32>
          %max3A_296 = arith.constant 0.000000e+00 : f32
          %max3A_297 = vector.broadcast %max3A_296 : f32 to vector<16xf32>
          %max3A_298 = arith.maximumf %add3A_295, %max3A_297 : vector<16xf32>
          %mul3A_299 = arith.mulf %max3A_298, %get3A_79 : vector<16xf32>
          %add3A_300 = arith.addf %add3A_286, %mul3A_299 : vector<16xf32>
          %mul3A_301 = arith.constant 16 : i32
          %mul3A_302 = arith.muli %add3A_189, %mul3A_301 : i32
          %swap3A = arith.index_cast %mul3A_302 : i32 to index
          %swap3A_303 = tpu.vector_load %arg14[%swap3A] {strides = array<i32>} : memref<2048xf32, #tpu.memory_space<vmem>>, vector<16xf32>,
          %swap3A_304 = vector.shape_cast %swap3A_303 : vector<16xf32> to vector<16xf32>
          %swap3A_305 = vector.shape_cast %add3A_300 : vector<16xf32> to vector<16xf32>
          tpu.vector_store %arg14[%swap3A], %swap3A_305 {strides = array<i32>} : memref<2048xf32, #tpu.memory_space<vmem>>, vector<16xf32>,
          %mul3A_306 = arith.constant 8 : i32
          %mul3A_307 = arith.muli %scan3A_185, %mul3A_306 : i32
          %add3A_308 = arith.constant 1 : i32
          %add3A_309 = arith.addi %mul3A_307, %add3A_308 : i32
          %get3A_310 = arith.index_cast %add3A_309 : i32 to index
          %get3A_311 = arith.constant 0 : index
          %get3A_312 = tpu.vector_load %arg10[%get3A_310, %get3A_311] {strides = array<i32>} : memref<128x128xf32, #tpu.memory_space<vmem>>, vector<1x16xf32>,
          %get3A_313 = vector.shape_cast %get3A_312 : vector<1x16xf32> to vector<16xf32>
          %get3A_314 = arith.index_cast %add3A_309 : i32 to index
          %get3A_315 = arith.constant 0 : index
          %get3A_316 = tpu.vector_load %arg12[%get3A_314, %get3A_315] {strides = array<i32>} : memref<128x128xf32, #tpu.memory_space<vmem>>, vector<1x16xf32>,
          %get3A_317 = vector.shape_cast %get3A_316 : vector<1x16xf32> to vector<16xf32>
          %add3A_318 = arith.addf %get3A_313, %get3A_317 : vector<16xf32>
          %max3A_319 = arith.constant 0.000000e+00 : f32
          %max3A_320 = vector.broadcast %max3A_319 : f32 to vector<16xf32>
          %max3A_321 = arith.maximumf %add3A_318, %max3A_320 : vector<16xf32>
          %mul3A_322 = arith.mulf %max3A_321, %get3A_58 : vector<16xf32>
          %add3A_323 = arith.addf %get3A_82, %mul3A_322 : vector<16xf32>
          %get3A_324 = arith.index_cast %add3A_309 : i32 to index
          %get3A_325 = arith.constant 16 : index
          %get3A_326 = tpu.vector_load %arg10[%get3A_324, %get3A_325] {strides = array<i32>} : memref<128x128xf32, #tpu.memory_space<vmem>>, vector<1x16xf32>,
          %get3A_327 = vector.shape_cast %get3A_326 : vector<1x16xf32> to vector<16xf32>
          %get3A_328 = arith.index_cast %add3A_309 : i32 to index
          %get3A_329 = arith.constant 16 : index
          %get3A_330 = tpu.vector_load %arg12[%get3A_328, %get3A_329] {strides = array<i32>} : memref<128x128xf32, #tpu.memory_space<vmem>>, vector<1x16xf32>,
          %get3A_331 = vector.shape_cast %get3A_330 : vector<1x16xf32> to vector<16xf32>
          %add3A_332 = arith.addf %get3A_327, %get3A_331 : vector<16xf32>
          %max3A_333 = arith.constant 0.000000e+00 : f32
          %max3A_334 = vector.broadcast %max3A_333 : f32 to vector<16xf32>
          %max3A_335 = arith.maximumf %add3A_332, %max3A_334 : vector<16xf32>
          %mul3A_336 = arith.mulf %max3A_335, %get3A_61 : vector<16xf32>
          %add3A_337 = arith.addf %add3A_323, %mul3A_336 : vector<16xf32>
          %get3A_338 = arith.index_cast %add3A_309 : i32 to index
          %get3A_339 = arith.constant 32 : index
          %get3A_340 = tpu.vector_load %arg10[%get3A_338, %get3A_339] {strides = array<i32>} : memref<128x128xf32, #tpu.memory_space<vmem>>, vector<1x16xf32>,
          %get3A_341 = vector.shape_cast %get3A_340 : vector<1x16xf32> to vector<16xf32>
          %get3A_342 = arith.index_cast %add3A_309 : i32 to index
          %get3A_343 = arith.constant 32 : index
          %get3A_344 = tpu.vector_load %arg12[%get3A_342, %get3A_343] {strides = array<i32>} : memref<128x128xf32, #tpu.memory_space<vmem>>, vector<1x16xf32>,
          %get3A_345 = vector.shape_cast %get3A_344 : vector<1x16xf32> to vector<16xf32>
          %add3A_346 = arith.addf %get3A_341, %get3A_345 : vector<16xf32>
          %max3A_347 = arith.constant 0.000000e+00 : f32
          %max3A_348 = vector.broadcast %max3A_347 : f32 to vector<16xf32>
          %max3A_349 = arith.maximumf %add3A_346, %max3A_348 : vector<16xf32>
          %mul3A_350 = arith.mulf %max3A_349, %get3A_64 : vector<16xf32>
          %add3A_351 = arith.addf %add3A_337, %mul3A_350 : vector<16xf32>
          %get3A_352 = arith.index_cast %add3A_309 : i32 to index
          %get3A_353 = arith.constant 48 : index
          %get3A_354 = tpu.vector_load %arg10[%get3A_352, %get3A_353] {strides = array<i32>} : memref<128x128xf32, #tpu.memory_space<vmem>>, vector<1x16xf32>,
          %get3A_355 = vector.shape_cast %get3A_354 : vector<1x16xf32> to vector<16xf32>
          %get3A_356 = arith.index_cast %add3A_309 : i32 to index
          %get3A_357 = arith.constant 48 : index
          %get3A_358 = tpu.vector_load %arg12[%get3A_356, %get3A_357] {strides = array<i32>} : memref<128x128xf32, #tpu.memory_space<vmem>>, vector<1x16xf32>,
          %get3A_359 = vector.shape_cast %get3A_358 : vector<1x16xf32> to vector<16xf32>
          %add3A_360 = arith.addf %get3A_355, %get3A_359 : vector<16xf32>
          %max3A_361 = arith.constant 0.000000e+00 : f32
          %max3A_362 = vector.broadcast %max3A_361 : f32 to vector<16xf32>
          %max3A_363 = arith.maximumf %add3A_360, %max3A_362 : vector<16xf32>
          %mul3A_364 = arith.mulf %max3A_363, %get3A_67 : vector<16xf32>
          %add3A_365 = arith.addf %add3A_351, %mul3A_364 : vector<16xf32>
          %get3A_366 = arith.index_cast %add3A_309 : i32 to index
          %get3A_367 = arith.constant 64 : index
          %get3A_368 = tpu.vector_load %arg10[%get3A_366, %get3A_367] {strides = array<i32>} : memref<128x128xf32, #tpu.memory_space<vmem>>, vector<1x16xf32>,
          %get3A_369 = vector.shape_cast %get3A_368 : vector<1x16xf32> to vector<16xf32>
          %get3A_370 = arith.index_cast %add3A_309 : i32 to index
          %get3A_371 = arith.constant 64 : index
          %get3A_372 = tpu.vector_load %arg12[%get3A_370, %get3A_371] {strides = array<i32>} : memref<128x128xf32, #tpu.memory_space<vmem>>, vector<1x16xf32>,
          %get3A_373 = vector.shape_cast %get3A_372 : vector<1x16xf32> to vector<16xf32>
          %add3A_374 = arith.addf %get3A_369, %get3A_373 : vector<16xf32>
          %max3A_375 = arith.constant 0.000000e+00 : f32
          %max3A_376 = vector.broadcast %max3A_375 : f32 to vector<16xf32>
          %max3A_377 = arith.maximumf %add3A_374, %max3A_376 : vector<16xf32>
          %mul3A_378 = arith.mulf %max3A_377, %get3A_70 : vector<16xf32>
          %add3A_379 = arith.addf %add3A_365, %mul3A_378 : vector<16xf32>
          %get3A_380 = arith.index_cast %add3A_309 : i32 to index
          %get3A_381 = arith.constant 80 : index
          %get3A_382 = tpu.vector_load %arg10[%get3A_380, %get3A_381] {strides = array<i32>} : memref<128x128xf32, #tpu.memory_space<vmem>>, vector<1x16xf32>,
          %get3A_383 = vector.shape_cast %get3A_382 : vector<1x16xf32> to vector<16xf32>
          %get3A_384 = arith.index_cast %add3A_309 : i32 to index
          %get3A_385 = arith.constant 80 : index
          %get3A_386 = tpu.vector_load %arg12[%get3A_384, %get3A_385] {strides = array<i32>} : memref<128x128xf32, #tpu.memory_space<vmem>>, vector<1x16xf32>,
          %get3A_387 = vector.shape_cast %get3A_386 : vector<1x16xf32> to vector<16xf32>
          %add3A_388 = arith.addf %get3A_383, %get3A_387 : vector<16xf32>
          %max3A_389 = arith.constant 0.000000e+00 : f32
          %max3A_390 = vector.broadcast %max3A_389 : f32 to vector<16xf32>
          %max3A_391 = arith.maximumf %add3A_388, %max3A_390 : vector<16xf32>
          %mul3A_392 = arith.mulf %max3A_391, %get3A_73 : vector<16xf32>
          %add3A_393 = arith.addf %add3A_379, %mul3A_392 : vector<16xf32>
          %get3A_394 = arith.index_cast %add3A_309 : i32 to index
          %get3A_395 = arith.constant 96 : index
          %get3A_396 = tpu.vector_load %arg10[%get3A_394, %get3A_395] {strides = array<i32>} : memref<128x128xf32, #tpu.memory_space<vmem>>, vector<1x16xf32>,
          %get3A_397 = vector.shape_cast %get3A_396 : vector<1x16xf32> to vector<16xf32>
          %get3A_398 = arith.index_cast %add3A_309 : i32 to index
          %get3A_399 = arith.constant 96 : index
          %get3A_400 = tpu.vector_load %arg12[%get3A_398, %get3A_399] {strides = array<i32>} : memref<128x128xf32, #tpu.memory_space<vmem>>, vector<1x16xf32>,
          %get3A_401 = vector.shape_cast %get3A_400 : vector<1x16xf32> to vector<16xf32>
          %add3A_402 = arith.addf %get3A_397, %get3A_401 : vector<16xf32>
          %max3A_403 = arith.constant 0.000000e+00 : f32
          %max3A_404 = vector.broadcast %max3A_403 : f32 to vector<16xf32>
          %max3A_405 = arith.maximumf %add3A_402, %max3A_404 : vector<16xf32>
          %mul3A_406 = arith.mulf %max3A_405, %get3A_76 : vector<16xf32>
          %add3A_407 = arith.addf %add3A_393, %mul3A_406 : vector<16xf32>
          %get3A_408 = arith.index_cast %add3A_309 : i32 to index
          %get3A_409 = arith.constant 112 : index
          %get3A_410 = tpu.vector_load %arg10[%get3A_408, %get3A_409] {strides = array<i32>} : memref<128x128xf32, #tpu.memory_space<vmem>>, vector<1x16xf32>,
          %get3A_411 = vector.shape_cast %get3A_410 : vector<1x16xf32> to vector<16xf32>
          %get3A_412 = arith.index_cast %add3A_309 : i32 to index
          %get3A_413 = arith.constant 112 : index
          %get3A_414 = tpu.vector_load %arg12[%get3A_412, %get3A_413] {strides = array<i32>} : memref<128x128xf32, #tpu.memory_space<vmem>>, vector<1x16xf32>,
          %get3A_415 = vector.shape_cast %get3A_414 : vector<1x16xf32> to vector<16xf32>
          %add3A_416 = arith.addf %get3A_411, %get3A_415 : vector<16xf32>
          %max3A_417 = arith.constant 0.000000e+00 : f32
          %max3A_418 = vector.broadcast %max3A_417 : f32 to vector<16xf32>
          %max3A_419 = arith.maximumf %add3A_416, %max3A_418 : vector<16xf32>
          %mul3A_420 = arith.mulf %max3A_419, %get3A_79 : vector<16xf32>
          %add3A_421 = arith.addf %add3A_407, %mul3A_420 : vector<16xf32>
          %mul3A_422 = arith.constant 16 : i32
          %mul3A_423 = arith.muli %add3A_309, %mul3A_422 : i32
          %swap3A_424 = arith.index_cast %mul3A_423 : i32 to index
          %swap3A_425 = tpu.vector_load %arg14[%swap3A_424] {strides = array<i32>} : memref<2048xf32, #tpu.memory_space<vmem>>, vector<16xf32>,
          %swap3A_426 = vector.shape_cast %swap3A_425 : vector<16xf32> to vector<16xf32>
          %swap3A_427 = vector.shape_cast %add3A_421 : vector<16xf32> to vector<16xf32>
          tpu.vector_store %arg14[%swap3A_424], %swap3A_427 {strides = array<i32>} : memref<2048xf32, #tpu.memory_space<vmem>>, vector<16xf32>,
          %mul3A_428 = arith.constant 8 : i32
          %mul3A_429 = arith.muli %scan3A_185, %mul3A_428 : i32
          %add3A_430 = arith.constant 2 : i32
          %add3A_431 = arith.addi %mul3A_429, %add3A_430 : i32
          %get3A_432 = arith.index_cast %add3A_431 : i32 to index
          %get3A_433 = arith.constant 0 : index
          %get3A_434 = tpu.vector_load %arg10[%get3A_432, %get3A_433] {strides = array<i32>} : memref<128x128xf32, #tpu.memory_space<vmem>>, vector<1x16xf32>,
          %get3A_435 = vector.shape_cast %get3A_434 : vector<1x16xf32> to vector<16xf32>
          %get3A_436 = arith.index_cast %add3A_431 : i32 to index
          %get3A_437 = arith.constant 0 : index
          %get3A_438 = tpu.vector_load %arg12[%get3A_436, %get3A_437] {strides = array<i32>} : memref<128x128xf32, #tpu.memory_space<vmem>>, vector<1x16xf32>,
          %get3A_439 = vector.shape_cast %get3A_438 : vector<1x16xf32> to vector<16xf32>
          %add3A_440 = arith.addf %get3A_435, %get3A_439 : vector<16xf32>
          %max3A_441 = arith.constant 0.000000e+00 : f32
          %max3A_442 = vector.broadcast %max3A_441 : f32 to vector<16xf32>
          %max3A_443 = arith.maximumf %add3A_440, %max3A_442 : vector<16xf32>
          %mul3A_444 = arith.mulf %max3A_443, %get3A_58 : vector<16xf32>
          %add3A_445 = arith.addf %get3A_82, %mul3A_444 : vector<16xf32>
          %get3A_446 = arith.index_cast %add3A_431 : i32 to index
          %get3A_447 = arith.constant 16 : index
          %get3A_448 = tpu.vector_load %arg10[%get3A_446, %get3A_447] {strides = array<i32>} : memref<128x128xf32, #tpu.memory_space<vmem>>, vector<1x16xf32>,
          %get3A_449 = vector.shape_cast %get3A_448 : vector<1x16xf32> to vector<16xf32>
          %get3A_450 = arith.index_cast %add3A_431 : i32 to index
          %get3A_451 = arith.constant 16 : index
          %get3A_452 = tpu.vector_load %arg12[%get3A_450, %get3A_451] {strides = array<i32>} : memref<128x128xf32, #tpu.memory_space<vmem>>, vector<1x16xf32>,
          %get3A_453 = vector.shape_cast %get3A_452 : vector<1x16xf32> to vector<16xf32>
          %add3A_454 = arith.addf %get3A_449, %get3A_453 : vector<16xf32>
          %max3A_455 = arith.constant 0.000000e+00 : f32
          %max3A_456 = vector.broadcast %max3A_455 : f32 to vector<16xf32>
          %max3A_457 = arith.maximumf %add3A_454, %max3A_456 : vector<16xf32>
          %mul3A_458 = arith.mulf %max3A_457, %get3A_61 : vector<16xf32>
          %add3A_459 = arith.addf %add3A_445, %mul3A_458 : vector<16xf32>
          %get3A_460 = arith.index_cast %add3A_431 : i32 to index
          %get3A_461 = arith.constant 32 : index
          %get3A_462 = tpu.vector_load %arg10[%get3A_460, %get3A_461] {strides = array<i32>} : memref<128x128xf32, #tpu.memory_space<vmem>>, vector<1x16xf32>,
          %get3A_463 = vector.shape_cast %get3A_462 : vector<1x16xf32> to vector<16xf32>
          %get3A_464 = arith.index_cast %add3A_431 : i32 to index
          %get3A_465 = arith.constant 32 : index
          %get3A_466 = tpu.vector_load %arg12[%get3A_464, %get3A_465] {strides = array<i32>} : memref<128x128xf32, #tpu.memory_space<vmem>>, vector<1x16xf32>,
          %get3A_467 = vector.shape_cast %get3A_466 : vector<1x16xf32> to vector<16xf32>
          %add3A_468 = arith.addf %get3A_463, %get3A_467 : vector<16xf32>
          %max3A_469 = arith.constant 0.000000e+00 : f32
          %max3A_470 = vector.broadcast %max3A_469 : f32 to vector<16xf32>
          %max3A_471 = arith.maximumf %add3A_468, %max3A_470 : vector<16xf32>
          %mul3A_472 = arith.mulf %max3A_471, %get3A_64 : vector<16xf32>
          %add3A_473 = arith.addf %add3A_459, %mul3A_472 : vector<16xf32>
          %get3A_474 = arith.index_cast %add3A_431 : i32 to index
          %get3A_475 = arith.constant 48 : index
          %get3A_476 = tpu.vector_load %arg10[%get3A_474, %get3A_475] {strides = array<i32>} : memref<128x128xf32, #tpu.memory_space<vmem>>, vector<1x16xf32>,
          %get3A_477 = vector.shape_cast %get3A_476 : vector<1x16xf32> to vector<16xf32>
          %get3A_478 = arith.index_cast %add3A_431 : i32 to index
          %get3A_479 = arith.constant 48 : index
          %get3A_480 = tpu.vector_load %arg12[%get3A_478, %get3A_479] {strides = array<i32>} : memref<128x128xf32, #tpu.memory_space<vmem>>, vector<1x16xf32>,
          %get3A_481 = vector.shape_cast %get3A_480 : vector<1x16xf32> to vector<16xf32>
          %add3A_482 = arith.addf %get3A_477, %get3A_481 : vector<16xf32>
          %max3A_483 = arith.constant 0.000000e+00 : f32
          %max3A_484 = vector.broadcast %max3A_483 : f32 to vector<16xf32>
          %max3A_485 = arith.maximumf %add3A_482, %max3A_484 : vector<16xf32>
          %mul3A_486 = arith.mulf %max3A_485, %get3A_67 : vector<16xf32>
          %add3A_487 = arith.addf %add3A_473, %mul3A_486 : vector<16xf32>
          %get3A_488 = arith.index_cast %add3A_431 : i32 to index
          %get3A_489 = arith.constant 64 : index
          %get3A_490 = tpu.vector_load %arg10[%get3A_488, %get3A_489] {strides = array<i32>} : memref<128x128xf32, #tpu.memory_space<vmem>>, vector<1x16xf32>,
          %get3A_491 = vector.shape_cast %get3A_490 : vector<1x16xf32> to vector<16xf32>
          %get3A_492 = arith.index_cast %add3A_431 : i32 to index
          %get3A_493 = arith.constant 64 : index
          %get3A_494 = tpu.vector_load %arg12[%get3A_492, %get3A_493] {strides = array<i32>} : memref<128x128xf32, #tpu.memory_space<vmem>>, vector<1x16xf32>,
          %get3A_495 = vector.shape_cast %get3A_494 : vector<1x16xf32> to vector<16xf32>
          %add3A_496 = arith.addf %get3A_491, %get3A_495 : vector<16xf32>
          %max3A_497 = arith.constant 0.000000e+00 : f32
          %max3A_498 = vector.broadcast %max3A_497 : f32 to vector<16xf32>
          %max3A_499 = arith.maximumf %add3A_496, %max3A_498 : vector<16xf32>
          %mul3A_500 = arith.mulf %max3A_499, %get3A_70 : vector<16xf32>
          %add3A_501 = arith.addf %add3A_487, %mul3A_500 : vector<16xf32>
          %get3A_502 = arith.index_cast %add3A_431 : i32 to index
          %get3A_503 = arith.constant 80 : index
          %get3A_504 = tpu.vector_load %arg10[%get3A_502, %get3A_503] {strides = array<i32>} : memref<128x128xf32, #tpu.memory_space<vmem>>, vector<1x16xf32>,
          %get3A_505 = vector.shape_cast %get3A_504 : vector<1x16xf32> to vector<16xf32>
          %get3A_506 = arith.index_cast %add3A_431 : i32 to index
          %get3A_507 = arith.constant 80 : index
          %get3A_508 = tpu.vector_load %arg12[%get3A_506, %get3A_507] {strides = array<i32>} : memref<128x128xf32, #tpu.memory_space<vmem>>, vector<1x16xf32>,
          %get3A_509 = vector.shape_cast %get3A_508 : vector<1x16xf32> to vector<16xf32>
          %add3A_510 = arith.addf %get3A_505, %get3A_509 : vector<16xf32>
          %max3A_511 = arith.constant 0.000000e+00 : f32
          %max3A_512 = vector.broadcast %max3A_511 : f32 to vector<16xf32>
          %max3A_513 = arith.maximumf %add3A_510, %max3A_512 : vector<16xf32>
          %mul3A_514 = arith.mulf %max3A_513, %get3A_73 : vector<16xf32>
          %add3A_515 = arith.addf %add3A_501, %mul3A_514 : vector<16xf32>
          %get3A_516 = arith.index_cast %add3A_431 : i32 to index
          %get3A_517 = arith.constant 96 : index
          %get3A_518 = tpu.vector_load %arg10[%get3A_516, %get3A_517] {strides = array<i32>} : memref<128x128xf32, #tpu.memory_space<vmem>>, vector<1x16xf32>,
          %get3A_519 = vector.shape_cast %get3A_518 : vector<1x16xf32> to vector<16xf32>
          %get3A_520 = arith.index_cast %add3A_431 : i32 to index
          %get3A_521 = arith.constant 96 : index
          %get3A_522 = tpu.vector_load %arg12[%get3A_520, %get3A_521] {strides = array<i32>} : memref<128x128xf32, #tpu.memory_space<vmem>>, vector<1x16xf32>,
          %get3A_523 = vector.shape_cast %get3A_522 : vector<1x16xf32> to vector<16xf32>
          %add3A_524 = arith.addf %get3A_519, %get3A_523 : vector<16xf32>
          %max3A_525 = arith.constant 0.000000e+00 : f32
          %max3A_526 = vector.broadcast %max3A_525 : f32 to vector<16xf32>
          %max3A_527 = arith.maximumf %add3A_524, %max3A_526 : vector<16xf32>
          %mul3A_528 = arith.mulf %max3A_527, %get3A_76 : vector<16xf32>
          %add3A_529 = arith.addf %add3A_515, %mul3A_528 : vector<16xf32>
          %get3A_530 = arith.index_cast %add3A_431 : i32 to index
          %get3A_531 = arith.constant 112 : index
          %get3A_532 = tpu.vector_load %arg10[%get3A_530, %get3A_531] {strides = array<i32>} : memref<128x128xf32, #tpu.memory_space<vmem>>, vector<1x16xf32>,
          %get3A_533 = vector.shape_cast %get3A_532 : vector<1x16xf32> to vector<16xf32>
          %get3A_534 = arith.index_cast %add3A_431 : i32 to index
          %get3A_535 = arith.constant 112 : index
          %get3A_536 = tpu.vector_load %arg12[%get3A_534, %get3A_535] {strides = array<i32>} : memref<128x128xf32, #tpu.memory_space<vmem>>, vector<1x16xf32>,
          %get3A_537 = vector.shape_cast %get3A_536 : vector<1x16xf32> to vector<16xf32>
          %add3A_538 = arith.addf %get3A_533, %get3A_537 : vector<16xf32>
          %max3A_539 = arith.constant 0.000000e+00 : f32
          %max3A_540 = vector.broadcast %max3A_539 : f32 to vector<16xf32>
          %max3A_541 = arith.maximumf %add3A_538, %max3A_540 : vector<16xf32>
          %mul3A_542 = arith.mulf %max3A_541, %get3A_79 : vector<16xf32>
          %add3A_543 = arith.addf %add3A_529, %mul3A_542 : vector<16xf32>
          %mul3A_544 = arith.constant 16 : i32
          %mul3A_545 = arith.muli %add3A_431, %mul3A_544 : i32
          %swap3A_546 = arith.index_cast %mul3A_545 : i32 to index
          %swap3A_547 = tpu.vector_load %arg14[%swap3A_546] {strides = array<i32>} : memref<2048xf32, #tpu.memory_space<vmem>>, vector<16xf32>,
          %swap3A_548 = vector.shape_cast %swap3A_547 : vector<16xf32> to vector<16xf32>
          %swap3A_549 = vector.shape_cast %add3A_543 : vector<16xf32> to vector<16xf32>
          tpu.vector_store %arg14[%swap3A_546], %swap3A_549 {strides = array<i32>} : memref<2048xf32, #tpu.memory_space<vmem>>, vector<16xf32>,
          %mul3A_550 = arith.constant 8 : i32
          %mul3A_551 = arith.muli %scan3A_185, %mul3A_550 : i32
          %add3A_552 = arith.constant 3 : i32
          %add3A_553 = arith.addi %mul3A_551, %add3A_552 : i32
          %get3A_554 = arith.index_cast %add3A_553 : i32 to index
          %get3A_555 = arith.constant 0 : index
          %get3A_556 = tpu.vector_load %arg10[%get3A_554, %get3A_555] {strides = array<i32>} : memref<128x128xf32, #tpu.memory_space<vmem>>, vector<1x16xf32>,
          %get3A_557 = vector.shape_cast %get3A_556 : vector<1x16xf32> to vector<16xf32>
          %get3A_558 = arith.index_cast %add3A_553 : i32 to index
          %get3A_559 = arith.constant 0 : index
          %get3A_560 = tpu.vector_load %arg12[%get3A_558, %get3A_559] {strides = array<i32>} : memref<128x128xf32, #tpu.memory_space<vmem>>, vector<1x16xf32>,
          %get3A_561 = vector.shape_cast %get3A_560 : vector<1x16xf32> to vector<16xf32>
          %add3A_562 = arith.addf %get3A_557, %get3A_561 : vector<16xf32>
          %max3A_563 = arith.constant 0.000000e+00 : f32
          %max3A_564 = vector.broadcast %max3A_563 : f32 to vector<16xf32>
          %max3A_565 = arith.maximumf %add3A_562, %max3A_564 : vector<16xf32>
          %mul3A_566 = arith.mulf %max3A_565, %get3A_58 : vector<16xf32>
          %add3A_567 = arith.addf %get3A_82, %mul3A_566 : vector<16xf32>
          %get3A_568 = arith.index_cast %add3A_553 : i32 to index
          %get3A_569 = arith.constant 16 : index
          %get3A_570 = tpu.vector_load %arg10[%get3A_568, %get3A_569] {strides = array<i32>} : memref<128x128xf32, #tpu.memory_space<vmem>>, vector<1x16xf32>,
          %get3A_571 = vector.shape_cast %get3A_570 : vector<1x16xf32> to vector<16xf32>
          %get3A_572 = arith.index_cast %add3A_553 : i32 to index
          %get3A_573 = arith.constant 16 : index
          %get3A_574 = tpu.vector_load %arg12[%get3A_572, %get3A_573] {strides = array<i32>} : memref<128x128xf32, #tpu.memory_space<vmem>>, vector<1x16xf32>,
          %get3A_575 = vector.shape_cast %get3A_574 : vector<1x16xf32> to vector<16xf32>
          %add3A_576 = arith.addf %get3A_571, %get3A_575 : vector<16xf32>
          %max3A_577 = arith.constant 0.000000e+00 : f32
          %max3A_578 = vector.broadcast %max3A_577 : f32 to vector<16xf32>
          %max3A_579 = arith.maximumf %add3A_576, %max3A_578 : vector<16xf32>
          %mul3A_580 = arith.mulf %max3A_579, %get3A_61 : vector<16xf32>
          %add3A_581 = arith.addf %add3A_567, %mul3A_580 : vector<16xf32>
          %get3A_582 = arith.index_cast %add3A_553 : i32 to index
          %get3A_583 = arith.constant 32 : index
          %get3A_584 = tpu.vector_load %arg10[%get3A_582, %get3A_583] {strides = array<i32>} : memref<128x128xf32, #tpu.memory_space<vmem>>, vector<1x16xf32>,
          %get3A_585 = vector.shape_cast %get3A_584 : vector<1x16xf32> to vector<16xf32>
          %get3A_586 = arith.index_cast %add3A_553 : i32 to index
          %get3A_587 = arith.constant 32 : index
          %get3A_588 = tpu.vector_load %arg12[%get3A_586, %get3A_587] {strides = array<i32>} : memref<128x128xf32, #tpu.memory_space<vmem>>, vector<1x16xf32>,
          %get3A_589 = vector.shape_cast %get3A_588 : vector<1x16xf32> to vector<16xf32>
          %add3A_590 = arith.addf %get3A_585, %get3A_589 : vector<16xf32>
          %max3A_591 = arith.constant 0.000000e+00 : f32
          %max3A_592 = vector.broadcast %max3A_591 : f32 to vector<16xf32>
          %max3A_593 = arith.maximumf %add3A_590, %max3A_592 : vector<16xf32>
          %mul3A_594 = arith.mulf %max3A_593, %get3A_64 : vector<16xf32>
          %add3A_595 = arith.addf %add3A_581, %mul3A_594 : vector<16xf32>
          %get3A_596 = arith.index_cast %add3A_553 : i32 to index
          %get3A_597 = arith.constant 48 : index
          %get3A_598 = tpu.vector_load %arg10[%get3A_596, %get3A_597] {strides = array<i32>} : memref<128x128xf32, #tpu.memory_space<vmem>>, vector<1x16xf32>,
          %get3A_599 = vector.shape_cast %get3A_598 : vector<1x16xf32> to vector<16xf32>
          %get3A_600 = arith.index_cast %add3A_553 : i32 to index
          %get3A_601 = arith.constant 48 : index
          %get3A_602 = tpu.vector_load %arg12[%get3A_600, %get3A_601] {strides = array<i32>} : memref<128x128xf32, #tpu.memory_space<vmem>>, vector<1x16xf32>,
          %get3A_603 = vector.shape_cast %get3A_602 : vector<1x16xf32> to vector<16xf32>
          %add3A_604 = arith.addf %get3A_599, %get3A_603 : vector<16xf32>
          %max3A_605 = arith.constant 0.000000e+00 : f32
          %max3A_606 = vector.broadcast %max3A_605 : f32 to vector<16xf32>
          %max3A_607 = arith.maximumf %add3A_604, %max3A_606 : vector<16xf32>
          %mul3A_608 = arith.mulf %max3A_607, %get3A_67 : vector<16xf32>
          %add3A_609 = arith.addf %add3A_595, %mul3A_608 : vector<16xf32>
          %get3A_610 = arith.index_cast %add3A_553 : i32 to index
          %get3A_611 = arith.constant 64 : index
          %get3A_612 = tpu.vector_load %arg10[%get3A_610, %get3A_611] {strides = array<i32>} : memref<128x128xf32, #tpu.memory_space<vmem>>, vector<1x16xf32>,
          %get3A_613 = vector.shape_cast %get3A_612 : vector<1x16xf32> to vector<16xf32>
          %get3A_614 = arith.index_cast %add3A_553 : i32 to index
          %get3A_615 = arith.constant 64 : index
          %get3A_616 = tpu.vector_load %arg12[%get3A_614, %get3A_615] {strides = array<i32>} : memref<128x128xf32, #tpu.memory_space<vmem>>, vector<1x16xf32>,
          %get3A_617 = vector.shape_cast %get3A_616 : vector<1x16xf32> to vector<16xf32>
          %add3A_618 = arith.addf %get3A_613, %get3A_617 : vector<16xf32>
          %max3A_619 = arith.constant 0.000000e+00 : f32
          %max3A_620 = vector.broadcast %max3A_619 : f32 to vector<16xf32>
          %max3A_621 = arith.maximumf %add3A_618, %max3A_620 : vector<16xf32>
          %mul3A_622 = arith.mulf %max3A_621, %get3A_70 : vector<16xf32>
          %add3A_623 = arith.addf %add3A_609, %mul3A_622 : vector<16xf32>
          %get3A_624 = arith.index_cast %add3A_553 : i32 to index
          %get3A_625 = arith.constant 80 : index
          %get3A_626 = tpu.vector_load %arg10[%get3A_624, %get3A_625] {strides = array<i32>} : memref<128x128xf32, #tpu.memory_space<vmem>>, vector<1x16xf32>,
          %get3A_627 = vector.shape_cast %get3A_626 : vector<1x16xf32> to vector<16xf32>
          %get3A_628 = arith.index_cast %add3A_553 : i32 to index
          %get3A_629 = arith.constant 80 : index
          %get3A_630 = tpu.vector_load %arg12[%get3A_628, %get3A_629] {strides = array<i32>} : memref<128x128xf32, #tpu.memory_space<vmem>>, vector<1x16xf32>,
          %get3A_631 = vector.shape_cast %get3A_630 : vector<1x16xf32> to vector<16xf32>
          %add3A_632 = arith.addf %get3A_627, %get3A_631 : vector<16xf32>
          %max3A_633 = arith.constant 0.000000e+00 : f32
          %max3A_634 = vector.broadcast %max3A_633 : f32 to vector<16xf32>
          %max3A_635 = arith.maximumf %add3A_632, %max3A_634 : vector<16xf32>
          %mul3A_636 = arith.mulf %max3A_635, %get3A_73 : vector<16xf32>
          %add3A_637 = arith.addf %add3A_623, %mul3A_636 : vector<16xf32>
          %get3A_638 = arith.index_cast %add3A_553 : i32 to index
          %get3A_639 = arith.constant 96 : index
          %get3A_640 = tpu.vector_load %arg10[%get3A_638, %get3A_639] {strides = array<i32>} : memref<128x128xf32, #tpu.memory_space<vmem>>, vector<1x16xf32>,
          %get3A_641 = vector.shape_cast %get3A_640 : vector<1x16xf32> to vector<16xf32>
          %get3A_642 = arith.index_cast %add3A_553 : i32 to index
          %get3A_643 = arith.constant 96 : index
          %get3A_644 = tpu.vector_load %arg12[%get3A_642, %get3A_643] {strides = array<i32>} : memref<128x128xf32, #tpu.memory_space<vmem>>, vector<1x16xf32>,
          %get3A_645 = vector.shape_cast %get3A_644 : vector<1x16xf32> to vector<16xf32>
          %add3A_646 = arith.addf %get3A_641, %get3A_645 : vector<16xf32>
          %max3A_647 = arith.constant 0.000000e+00 : f32
          %max3A_648 = vector.broadcast %max3A_647 : f32 to vector<16xf32>
          %max3A_649 = arith.maximumf %add3A_646, %max3A_648 : vector<16xf32>
          %mul3A_650 = arith.mulf %max3A_649, %get3A_76 : vector<16xf32>
          %add3A_651 = arith.addf %add3A_637, %mul3A_650 : vector<16xf32>
          %get3A_652 = arith.index_cast %add3A_553 : i32 to index
          %get3A_653 = arith.constant 112 : index
          %get3A_654 = tpu.vector_load %arg10[%get3A_652, %get3A_653] {strides = array<i32>} : memref<128x128xf32, #tpu.memory_space<vmem>>, vector<1x16xf32>,
          %get3A_655 = vector.shape_cast %get3A_654 : vector<1x16xf32> to vector<16xf32>
          %get3A_656 = arith.index_cast %add3A_553 : i32 to index
          %get3A_657 = arith.constant 112 : index
          %get3A_658 = tpu.vector_load %arg12[%get3A_656, %get3A_657] {strides = array<i32>} : memref<128x128xf32, #tpu.memory_space<vmem>>, vector<1x16xf32>,
          %get3A_659 = vector.shape_cast %get3A_658 : vector<1x16xf32> to vector<16xf32>
          %add3A_660 = arith.addf %get3A_655, %get3A_659 : vector<16xf32>
          %max3A_661 = arith.constant 0.000000e+00 : f32
          %max3A_662 = vector.broadcast %max3A_661 : f32 to vector<16xf32>
          %max3A_663 = arith.maximumf %add3A_660, %max3A_662 : vector<16xf32>
          %mul3A_664 = arith.mulf %max3A_663, %get3A_79 : vector<16xf32>
          %add3A_665 = arith.addf %add3A_651, %mul3A_664 : vector<16xf32>
          %mul3A_666 = arith.constant 16 : i32
          %mul3A_667 = arith.muli %add3A_553, %mul3A_666 : i32
          %swap3A_668 = arith.index_cast %mul3A_667 : i32 to index
          %swap3A_669 = tpu.vector_load %arg14[%swap3A_668] {strides = array<i32>} : memref<2048xf32, #tpu.memory_space<vmem>>, vector<16xf32>,
          %swap3A_670 = vector.shape_cast %swap3A_669 : vector<16xf32> to vector<16xf32>
          %swap3A_671 = vector.shape_cast %add3A_665 : vector<16xf32> to vector<16xf32>
          tpu.vector_store %arg14[%swap3A_668], %swap3A_671 {strides = array<i32>} : memref<2048xf32, #tpu.memory_space<vmem>>, vector<16xf32>,
          %mul3A_672 = arith.constant 8 : i32
          %mul3A_673 = arith.muli %scan3A_185, %mul3A_672 : i32
          %add3A_674 = arith.constant 4 : i32
          %add3A_675 = arith.addi %mul3A_673, %add3A_674 : i32
          %get3A_676 = arith.index_cast %add3A_675 : i32 to index
          %get3A_677 = arith.constant 0 : index
          %get3A_678 = tpu.vector_load %arg10[%get3A_676, %get3A_677] {strides = array<i32>} : memref<128x128xf32, #tpu.memory_space<vmem>>, vector<1x16xf32>,
          %get3A_679 = vector.shape_cast %get3A_678 : vector<1x16xf32> to vector<16xf32>
          %get3A_680 = arith.index_cast %add3A_675 : i32 to index
          %get3A_681 = arith.constant 0 : index
          %get3A_682 = tpu.vector_load %arg12[%get3A_680, %get3A_681] {strides = array<i32>} : memref<128x128xf32, #tpu.memory_space<vmem>>, vector<1x16xf32>,
          %get3A_683 = vector.shape_cast %get3A_682 : vector<1x16xf32> to vector<16xf32>
          %add3A_684 = arith.addf %get3A_679, %get3A_683 : vector<16xf32>
          %max3A_685 = arith.constant 0.000000e+00 : f32
          %max3A_686 = vector.broadcast %max3A_685 : f32 to vector<16xf32>
          %max3A_687 = arith.maximumf %add3A_684, %max3A_686 : vector<16xf32>
          %mul3A_688 = arith.mulf %max3A_687, %get3A_58 : vector<16xf32>
          %add3A_689 = arith.addf %get3A_82, %mul3A_688 : vector<16xf32>
          %get3A_690 = arith.index_cast %add3A_675 : i32 to index
          %get3A_691 = arith.constant 16 : index
          %get3A_692 = tpu.vector_load %arg10[%get3A_690, %get3A_691] {strides = array<i32>} : memref<128x128xf32, #tpu.memory_space<vmem>>, vector<1x16xf32>,
          %get3A_693 = vector.shape_cast %get3A_692 : vector<1x16xf32> to vector<16xf32>
          %get3A_694 = arith.index_cast %add3A_675 : i32 to index
          %get3A_695 = arith.constant 16 : index
          %get3A_696 = tpu.vector_load %arg12[%get3A_694, %get3A_695] {strides = array<i32>} : memref<128x128xf32, #tpu.memory_space<vmem>>, vector<1x16xf32>,
          %get3A_697 = vector.shape_cast %get3A_696 : vector<1x16xf32> to vector<16xf32>
          %add3A_698 = arith.addf %get3A_693, %get3A_697 : vector<16xf32>
          %max3A_699 = arith.constant 0.000000e+00 : f32
          %max3A_700 = vector.broadcast %max3A_699 : f32 to vector<16xf32>
          %max3A_701 = arith.maximumf %add3A_698, %max3A_700 : vector<16xf32>
          %mul3A_702 = arith.mulf %max3A_701, %get3A_61 : vector<16xf32>
          %add3A_703 = arith.addf %add3A_689, %mul3A_702 : vector<16xf32>
          %get3A_704 = arith.index_cast %add3A_675 : i32 to index
          %get3A_705 = arith.constant 32 : index
          %get3A_706 = tpu.vector_load %arg10[%get3A_704, %get3A_705] {strides = array<i32>} : memref<128x128xf32, #tpu.memory_space<vmem>>, vector<1x16xf32>,
          %get3A_707 = vector.shape_cast %get3A_706 : vector<1x16xf32> to vector<16xf32>
          %get3A_708 = arith.index_cast %add3A_675 : i32 to index
          %get3A_709 = arith.constant 32 : index
          %get3A_710 = tpu.vector_load %arg12[%get3A_708, %get3A_709] {strides = array<i32>} : memref<128x128xf32, #tpu.memory_space<vmem>>, vector<1x16xf32>,
          %get3A_711 = vector.shape_cast %get3A_710 : vector<1x16xf32> to vector<16xf32>
          %add3A_712 = arith.addf %get3A_707, %get3A_711 : vector<16xf32>
          %max3A_713 = arith.constant 0.000000e+00 : f32
          %max3A_714 = vector.broadcast %max3A_713 : f32 to vector<16xf32>
          %max3A_715 = arith.maximumf %add3A_712, %max3A_714 : vector<16xf32>
          %mul3A_716 = arith.mulf %max3A_715, %get3A_64 : vector<16xf32>
          %add3A_717 = arith.addf %add3A_703, %mul3A_716 : vector<16xf32>
          %get3A_718 = arith.index_cast %add3A_675 : i32 to index
          %get3A_719 = arith.constant 48 : index
          %get3A_720 = tpu.vector_load %arg10[%get3A_718, %get3A_719] {strides = array<i32>} : memref<128x128xf32, #tpu.memory_space<vmem>>, vector<1x16xf32>,
          %get3A_721 = vector.shape_cast %get3A_720 : vector<1x16xf32> to vector<16xf32>
          %get3A_722 = arith.index_cast %add3A_675 : i32 to index
          %get3A_723 = arith.constant 48 : index
          %get3A_724 = tpu.vector_load %arg12[%get3A_722, %get3A_723] {strides = array<i32>} : memref<128x128xf32, #tpu.memory_space<vmem>>, vector<1x16xf32>,
          %get3A_725 = vector.shape_cast %get3A_724 : vector<1x16xf32> to vector<16xf32>
          %add3A_726 = arith.addf %get3A_721, %get3A_725 : vector<16xf32>
          %max3A_727 = arith.constant 0.000000e+00 : f32
          %max3A_728 = vector.broadcast %max3A_727 : f32 to vector<16xf32>
          %max3A_729 = arith.maximumf %add3A_726, %max3A_728 : vector<16xf32>
          %mul3A_730 = arith.mulf %max3A_729, %get3A_67 : vector<16xf32>
          %add3A_731 = arith.addf %add3A_717, %mul3A_730 : vector<16xf32>
          %get3A_732 = arith.index_cast %add3A_675 : i32 to index
          %get3A_733 = arith.constant 64 : index
          %get3A_734 = tpu.vector_load %arg10[%get3A_732, %get3A_733] {strides = array<i32>} : memref<128x128xf32, #tpu.memory_space<vmem>>, vector<1x16xf32>,
          %get3A_735 = vector.shape_cast %get3A_734 : vector<1x16xf32> to vector<16xf32>
          %get3A_736 = arith.index_cast %add3A_675 : i32 to index
          %get3A_737 = arith.constant 64 : index
          %get3A_738 = tpu.vector_load %arg12[%get3A_736, %get3A_737] {strides = array<i32>} : memref<128x128xf32, #tpu.memory_space<vmem>>, vector<1x16xf32>,
          %get3A_739 = vector.shape_cast %get3A_738 : vector<1x16xf32> to vector<16xf32>
          %add3A_740 = arith.addf %get3A_735, %get3A_739 : vector<16xf32>
          %max3A_741 = arith.constant 0.000000e+00 : f32
          %max3A_742 = vector.broadcast %max3A_741 : f32 to vector<16xf32>
          %max3A_743 = arith.maximumf %add3A_740, %max3A_742 : vector<16xf32>
          %mul3A_744 = arith.mulf %max3A_743, %get3A_70 : vector<16xf32>
          %add3A_745 = arith.addf %add3A_731, %mul3A_744 : vector<16xf32>
          %get3A_746 = arith.index_cast %add3A_675 : i32 to index
          %get3A_747 = arith.constant 80 : index
          %get3A_748 = tpu.vector_load %arg10[%get3A_746, %get3A_747] {strides = array<i32>} : memref<128x128xf32, #tpu.memory_space<vmem>>, vector<1x16xf32>,
          %get3A_749 = vector.shape_cast %get3A_748 : vector<1x16xf32> to vector<16xf32>
          %get3A_750 = arith.index_cast %add3A_675 : i32 to index
          %get3A_751 = arith.constant 80 : index
          %get3A_752 = tpu.vector_load %arg12[%get3A_750, %get3A_751] {strides = array<i32>} : memref<128x128xf32, #tpu.memory_space<vmem>>, vector<1x16xf32>,
          %get3A_753 = vector.shape_cast %get3A_752 : vector<1x16xf32> to vector<16xf32>
          %add3A_754 = arith.addf %get3A_749, %get3A_753 : vector<16xf32>
          %max3A_755 = arith.constant 0.000000e+00 : f32
          %max3A_756 = vector.broadcast %max3A_755 : f32 to vector<16xf32>
          %max3A_757 = arith.maximumf %add3A_754, %max3A_756 : vector<16xf32>
          %mul3A_758 = arith.mulf %max3A_757, %get3A_73 : vector<16xf32>
          %add3A_759 = arith.addf %add3A_745, %mul3A_758 : vector<16xf32>
          %get3A_760 = arith.index_cast %add3A_675 : i32 to index
          %get3A_761 = arith.constant 96 : index
          %get3A_762 = tpu.vector_load %arg10[%get3A_760, %get3A_761] {strides = array<i32>} : memref<128x128xf32, #tpu.memory_space<vmem>>, vector<1x16xf32>,
          %get3A_763 = vector.shape_cast %get3A_762 : vector<1x16xf32> to vector<16xf32>
          %get3A_764 = arith.index_cast %add3A_675 : i32 to index
          %get3A_765 = arith.constant 96 : index
          %get3A_766 = tpu.vector_load %arg12[%get3A_764, %get3A_765] {strides = array<i32>} : memref<128x128xf32, #tpu.memory_space<vmem>>, vector<1x16xf32>,
          %get3A_767 = vector.shape_cast %get3A_766 : vector<1x16xf32> to vector<16xf32>
          %add3A_768 = arith.addf %get3A_763, %get3A_767 : vector<16xf32>
          %max3A_769 = arith.constant 0.000000e+00 : f32
          %max3A_770 = vector.broadcast %max3A_769 : f32 to vector<16xf32>
          %max3A_771 = arith.maximumf %add3A_768, %max3A_770 : vector<16xf32>
          %mul3A_772 = arith.mulf %max3A_771, %get3A_76 : vector<16xf32>
          %add3A_773 = arith.addf %add3A_759, %mul3A_772 : vector<16xf32>
          %get3A_774 = arith.index_cast %add3A_675 : i32 to index
          %get3A_775 = arith.constant 112 : index
          %get3A_776 = tpu.vector_load %arg10[%get3A_774, %get3A_775] {strides = array<i32>} : memref<128x128xf32, #tpu.memory_space<vmem>>, vector<1x16xf32>,
          %get3A_777 = vector.shape_cast %get3A_776 : vector<1x16xf32> to vector<16xf32>
          %get3A_778 = arith.index_cast %add3A_675 : i32 to index
          %get3A_779 = arith.constant 112 : index
          %get3A_780 = tpu.vector_load %arg12[%get3A_778, %get3A_779] {strides = array<i32>} : memref<128x128xf32, #tpu.memory_space<vmem>>, vector<1x16xf32>,
          %get3A_781 = vector.shape_cast %get3A_780 : vector<1x16xf32> to vector<16xf32>
          %add3A_782 = arith.addf %get3A_777, %get3A_781 : vector<16xf32>
          %max3A_783 = arith.constant 0.000000e+00 : f32
          %max3A_784 = vector.broadcast %max3A_783 : f32 to vector<16xf32>
          %max3A_785 = arith.maximumf %add3A_782, %max3A_784 : vector<16xf32>
          %mul3A_786 = arith.mulf %max3A_785, %get3A_79 : vector<16xf32>
          %add3A_787 = arith.addf %add3A_773, %mul3A_786 : vector<16xf32>
          %mul3A_788 = arith.constant 16 : i32
          %mul3A_789 = arith.muli %add3A_675, %mul3A_788 : i32
          %swap3A_790 = arith.index_cast %mul3A_789 : i32 to index
          %swap3A_791 = tpu.vector_load %arg14[%swap3A_790] {strides = array<i32>} : memref<2048xf32, #tpu.memory_space<vmem>>, vector<16xf32>,
          %swap3A_792 = vector.shape_cast %swap3A_791 : vector<16xf32> to vector<16xf32>
          %swap3A_793 = vector.shape_cast %add3A_787 : vector<16xf32> to vector<16xf32>
          tpu.vector_store %arg14[%swap3A_790], %swap3A_793 {strides = array<i32>} : memref<2048xf32, #tpu.memory_space<vmem>>, vector<16xf32>,
          %mul3A_794 = arith.constant 8 : i32
          %mul3A_795 = arith.muli %scan3A_185, %mul3A_794 : i32
          %add3A_796 = arith.constant 5 : i32
          %add3A_797 = arith.addi %mul3A_795, %add3A_796 : i32
          %get3A_798 = arith.index_cast %add3A_797 : i32 to index
          %get3A_799 = arith.constant 0 : index
          %get3A_800 = tpu.vector_load %arg10[%get3A_798, %get3A_799] {strides = array<i32>} : memref<128x128xf32, #tpu.memory_space<vmem>>, vector<1x16xf32>,
          %get3A_801 = vector.shape_cast %get3A_800 : vector<1x16xf32> to vector<16xf32>
          %get3A_802 = arith.index_cast %add3A_797 : i32 to index
          %get3A_803 = arith.constant 0 : index
          %get3A_804 = tpu.vector_load %arg12[%get3A_802, %get3A_803] {strides = array<i32>} : memref<128x128xf32, #tpu.memory_space<vmem>>, vector<1x16xf32>,
          %get3A_805 = vector.shape_cast %get3A_804 : vector<1x16xf32> to vector<16xf32>
          %add3A_806 = arith.addf %get3A_801, %get3A_805 : vector<16xf32>
          %max3A_807 = arith.constant 0.000000e+00 : f32
          %max3A_808 = vector.broadcast %max3A_807 : f32 to vector<16xf32>
          %max3A_809 = arith.maximumf %add3A_806, %max3A_808 : vector<16xf32>
          %mul3A_810 = arith.mulf %max3A_809, %get3A_58 : vector<16xf32>
          %add3A_811 = arith.addf %get3A_82, %mul3A_810 : vector<16xf32>
          %get3A_812 = arith.index_cast %add3A_797 : i32 to index
          %get3A_813 = arith.constant 16 : index
          %get3A_814 = tpu.vector_load %arg10[%get3A_812, %get3A_813] {strides = array<i32>} : memref<128x128xf32, #tpu.memory_space<vmem>>, vector<1x16xf32>,
          %get3A_815 = vector.shape_cast %get3A_814 : vector<1x16xf32> to vector<16xf32>
          %get3A_816 = arith.index_cast %add3A_797 : i32 to index
          %get3A_817 = arith.constant 16 : index
          %get3A_818 = tpu.vector_load %arg12[%get3A_816, %get3A_817] {strides = array<i32>} : memref<128x128xf32, #tpu.memory_space<vmem>>, vector<1x16xf32>,
          %get3A_819 = vector.shape_cast %get3A_818 : vector<1x16xf32> to vector<16xf32>
          %add3A_820 = arith.addf %get3A_815, %get3A_819 : vector<16xf32>
          %max3A_821 = arith.constant 0.000000e+00 : f32
          %max3A_822 = vector.broadcast %max3A_821 : f32 to vector<16xf32>
          %max3A_823 = arith.maximumf %add3A_820, %max3A_822 : vector<16xf32>
          %mul3A_824 = arith.mulf %max3A_823, %get3A_61 : vector<16xf32>
          %add3A_825 = arith.addf %add3A_811, %mul3A_824 : vector<16xf32>
          %get3A_826 = arith.index_cast %add3A_797 : i32 to index
          %get3A_827 = arith.constant 32 : index
          %get3A_828 = tpu.vector_load %arg10[%get3A_826, %get3A_827] {strides = array<i32>} : memref<128x128xf32, #tpu.memory_space<vmem>>, vector<1x16xf32>,
          %get3A_829 = vector.shape_cast %get3A_828 : vector<1x16xf32> to vector<16xf32>
          %get3A_830 = arith.index_cast %add3A_797 : i32 to index
          %get3A_831 = arith.constant 32 : index
          %get3A_832 = tpu.vector_load %arg12[%get3A_830, %get3A_831] {strides = array<i32>} : memref<128x128xf32, #tpu.memory_space<vmem>>, vector<1x16xf32>,
          %get3A_833 = vector.shape_cast %get3A_832 : vector<1x16xf32> to vector<16xf32>
          %add3A_834 = arith.addf %get3A_829, %get3A_833 : vector<16xf32>
          %max3A_835 = arith.constant 0.000000e+00 : f32
          %max3A_836 = vector.broadcast %max3A_835 : f32 to vector<16xf32>
          %max3A_837 = arith.maximumf %add3A_834, %max3A_836 : vector<16xf32>
          %mul3A_838 = arith.mulf %max3A_837, %get3A_64 : vector<16xf32>
          %add3A_839 = arith.addf %add3A_825, %mul3A_838 : vector<16xf32>
          %get3A_840 = arith.index_cast %add3A_797 : i32 to index
          %get3A_841 = arith.constant 48 : index
          %get3A_842 = tpu.vector_load %arg10[%get3A_840, %get3A_841] {strides = array<i32>} : memref<128x128xf32, #tpu.memory_space<vmem>>, vector<1x16xf32>,
          %get3A_843 = vector.shape_cast %get3A_842 : vector<1x16xf32> to vector<16xf32>
          %get3A_844 = arith.index_cast %add3A_797 : i32 to index
          %get3A_845 = arith.constant 48 : index
          %get3A_846 = tpu.vector_load %arg12[%get3A_844, %get3A_845] {strides = array<i32>} : memref<128x128xf32, #tpu.memory_space<vmem>>, vector<1x16xf32>,
          %get3A_847 = vector.shape_cast %get3A_846 : vector<1x16xf32> to vector<16xf32>
          %add3A_848 = arith.addf %get3A_843, %get3A_847 : vector<16xf32>
          %max3A_849 = arith.constant 0.000000e+00 : f32
          %max3A_850 = vector.broadcast %max3A_849 : f32 to vector<16xf32>
          %max3A_851 = arith.maximumf %add3A_848, %max3A_850 : vector<16xf32>
          %mul3A_852 = arith.mulf %max3A_851, %get3A_67 : vector<16xf32>
          %add3A_853 = arith.addf %add3A_839, %mul3A_852 : vector<16xf32>
          %get3A_854 = arith.index_cast %add3A_797 : i32 to index
          %get3A_855 = arith.constant 64 : index
          %get3A_856 = tpu.vector_load %arg10[%get3A_854, %get3A_855] {strides = array<i32>} : memref<128x128xf32, #tpu.memory_space<vmem>>, vector<1x16xf32>,
          %get3A_857 = vector.shape_cast %get3A_856 : vector<1x16xf32> to vector<16xf32>
          %get3A_858 = arith.index_cast %add3A_797 : i32 to index
          %get3A_859 = arith.constant 64 : index
          %get3A_860 = tpu.vector_load %arg12[%get3A_858, %get3A_859] {strides = array<i32>} : memref<128x128xf32, #tpu.memory_space<vmem>>, vector<1x16xf32>,
          %get3A_861 = vector.shape_cast %get3A_860 : vector<1x16xf32> to vector<16xf32>
          %add3A_862 = arith.addf %get3A_857, %get3A_861 : vector<16xf32>
          %max3A_863 = arith.constant 0.000000e+00 : f32
          %max3A_864 = vector.broadcast %max3A_863 : f32 to vector<16xf32>
          %max3A_865 = arith.maximumf %add3A_862, %max3A_864 : vector<16xf32>
          %mul3A_866 = arith.mulf %max3A_865, %get3A_70 : vector<16xf32>
          %add3A_867 = arith.addf %add3A_853, %mul3A_866 : vector<16xf32>
          %get3A_868 = arith.index_cast %add3A_797 : i32 to index
          %get3A_869 = arith.constant 80 : index
          %get3A_870 = tpu.vector_load %arg10[%get3A_868, %get3A_869] {strides = array<i32>} : memref<128x128xf32, #tpu.memory_space<vmem>>, vector<1x16xf32>,
          %get3A_871 = vector.shape_cast %get3A_870 : vector<1x16xf32> to vector<16xf32>
          %get3A_872 = arith.index_cast %add3A_797 : i32 to index
          %get3A_873 = arith.constant 80 : index
          %get3A_874 = tpu.vector_load %arg12[%get3A_872, %get3A_873] {strides = array<i32>} : memref<128x128xf32, #tpu.memory_space<vmem>>, vector<1x16xf32>,
          %get3A_875 = vector.shape_cast %get3A_874 : vector<1x16xf32> to vector<16xf32>
          %add3A_876 = arith.addf %get3A_871, %get3A_875 : vector<16xf32>
          %max3A_877 = arith.constant 0.000000e+00 : f32
          %max3A_878 = vector.broadcast %max3A_877 : f32 to vector<16xf32>
          %max3A_879 = arith.maximumf %add3A_876, %max3A_878 : vector<16xf32>
          %mul3A_880 = arith.mulf %max3A_879, %get3A_73 : vector<16xf32>
          %add3A_881 = arith.addf %add3A_867, %mul3A_880 : vector<16xf32>
          %get3A_882 = arith.index_cast %add3A_797 : i32 to index
          %get3A_883 = arith.constant 96 : index
          %get3A_884 = tpu.vector_load %arg10[%get3A_882, %get3A_883] {strides = array<i32>} : memref<128x128xf32, #tpu.memory_space<vmem>>, vector<1x16xf32>,
          %get3A_885 = vector.shape_cast %get3A_884 : vector<1x16xf32> to vector<16xf32>
          %get3A_886 = arith.index_cast %add3A_797 : i32 to index
          %get3A_887 = arith.constant 96 : index
          %get3A_888 = tpu.vector_load %arg12[%get3A_886, %get3A_887] {strides = array<i32>} : memref<128x128xf32, #tpu.memory_space<vmem>>, vector<1x16xf32>,
          %get3A_889 = vector.shape_cast %get3A_888 : vector<1x16xf32> to vector<16xf32>
          %add3A_890 = arith.addf %get3A_885, %get3A_889 : vector<16xf32>
          %max3A_891 = arith.constant 0.000000e+00 : f32
          %max3A_892 = vector.broadcast %max3A_891 : f32 to vector<16xf32>
          %max3A_893 = arith.maximumf %add3A_890, %max3A_892 : vector<16xf32>
          %mul3A_894 = arith.mulf %max3A_893, %get3A_76 : vector<16xf32>
          %add3A_895 = arith.addf %add3A_881, %mul3A_894 : vector<16xf32>
          %get3A_896 = arith.index_cast %add3A_797 : i32 to index
          %get3A_897 = arith.constant 112 : index
          %get3A_898 = tpu.vector_load %arg10[%get3A_896, %get3A_897] {strides = array<i32>} : memref<128x128xf32, #tpu.memory_space<vmem>>, vector<1x16xf32>,
          %get3A_899 = vector.shape_cast %get3A_898 : vector<1x16xf32> to vector<16xf32>
          %get3A_900 = arith.index_cast %add3A_797 : i32 to index
          %get3A_901 = arith.constant 112 : index
          %get3A_902 = tpu.vector_load %arg12[%get3A_900, %get3A_901] {strides = array<i32>} : memref<128x128xf32, #tpu.memory_space<vmem>>, vector<1x16xf32>,
          %get3A_903 = vector.shape_cast %get3A_902 : vector<1x16xf32> to vector<16xf32>
          %add3A_904 = arith.addf %get3A_899, %get3A_903 : vector<16xf32>
          %max3A_905 = arith.constant 0.000000e+00 : f32
          %max3A_906 = vector.broadcast %max3A_905 : f32 to vector<16xf32>
          %max3A_907 = arith.maximumf %add3A_904, %max3A_906 : vector<16xf32>
          %mul3A_908 = arith.mulf %max3A_907, %get3A_79 : vector<16xf32>
          %add3A_909 = arith.addf %add3A_895, %mul3A_908 : vector<16xf32>
          %mul3A_910 = arith.constant 16 : i32
          %mul3A_911 = arith.muli %add3A_797, %mul3A_910 : i32
          %swap3A_912 = arith.index_cast %mul3A_911 : i32 to index
          %swap3A_913 = tpu.vector_load %arg14[%swap3A_912] {strides = array<i32>} : memref<2048xf32, #tpu.memory_space<vmem>>, vector<16xf32>,
          %swap3A_914 = vector.shape_cast %swap3A_913 : vector<16xf32> to vector<16xf32>
          %swap3A_915 = vector.shape_cast %add3A_909 : vector<16xf32> to vector<16xf32>
          tpu.vector_store %arg14[%swap3A_912], %swap3A_915 {strides = array<i32>} : memref<2048xf32, #tpu.memory_space<vmem>>, vector<16xf32>,
          %mul3A_916 = arith.constant 8 : i32
          %mul3A_917 = arith.muli %scan3A_185, %mul3A_916 : i32
          %add3A_918 = arith.constant 6 : i32
          %add3A_919 = arith.addi %mul3A_917, %add3A_918 : i32
          %get3A_920 = arith.index_cast %add3A_919 : i32 to index
          %get3A_921 = arith.constant 0 : index
          %get3A_922 = tpu.vector_load %arg10[%get3A_920, %get3A_921] {strides = array<i32>} : memref<128x128xf32, #tpu.memory_space<vmem>>, vector<1x16xf32>,
          %get3A_923 = vector.shape_cast %get3A_922 : vector<1x16xf32> to vector<16xf32>
          %get3A_924 = arith.index_cast %add3A_919 : i32 to index
          %get3A_925 = arith.constant 0 : index
          %get3A_926 = tpu.vector_load %arg12[%get3A_924, %get3A_925] {strides = array<i32>} : memref<128x128xf32, #tpu.memory_space<vmem>>, vector<1x16xf32>,
          %get3A_927 = vector.shape_cast %get3A_926 : vector<1x16xf32> to vector<16xf32>
          %add3A_928 = arith.addf %get3A_923, %get3A_927 : vector<16xf32>
          %max3A_929 = arith.constant 0.000000e+00 : f32
          %max3A_930 = vector.broadcast %max3A_929 : f32 to vector<16xf32>
          %max3A_931 = arith.maximumf %add3A_928, %max3A_930 : vector<16xf32>
          %mul3A_932 = arith.mulf %max3A_931, %get3A_58 : vector<16xf32>
          %add3A_933 = arith.addf %get3A_82, %mul3A_932 : vector<16xf32>
          %get3A_934 = arith.index_cast %add3A_919 : i32 to index
          %get3A_935 = arith.constant 16 : index
          %get3A_936 = tpu.vector_load %arg10[%get3A_934, %get3A_935] {strides = array<i32>} : memref<128x128xf32, #tpu.memory_space<vmem>>, vector<1x16xf32>,
          %get3A_937 = vector.shape_cast %get3A_936 : vector<1x16xf32> to vector<16xf32>
          %get3A_938 = arith.index_cast %add3A_919 : i32 to index
          %get3A_939 = arith.constant 16 : index
          %get3A_940 = tpu.vector_load %arg12[%get3A_938, %get3A_939] {strides = array<i32>} : memref<128x128xf32, #tpu.memory_space<vmem>>, vector<1x16xf32>,
          %get3A_941 = vector.shape_cast %get3A_940 : vector<1x16xf32> to vector<16xf32>
          %add3A_942 = arith.addf %get3A_937, %get3A_941 : vector<16xf32>
          %max3A_943 = arith.constant 0.000000e+00 : f32
          %max3A_944 = vector.broadcast %max3A_943 : f32 to vector<16xf32>
          %max3A_945 = arith.maximumf %add3A_942, %max3A_944 : vector<16xf32>
          %mul3A_946 = arith.mulf %max3A_945, %get3A_61 : vector<16xf32>
          %add3A_947 = arith.addf %add3A_933, %mul3A_946 : vector<16xf32>
          %get3A_948 = arith.index_cast %add3A_919 : i32 to index
          %get3A_949 = arith.constant 32 : index
          %get3A_950 = tpu.vector_load %arg10[%get3A_948, %get3A_949] {strides = array<i32>} : memref<128x128xf32, #tpu.memory_space<vmem>>, vector<1x16xf32>,
          %get3A_951 = vector.shape_cast %get3A_950 : vector<1x16xf32> to vector<16xf32>
          %get3A_952 = arith.index_cast %add3A_919 : i32 to index
          %get3A_953 = arith.constant 32 : index
          %get3A_954 = tpu.vector_load %arg12[%get3A_952, %get3A_953] {strides = array<i32>} : memref<128x128xf32, #tpu.memory_space<vmem>>, vector<1x16xf32>,
          %get3A_955 = vector.shape_cast %get3A_954 : vector<1x16xf32> to vector<16xf32>
          %add3A_956 = arith.addf %get3A_951, %get3A_955 : vector<16xf32>
          %max3A_957 = arith.constant 0.000000e+00 : f32
          %max3A_958 = vector.broadcast %max3A_957 : f32 to vector<16xf32>
          %max3A_959 = arith.maximumf %add3A_956, %max3A_958 : vector<16xf32>
          %mul3A_960 = arith.mulf %max3A_959, %get3A_64 : vector<16xf32>
          %add3A_961 = arith.addf %add3A_947, %mul3A_960 : vector<16xf32>
          %get3A_962 = arith.index_cast %add3A_919 : i32 to index
          %get3A_963 = arith.constant 48 : index
          %get3A_964 = tpu.vector_load %arg10[%get3A_962, %get3A_963] {strides = array<i32>} : memref<128x128xf32, #tpu.memory_space<vmem>>, vector<1x16xf32>,
          %get3A_965 = vector.shape_cast %get3A_964 : vector<1x16xf32> to vector<16xf32>
          %get3A_966 = arith.index_cast %add3A_919 : i32 to index
          %get3A_967 = arith.constant 48 : index
          %get3A_968 = tpu.vector_load %arg12[%get3A_966, %get3A_967] {strides = array<i32>} : memref<128x128xf32, #tpu.memory_space<vmem>>, vector<1x16xf32>,
          %get3A_969 = vector.shape_cast %get3A_968 : vector<1x16xf32> to vector<16xf32>
          %add3A_970 = arith.addf %get3A_965, %get3A_969 : vector<16xf32>
          %max3A_971 = arith.constant 0.000000e+00 : f32
          %max3A_972 = vector.broadcast %max3A_971 : f32 to vector<16xf32>
          %max3A_973 = arith.maximumf %add3A_970, %max3A_972 : vector<16xf32>
          %mul3A_974 = arith.mulf %max3A_973, %get3A_67 : vector<16xf32>
          %add3A_975 = arith.addf %add3A_961, %mul3A_974 : vector<16xf32>
          %get3A_976 = arith.index_cast %add3A_919 : i32 to index
          %get3A_977 = arith.constant 64 : index
          %get3A_978 = tpu.vector_load %arg10[%get3A_976, %get3A_977] {strides = array<i32>} : memref<128x128xf32, #tpu.memory_space<vmem>>, vector<1x16xf32>,
          %get3A_979 = vector.shape_cast %get3A_978 : vector<1x16xf32> to vector<16xf32>
          %get3A_980 = arith.index_cast %add3A_919 : i32 to index
          %get3A_981 = arith.constant 64 : index
          %get3A_982 = tpu.vector_load %arg12[%get3A_980, %get3A_981] {strides = array<i32>} : memref<128x128xf32, #tpu.memory_space<vmem>>, vector<1x16xf32>,
          %get3A_983 = vector.shape_cast %get3A_982 : vector<1x16xf32> to vector<16xf32>
          %add3A_984 = arith.addf %get3A_979, %get3A_983 : vector<16xf32>
          %max3A_985 = arith.constant 0.000000e+00 : f32
          %max3A_986 = vector.broadcast %max3A_985 : f32 to vector<16xf32>
          %max3A_987 = arith.maximumf %add3A_984, %max3A_986 : vector<16xf32>
          %mul3A_988 = arith.mulf %max3A_987, %get3A_70 : vector<16xf32>
          %add3A_989 = arith.addf %add3A_975, %mul3A_988 : vector<16xf32>
          %get3A_990 = arith.index_cast %add3A_919 : i32 to index
          %get3A_991 = arith.constant 80 : index
          %get3A_992 = tpu.vector_load %arg10[%get3A_990, %get3A_991] {strides = array<i32>} : memref<128x128xf32, #tpu.memory_space<vmem>>, vector<1x16xf32>,
          %get3A_993 = vector.shape_cast %get3A_992 : vector<1x16xf32> to vector<16xf32>
          %get3A_994 = arith.index_cast %add3A_919 : i32 to index
          %get3A_995 = arith.constant 80 : index
          %get3A_996 = tpu.vector_load %arg12[%get3A_994, %get3A_995] {strides = array<i32>} : memref<128x128xf32, #tpu.memory_space<vmem>>, vector<1x16xf32>,
          %get3A_997 = vector.shape_cast %get3A_996 : vector<1x16xf32> to vector<16xf32>
          %add3A_998 = arith.addf %get3A_993, %get3A_997 : vector<16xf32>
          %max3A_999 = arith.constant 0.000000e+00 : f32
          %max3A_1000 = vector.broadcast %max3A_999 : f32 to vector<16xf32>
          %max3A_1001 = arith.maximumf %add3A_998, %max3A_1000 : vector<16xf32>
          %mul3A_1002 = arith.mulf %max3A_1001, %get3A_73 : vector<16xf32>
          %add3A_1003 = arith.addf %add3A_989, %mul3A_1002 : vector<16xf32>
          %get3A_1004 = arith.index_cast %add3A_919 : i32 to index
          %get3A_1005 = arith.constant 96 : index
          %get3A_1006 = tpu.vector_load %arg10[%get3A_1004, %get3A_1005] {strides = array<i32>} : memref<128x128xf32, #tpu.memory_space<vmem>>, vector<1x16xf32>,
          %get3A_1007 = vector.shape_cast %get3A_1006 : vector<1x16xf32> to vector<16xf32>
          %get3A_1008 = arith.index_cast %add3A_919 : i32 to index
          %get3A_1009 = arith.constant 96 : index
          %get3A_1010 = tpu.vector_load %arg12[%get3A_1008, %get3A_1009] {strides = array<i32>} : memref<128x128xf32, #tpu.memory_space<vmem>>, vector<1x16xf32>,
          %get3A_1011 = vector.shape_cast %get3A_1010 : vector<1x16xf32> to vector<16xf32>
          %add3A_1012 = arith.addf %get3A_1007, %get3A_1011 : vector<16xf32>
          %max3A_1013 = arith.constant 0.000000e+00 : f32
          %max3A_1014 = vector.broadcast %max3A_1013 : f32 to vector<16xf32>
          %max3A_1015 = arith.maximumf %add3A_1012, %max3A_1014 : vector<16xf32>
          %mul3A_1016 = arith.mulf %max3A_1015, %get3A_76 : vector<16xf32>
          %add3A_1017 = arith.addf %add3A_1003, %mul3A_1016 : vector<16xf32>
          %get3A_1018 = arith.index_cast %add3A_919 : i32 to index
          %get3A_1019 = arith.constant 112 : index
          %get3A_1020 = tpu.vector_load %arg10[%get3A_1018, %get3A_1019] {strides = array<i32>} : memref<128x128xf32, #tpu.memory_space<vmem>>, vector<1x16xf32>,
          %get3A_1021 = vector.shape_cast %get3A_1020 : vector<1x16xf32> to vector<16xf32>
          %get3A_1022 = arith.index_cast %add3A_919 : i32 to index
          %get3A_1023 = arith.constant 112 : index
          %get3A_1024 = tpu.vector_load %arg12[%get3A_1022, %get3A_1023] {strides = array<i32>} : memref<128x128xf32, #tpu.memory_space<vmem>>, vector<1x16xf32>,
          %get3A_1025 = vector.shape_cast %get3A_1024 : vector<1x16xf32> to vector<16xf32>
          %add3A_1026 = arith.addf %get3A_1021, %get3A_1025 : vector<16xf32>
          %max3A_1027 = arith.constant 0.000000e+00 : f32
          %max3A_1028 = vector.broadcast %max3A_1027 : f32 to vector<16xf32>
          %max3A_1029 = arith.maximumf %add3A_1026, %max3A_1028 : vector<16xf32>
          %mul3A_1030 = arith.mulf %max3A_1029, %get3A_79 : vector<16xf32>
          %add3A_1031 = arith.addf %add3A_1017, %mul3A_1030 : vector<16xf32>
          %mul3A_1032 = arith.constant 16 : i32
          %mul3A_1033 = arith.muli %add3A_919, %mul3A_1032 : i32
          %swap3A_1034 = arith.index_cast %mul3A_1033 : i32 to index
          %swap3A_1035 = tpu.vector_load %arg14[%swap3A_1034] {strides = array<i32>} : memref<2048xf32, #tpu.memory_space<vmem>>, vector<16xf32>,
          %swap3A_1036 = vector.shape_cast %swap3A_1035 : vector<16xf32> to vector<16xf32>
          %swap3A_1037 = vector.shape_cast %add3A_1031 : vector<16xf32> to vector<16xf32>
          tpu.vector_store %arg14[%swap3A_1034], %swap3A_1037 {strides = array<i32>} : memref<2048xf32, #tpu.memory_space<vmem>>, vector<16xf32>,
          %mul3A_1038 = arith.constant 8 : i32
          %mul3A_1039 = arith.muli %scan3A_185, %mul3A_1038 : i32
          %add3A_1040 = arith.constant 7 : i32
          %add3A_1041 = arith.addi %mul3A_1039, %add3A_1040 : i32
          %get3A_1042 = arith.index_cast %add3A_1041 : i32 to index
          %get3A_1043 = arith.constant 0 : index
          %get3A_1044 = tpu.vector_load %arg10[%get3A_1042, %get3A_1043] {strides = array<i32>} : memref<128x128xf32, #tpu.memory_space<vmem>>, vector<1x16xf32>,
          %get3A_1045 = vector.shape_cast %get3A_1044 : vector<1x16xf32> to vector<16xf32>
          %get3A_1046 = arith.index_cast %add3A_1041 : i32 to index
          %get3A_1047 = arith.constant 0 : index
          %get3A_1048 = tpu.vector_load %arg12[%get3A_1046, %get3A_1047] {strides = array<i32>} : memref<128x128xf32, #tpu.memory_space<vmem>>, vector<1x16xf32>,
          %get3A_1049 = vector.shape_cast %get3A_1048 : vector<1x16xf32> to vector<16xf32>
          %add3A_1050 = arith.addf %get3A_1045, %get3A_1049 : vector<16xf32>
          %max3A_1051 = arith.constant 0.000000e+00 : f32
          %max3A_1052 = vector.broadcast %max3A_1051 : f32 to vector<16xf32>
          %max3A_1053 = arith.maximumf %add3A_1050, %max3A_1052 : vector<16xf32>
          %mul3A_1054 = arith.mulf %max3A_1053, %get3A_58 : vector<16xf32>
          %add3A_1055 = arith.addf %get3A_82, %mul3A_1054 : vector<16xf32>
          %get3A_1056 = arith.index_cast %add3A_1041 : i32 to index
          %get3A_1057 = arith.constant 16 : index
          %get3A_1058 = tpu.vector_load %arg10[%get3A_1056, %get3A_1057] {strides = array<i32>} : memref<128x128xf32, #tpu.memory_space<vmem>>, vector<1x16xf32>,
          %get3A_1059 = vector.shape_cast %get3A_1058 : vector<1x16xf32> to vector<16xf32>
          %get3A_1060 = arith.index_cast %add3A_1041 : i32 to index
          %get3A_1061 = arith.constant 16 : index
          %get3A_1062 = tpu.vector_load %arg12[%get3A_1060, %get3A_1061] {strides = array<i32>} : memref<128x128xf32, #tpu.memory_space<vmem>>, vector<1x16xf32>,
          %get3A_1063 = vector.shape_cast %get3A_1062 : vector<1x16xf32> to vector<16xf32>
          %add3A_1064 = arith.addf %get3A_1059, %get3A_1063 : vector<16xf32>
          %max3A_1065 = arith.constant 0.000000e+00 : f32
          %max3A_1066 = vector.broadcast %max3A_1065 : f32 to vector<16xf32>
          %max3A_1067 = arith.maximumf %add3A_1064, %max3A_1066 : vector<16xf32>
          %mul3A_1068 = arith.mulf %max3A_1067, %get3A_61 : vector<16xf32>
          %add3A_1069 = arith.addf %add3A_1055, %mul3A_1068 : vector<16xf32>
          %get3A_1070 = arith.index_cast %add3A_1041 : i32 to index
          %get3A_1071 = arith.constant 32 : index
          %get3A_1072 = tpu.vector_load %arg10[%get3A_1070, %get3A_1071] {strides = array<i32>} : memref<128x128xf32, #tpu.memory_space<vmem>>, vector<1x16xf32>,
          %get3A_1073 = vector.shape_cast %get3A_1072 : vector<1x16xf32> to vector<16xf32>
          %get3A_1074 = arith.index_cast %add3A_1041 : i32 to index
          %get3A_1075 = arith.constant 32 : index
          %get3A_1076 = tpu.vector_load %arg12[%get3A_1074, %get3A_1075] {strides = array<i32>} : memref<128x128xf32, #tpu.memory_space<vmem>>, vector<1x16xf32>,
          %get3A_1077 = vector.shape_cast %get3A_1076 : vector<1x16xf32> to vector<16xf32>
          %add3A_1078 = arith.addf %get3A_1073, %get3A_1077 : vector<16xf32>
          %max3A_1079 = arith.constant 0.000000e+00 : f32
          %max3A_1080 = vector.broadcast %max3A_1079 : f32 to vector<16xf32>
          %max3A_1081 = arith.maximumf %add3A_1078, %max3A_1080 : vector<16xf32>
          %mul3A_1082 = arith.mulf %max3A_1081, %get3A_64 : vector<16xf32>
          %add3A_1083 = arith.addf %add3A_1069, %mul3A_1082 : vector<16xf32>
          %get3A_1084 = arith.index_cast %add3A_1041 : i32 to index
          %get3A_1085 = arith.constant 48 : index
          %get3A_1086 = tpu.vector_load %arg10[%get3A_1084, %get3A_1085] {strides = array<i32>} : memref<128x128xf32, #tpu.memory_space<vmem>>, vector<1x16xf32>,
          %get3A_1087 = vector.shape_cast %get3A_1086 : vector<1x16xf32> to vector<16xf32>
          %get3A_1088 = arith.index_cast %add3A_1041 : i32 to index
          %get3A_1089 = arith.constant 48 : index
          %get3A_1090 = tpu.vector_load %arg12[%get3A_1088, %get3A_1089] {strides = array<i32>} : memref<128x128xf32, #tpu.memory_space<vmem>>, vector<1x16xf32>,
          %get3A_1091 = vector.shape_cast %get3A_1090 : vector<1x16xf32> to vector<16xf32>
          %add3A_1092 = arith.addf %get3A_1087, %get3A_1091 : vector<16xf32>
          %max3A_1093 = arith.constant 0.000000e+00 : f32
          %max3A_1094 = vector.broadcast %max3A_1093 : f32 to vector<16xf32>
          %max3A_1095 = arith.maximumf %add3A_1092, %max3A_1094 : vector<16xf32>
          %mul3A_1096 = arith.mulf %max3A_1095, %get3A_67 : vector<16xf32>
          %add3A_1097 = arith.addf %add3A_1083, %mul3A_1096 : vector<16xf32>
          %get3A_1098 = arith.index_cast %add3A_1041 : i32 to index
          %get3A_1099 = arith.constant 64 : index
          %get3A_1100 = tpu.vector_load %arg10[%get3A_1098, %get3A_1099] {strides = array<i32>} : memref<128x128xf32, #tpu.memory_space<vmem>>, vector<1x16xf32>,
          %get3A_1101 = vector.shape_cast %get3A_1100 : vector<1x16xf32> to vector<16xf32>
          %get3A_1102 = arith.index_cast %add3A_1041 : i32 to index
          %get3A_1103 = arith.constant 64 : index
          %get3A_1104 = tpu.vector_load %arg12[%get3A_1102, %get3A_1103] {strides = array<i32>} : memref<128x128xf32, #tpu.memory_space<vmem>>, vector<1x16xf32>,
          %get3A_1105 = vector.shape_cast %get3A_1104 : vector<1x16xf32> to vector<16xf32>
          %add3A_1106 = arith.addf %get3A_1101, %get3A_1105 : vector<16xf32>
          %max3A_1107 = arith.constant 0.000000e+00 : f32
          %max3A_1108 = vector.broadcast %max3A_1107 : f32 to vector<16xf32>
          %max3A_1109 = arith.maximumf %add3A_1106, %max3A_1108 : vector<16xf32>
          %mul3A_1110 = arith.mulf %max3A_1109, %get3A_70 : vector<16xf32>
          %add3A_1111 = arith.addf %add3A_1097, %mul3A_1110 : vector<16xf32>
          %get3A_1112 = arith.index_cast %add3A_1041 : i32 to index
          %get3A_1113 = arith.constant 80 : index
          %get3A_1114 = tpu.vector_load %arg10[%get3A_1112, %get3A_1113] {strides = array<i32>} : memref<128x128xf32, #tpu.memory_space<vmem>>, vector<1x16xf32>,
          %get3A_1115 = vector.shape_cast %get3A_1114 : vector<1x16xf32> to vector<16xf32>
          %get3A_1116 = arith.index_cast %add3A_1041 : i32 to index
          %get3A_1117 = arith.constant 80 : index
          %get3A_1118 = tpu.vector_load %arg12[%get3A_1116, %get3A_1117] {strides = array<i32>} : memref<128x128xf32, #tpu.memory_space<vmem>>, vector<1x16xf32>,
          %get3A_1119 = vector.shape_cast %get3A_1118 : vector<1x16xf32> to vector<16xf32>
          %add3A_1120 = arith.addf %get3A_1115, %get3A_1119 : vector<16xf32>
          %max3A_1121 = arith.constant 0.000000e+00 : f32
          %max3A_1122 = vector.broadcast %max3A_1121 : f32 to vector<16xf32>
          %max3A_1123 = arith.maximumf %add3A_1120, %max3A_1122 : vector<16xf32>
          %mul3A_1124 = arith.mulf %max3A_1123, %get3A_73 : vector<16xf32>
          %add3A_1125 = arith.addf %add3A_1111, %mul3A_1124 : vector<16xf32>
          %get3A_1126 = arith.index_cast %add3A_1041 : i32 to index
          %get3A_1127 = arith.constant 96 : index
          %get3A_1128 = tpu.vector_load %arg10[%get3A_1126, %get3A_1127] {strides = array<i32>} : memref<128x128xf32, #tpu.memory_space<vmem>>, vector<1x16xf32>,
          %get3A_1129 = vector.shape_cast %get3A_1128 : vector<1x16xf32> to vector<16xf32>
          %get3A_1130 = arith.index_cast %add3A_1041 : i32 to index
          %get3A_1131 = arith.constant 96 : index
          %get3A_1132 = tpu.vector_load %arg12[%get3A_1130, %get3A_1131] {strides = array<i32>} : memref<128x128xf32, #tpu.memory_space<vmem>>, vector<1x16xf32>,
          %get3A_1133 = vector.shape_cast %get3A_1132 : vector<1x16xf32> to vector<16xf32>
          %add3A_1134 = arith.addf %get3A_1129, %get3A_1133 : vector<16xf32>
          %max3A_1135 = arith.constant 0.000000e+00 : f32
          %max3A_1136 = vector.broadcast %max3A_1135 : f32 to vector<16xf32>
          %max3A_1137 = arith.maximumf %add3A_1134, %max3A_1136 : vector<16xf32>
          %mul3A_1138 = arith.mulf %max3A_1137, %get3A_76 : vector<16xf32>
          %add3A_1139 = arith.addf %add3A_1125, %mul3A_1138 : vector<16xf32>
          %get3A_1140 = arith.index_cast %add3A_1041 : i32 to index
          %get3A_1141 = arith.constant 112 : index
          %get3A_1142 = tpu.vector_load %arg10[%get3A_1140, %get3A_1141] {strides = array<i32>} : memref<128x128xf32, #tpu.memory_space<vmem>>, vector<1x16xf32>,
          %get3A_1143 = vector.shape_cast %get3A_1142 : vector<1x16xf32> to vector<16xf32>
          %get3A_1144 = arith.index_cast %add3A_1041 : i32 to index
          %get3A_1145 = arith.constant 112 : index
          %get3A_1146 = tpu.vector_load %arg12[%get3A_1144, %get3A_1145] {strides = array<i32>} : memref<128x128xf32, #tpu.memory_space<vmem>>, vector<1x16xf32>,
          %get3A_1147 = vector.shape_cast %get3A_1146 : vector<1x16xf32> to vector<16xf32>
          %add3A_1148 = arith.addf %get3A_1143, %get3A_1147 : vector<16xf32>
          %max3A_1149 = arith.constant 0.000000e+00 : f32
          %max3A_1150 = vector.broadcast %max3A_1149 : f32 to vector<16xf32>
          %max3A_1151 = arith.maximumf %add3A_1148, %max3A_1150 : vector<16xf32>
          %mul3A_1152 = arith.mulf %max3A_1151, %get3A_79 : vector<16xf32>
          %add3A_1153 = arith.addf %add3A_1139, %mul3A_1152 : vector<16xf32>
          %mul3A_1154 = arith.constant 16 : i32
          %mul3A_1155 = arith.muli %add3A_1041, %mul3A_1154 : i32
          %swap3A_1156 = arith.index_cast %mul3A_1155 : i32 to index
          %swap3A_1157 = tpu.vector_load %arg14[%swap3A_1156] {strides = array<i32>} : memref<2048xf32, #tpu.memory_space<vmem>>, vector<16xf32>,
          %swap3A_1158 = vector.shape_cast %swap3A_1157 : vector<16xf32> to vector<16xf32>
          %swap3A_1159 = vector.shape_cast %add3A_1153 : vector<16xf32> to vector<16xf32>
          tpu.vector_store %arg14[%swap3A_1156], %swap3A_1159 {strides = array<i32>} : memref<2048xf32, #tpu.memory_space<vmem>>, vector<16xf32>,
        }
        %scan3A_177 = arith.constant 16 : i32
        %add3A_178 = arith.addi %multiple_of3A, %add3A_114 : i32
        %dma_start3A_179 = arith.constant 0 : i32
        %dma_start3A_180 = tpu.memref_slice %arg7[%add3A_178, %dma_start3A_179] : memref<2500x2048xf32, #tpu.memory_space<hbm>> -> memref<1x2048xf32, #tpu.memory_space<hbm>>
        %dma_start3A_181 = tpu.memref_squeeze %dma_start3A_180 : memref<1x2048xf32, #tpu.memory_space<hbm>> -> memref<2048xf32, #tpu.memory_space<hbm>>
        %dma_start3A_182 = arith.constant 0 : i32
        %dma_start3A_183 = tpu.memref_slice %arg7[%add3A_178, %dma_start3A_182] : memref<2500x2048xf32, #tpu.memory_space<hbm>> -> memref<1x2048xf32, #tpu.memory_space<hbm>>
        %dma_start3A_184 = tpu.memref_squeeze %dma_start3A_183 : memref<1x2048xf32, #tpu.memory_space<hbm>> -> memref<2048xf32, #tpu.memory_space<hbm>>
        tpu.enqueue_dma source(%arg14 : memref<2048xf32, #tpu.memory_space<vmem>>) target(%dma_start3A_184 : memref<2048xf32, #tpu.memory_space<hbm>>) target_semaphore(%arg22 : memref<!tpu.dma_semaphore, #tpu.memory_space<semaphore_mem>>)
      } else {
      }
      %mul3A_132 = arith.constant 2 : i32
      %mul3A_133 = arith.muli %scan3A_110, %mul3A_132 : i32
      %add3A_134 = arith.constant 1 : i32
      %add3A_135 = arith.addi %mul3A_133, %add3A_134 : i32
      %add3A_136 = arith.constant 1 : i32
      %add3A_137 = arith.addi %add3A_135, %add3A_136 : i32
      %lt3A_138 = arith.cmpi slt, %add3A_137, %mul3A_51 : i32
      %add3A_139 = arith.addi %multiple_of3A, %add3A_135 : i32
      %add3A_140 = arith.constant 1 : i32
      %add3A_141 = arith.addi %add3A_139, %add3A_140 : i32
      %lt3A_142 = arith.constant 2500 : i32
      %lt3A_143 = arith.cmpi slt, %add3A_141, %lt3A_142 : i32
      %and3A_144 = arith.andi %lt3A_138, %lt3A_143 : i1
      %convert_element_type3A_145 = arith.extui %and3A_144 : i1 to i32
      %cond3A_146 = arith.constant 0 : i32
      %cond3A_147 = arith.cmpi ne, %convert_element_type3A_145, %cond3A_146 : i32
      scf.if %cond3A_147 {
        %add3A_156 = arith.constant 1 : i32
        %add3A_157 = arith.addi %add3A_135, %add3A_156 : i32
        %mul3A_158 = arith.constant 128 : i32
        %mul3A_159 = arith.muli %add3A_157, %mul3A_158 : i32
        %dma_start3A_160 = tpu.memref_slice %arg8[%mul3A_159] : memref<10240xi32, #tpu.memory_space<vmem>> -> memref<128xi32, #tpu.memory_space<vmem>>
        %dma_start3A_161 = arith.constant 0 : i32
        %dma_start3A_162 = arith.constant 0 : i32
        %dma_start3A_163 = tpu.memref_slice %arg2[%dma_start3A_161, %dma_start3A_162] : memref<10000x128xf32, #tpu.memory_space<hbm>> -> memref<10000x128xf32, #tpu.memory_space<hbm>>
        tpu.enqueue_indirect_dma source(%dma_start3A_163 : memref<10000x128xf32, #tpu.memory_space<hbm>>) target(%arg10 : memref<128x128xf32, #tpu.memory_space<vmem>>) offsets(%dma_start3A_160 : memref<128xi32, #tpu.memory_space<vmem>>) semaphore(%arg18 : memref<!tpu.dma_semaphore, #tpu.memory_space<semaphore_mem>>)
        %mul3A_164 = arith.constant 128 : i32
        %mul3A_165 = arith.muli %add3A_157, %mul3A_164 : i32
        %dma_start3A_166 = tpu.memref_slice %arg9[%mul3A_165] : memref<10240xi32, #tpu.memory_space<vmem>> -> memref<128xi32, #tpu.memory_space<vmem>>
        %dma_start3A_167 = arith.constant 0 : i32
        %dma_start3A_168 = arith.constant 0 : i32
        %dma_start3A_169 = tpu.memref_slice %arg3[%dma_start3A_167, %dma_start3A_168] : memref<10000x128xf32, #tpu.memory_space<hbm>> -> memref<10000x128xf32, #tpu.memory_space<hbm>>
        tpu.enqueue_indirect_dma source(%dma_start3A_169 : memref<10000x128xf32, #tpu.memory_space<hbm>>) target(%arg12 : memref<128x128xf32, #tpu.memory_space<vmem>>) offsets(%dma_start3A_166 : memref<128xi32, #tpu.memory_space<vmem>>) semaphore(%arg20 : memref<!tpu.dma_semaphore, #tpu.memory_space<semaphore_mem>>)
      } else {
      }
      %lt3A_148 = arith.cmpi slt, %add3A_135, %mul3A_51 : i32
      %add3A_149 = arith.addi %multiple_of3A, %add3A_135 : i32
      %lt3A_150 = arith.constant 2500 : i32
      %lt3A_151 = arith.cmpi slt, %add3A_149, %lt3A_150 : i32
      %and3A_152 = arith.andi %lt3A_148, %lt3A_151 : i1
      %convert_element_type3A_153 = arith.extui %and3A_152 : i1 to i32
      %cond3A_154 = arith.constant 0 : i32
      %cond3A_155 = arith.cmpi ne, %convert_element_type3A_153, %cond3A_154 : i32
      scf.if %cond3A_155 {
        %mul3A_156 = arith.constant 128 : i32
        %mul3A_157 = arith.muli %add3A_135, %mul3A_156 : i32
        %dma_wait3A_158 = tpu.memref_slice %arg8[%mul3A_157] : memref<10240xi32, #tpu.memory_space<vmem>> -> memref<128xi32, #tpu.memory_space<vmem>>
        %dma_wait3A_159 = arith.constant 0 : i32
        %dma_wait3A_160 = arith.constant 0 : i32
        %dma_wait3A_161 = tpu.memref_slice %arg2[%dma_wait3A_159, %dma_wait3A_160] : memref<10000x128xf32, #tpu.memory_space<hbm>> -> memref<10000x128xf32, #tpu.memory_space<hbm>>
        tpu.wait_indirect_dma semaphore(%arg19 : memref<!tpu.dma_semaphore, #tpu.memory_space<semaphore_mem>>) src(%dma_wait3A_161 : memref<10000x128xf32, #tpu.memory_space<hbm>>) dst(%arg11 : memref<128x128xf32, #tpu.memory_space<vmem>>)
        %mul3A_162 = arith.constant 128 : i32
        %mul3A_163 = arith.muli %add3A_135, %mul3A_162 : i32
        %dma_wait3A_164 = tpu.memref_slice %arg9[%mul3A_163] : memref<10240xi32, #tpu.memory_space<vmem>> -> memref<128xi32, #tpu.memory_space<vmem>>
        %dma_wait3A_165 = arith.constant 0 : i32
        %dma_wait3A_166 = arith.constant 0 : i32
        %dma_wait3A_167 = tpu.memref_slice %arg3[%dma_wait3A_165, %dma_wait3A_166] : memref<10000x128xf32, #tpu.memory_space<hbm>> -> memref<10000x128xf32, #tpu.memory_space<hbm>>
        tpu.wait_indirect_dma semaphore(%arg21 : memref<!tpu.dma_semaphore, #tpu.memory_space<semaphore_mem>>) src(%dma_wait3A_167 : memref<10000x128xf32, #tpu.memory_space<hbm>>) dst(%arg13 : memref<128x128xf32, #tpu.memory_space<vmem>>)
        %ge3A = arith.constant 2 : i32
        %ge3A_168 = arith.cmpi sge, %add3A_135, %ge3A : i32
        %convert_element_type3A_169 = arith.extui %ge3A_168 : i1 to i32
        %cond3A_170 = arith.constant 0 : i32
        %cond3A_171 = arith.cmpi ne, %convert_element_type3A_169, %cond3A_170 : i32
        scf.if %cond3A_171 {
          %dma_wait3A_185 = arith.constant 0 : i32
          %dma_wait3A_186 = arith.constant 0 : i32
          %dma_wait3A_187 = tpu.memref_slice %arg7[%dma_wait3A_185, %dma_wait3A_186] : memref<2500x2048xf32, #tpu.memory_space<hbm>> -> memref<1x2048xf32, #tpu.memory_space<hbm>>
          %dma_wait3A_188 = tpu.memref_squeeze %dma_wait3A_187 : memref<1x2048xf32, #tpu.memory_space<hbm>> -> memref<2048xf32, #tpu.memory_space<hbm>>
          %dma_wait3A_189 = arith.constant 0 : i32
          %dma_wait3A_190 = tpu.memref_slice %arg7[%dma_wait3A_185, %dma_wait3A_189] : memref<2500x2048xf32, #tpu.memory_space<hbm>> -> memref<1x2048xf32, #tpu.memory_space<hbm>>
          %dma_wait3A_191 = tpu.memref_squeeze %dma_wait3A_190 : memref<1x2048xf32, #tpu.memory_space<hbm>> -> memref<2048xf32, #tpu.memory_space<hbm>>
          tpu.wait_dma2 semaphore(%arg23 : memref<!tpu.dma_semaphore, #tpu.memory_space<semaphore_mem>>) src(%dma_wait3A_191 : memref<2048xf32, #tpu.memory_space<hbm>>) dst(%arg15 : memref<2048xf32, #tpu.memory_space<vmem>>)
        } else {
        }
        %scan3A_172 = arith.constant 0 : i32
        %scan3A_173 = arith.constant 0 : i32
        %scan3A_174 = arith.constant 16 : i32
        %scan3A_175 = arith.addi %scan3A_173, %scan3A_174 : i32
        %scan3A_176 = arith.constant 1 : i32
        scf.for %scan3A_185 = %scan3A_173 to %scan3A_175 step %scan3A_176  : i32 {
          %mul3A_186 = arith.constant 8 : i32
          %mul3A_187 = arith.muli %scan3A_185, %mul3A_186 : i32
          %add3A_188 = arith.constant 0 : i32
          %add3A_189 = arith.addi %mul3A_187, %add3A_188 : i32
          %get3A_190 = arith.index_cast %add3A_189 : i32 to index
          %get3A_191 = arith.constant 0 : index
          %get3A_192 = tpu.vector_load %arg11[%get3A_190, %get3A_191] {strides = array<i32>} : memref<128x128xf32, #tpu.memory_space<vmem>>, vector<1x16xf32>,
          %get3A_193 = vector.shape_cast %get3A_192 : vector<1x16xf32> to vector<16xf32>
          %get3A_194 = arith.index_cast %add3A_189 : i32 to index
          %get3A_195 = arith.constant 0 : index
          %get3A_196 = tpu.vector_load %arg13[%get3A_194, %get3A_195] {strides = array<i32>} : memref<128x128xf32, #tpu.memory_space<vmem>>, vector<1x16xf32>,
          %get3A_197 = vector.shape_cast %get3A_196 : vector<1x16xf32> to vector<16xf32>
          %add3A_198 = arith.addf %get3A_193, %get3A_197 : vector<16xf32>
          %max3A = arith.constant 0.000000e+00 : f32
          %max3A_199 = vector.broadcast %max3A : f32 to vector<16xf32>
          %max3A_200 = arith.maximumf %add3A_198, %max3A_199 : vector<16xf32>
          %mul3A_201 = arith.mulf %max3A_200, %get3A_58 : vector<16xf32>
          %add3A_202 = arith.addf %get3A_82, %mul3A_201 : vector<16xf32>
          %get3A_203 = arith.index_cast %add3A_189 : i32 to index
          %get3A_204 = arith.constant 16 : index
          %get3A_205 = tpu.vector_load %arg11[%get3A_203, %get3A_204] {strides = array<i32>} : memref<128x128xf32, #tpu.memory_space<vmem>>, vector<1x16xf32>,
          %get3A_206 = vector.shape_cast %get3A_205 : vector<1x16xf32> to vector<16xf32>
          %get3A_207 = arith.index_cast %add3A_189 : i32 to index
          %get3A_208 = arith.constant 16 : index
          %get3A_209 = tpu.vector_load %arg13[%get3A_207, %get3A_208] {strides = array<i32>} : memref<128x128xf32, #tpu.memory_space<vmem>>, vector<1x16xf32>,
          %get3A_210 = vector.shape_cast %get3A_209 : vector<1x16xf32> to vector<16xf32>
          %add3A_211 = arith.addf %get3A_206, %get3A_210 : vector<16xf32>
          %max3A_212 = arith.constant 0.000000e+00 : f32
          %max3A_213 = vector.broadcast %max3A_212 : f32 to vector<16xf32>
          %max3A_214 = arith.maximumf %add3A_211, %max3A_213 : vector<16xf32>
          %mul3A_215 = arith.mulf %max3A_214, %get3A_61 : vector<16xf32>
          %add3A_216 = arith.addf %add3A_202, %mul3A_215 : vector<16xf32>
          %get3A_217 = arith.index_cast %add3A_189 : i32 to index
          %get3A_218 = arith.constant 32 : index
          %get3A_219 = tpu.vector_load %arg11[%get3A_217, %get3A_218] {strides = array<i32>} : memref<128x128xf32, #tpu.memory_space<vmem>>, vector<1x16xf32>,
          %get3A_220 = vector.shape_cast %get3A_219 : vector<1x16xf32> to vector<16xf32>
          %get3A_221 = arith.index_cast %add3A_189 : i32 to index
          %get3A_222 = arith.constant 32 : index
          %get3A_223 = tpu.vector_load %arg13[%get3A_221, %get3A_222] {strides = array<i32>} : memref<128x128xf32, #tpu.memory_space<vmem>>, vector<1x16xf32>,
          %get3A_224 = vector.shape_cast %get3A_223 : vector<1x16xf32> to vector<16xf32>
          %add3A_225 = arith.addf %get3A_220, %get3A_224 : vector<16xf32>
          %max3A_226 = arith.constant 0.000000e+00 : f32
          %max3A_227 = vector.broadcast %max3A_226 : f32 to vector<16xf32>
          %max3A_228 = arith.maximumf %add3A_225, %max3A_227 : vector<16xf32>
          %mul3A_229 = arith.mulf %max3A_228, %get3A_64 : vector<16xf32>
          %add3A_230 = arith.addf %add3A_216, %mul3A_229 : vector<16xf32>
          %get3A_231 = arith.index_cast %add3A_189 : i32 to index
          %get3A_232 = arith.constant 48 : index
          %get3A_233 = tpu.vector_load %arg11[%get3A_231, %get3A_232] {strides = array<i32>} : memref<128x128xf32, #tpu.memory_space<vmem>>, vector<1x16xf32>,
          %get3A_234 = vector.shape_cast %get3A_233 : vector<1x16xf32> to vector<16xf32>
          %get3A_235 = arith.index_cast %add3A_189 : i32 to index
          %get3A_236 = arith.constant 48 : index
          %get3A_237 = tpu.vector_load %arg13[%get3A_235, %get3A_236] {strides = array<i32>} : memref<128x128xf32, #tpu.memory_space<vmem>>, vector<1x16xf32>,
          %get3A_238 = vector.shape_cast %get3A_237 : vector<1x16xf32> to vector<16xf32>
          %add3A_239 = arith.addf %get3A_234, %get3A_238 : vector<16xf32>
          %max3A_240 = arith.constant 0.000000e+00 : f32
          %max3A_241 = vector.broadcast %max3A_240 : f32 to vector<16xf32>
          %max3A_242 = arith.maximumf %add3A_239, %max3A_241 : vector<16xf32>
          %mul3A_243 = arith.mulf %max3A_242, %get3A_67 : vector<16xf32>
          %add3A_244 = arith.addf %add3A_230, %mul3A_243 : vector<16xf32>
          %get3A_245 = arith.index_cast %add3A_189 : i32 to index
          %get3A_246 = arith.constant 64 : index
          %get3A_247 = tpu.vector_load %arg11[%get3A_245, %get3A_246] {strides = array<i32>} : memref<128x128xf32, #tpu.memory_space<vmem>>, vector<1x16xf32>,
          %get3A_248 = vector.shape_cast %get3A_247 : vector<1x16xf32> to vector<16xf32>
          %get3A_249 = arith.index_cast %add3A_189 : i32 to index
          %get3A_250 = arith.constant 64 : index
          %get3A_251 = tpu.vector_load %arg13[%get3A_249, %get3A_250] {strides = array<i32>} : memref<128x128xf32, #tpu.memory_space<vmem>>, vector<1x16xf32>,
          %get3A_252 = vector.shape_cast %get3A_251 : vector<1x16xf32> to vector<16xf32>
          %add3A_253 = arith.addf %get3A_248, %get3A_252 : vector<16xf32>
          %max3A_254 = arith.constant 0.000000e+00 : f32
          %max3A_255 = vector.broadcast %max3A_254 : f32 to vector<16xf32>
          %max3A_256 = arith.maximumf %add3A_253, %max3A_255 : vector<16xf32>
          %mul3A_257 = arith.mulf %max3A_256, %get3A_70 : vector<16xf32>
          %add3A_258 = arith.addf %add3A_244, %mul3A_257 : vector<16xf32>
          %get3A_259 = arith.index_cast %add3A_189 : i32 to index
          %get3A_260 = arith.constant 80 : index
          %get3A_261 = tpu.vector_load %arg11[%get3A_259, %get3A_260] {strides = array<i32>} : memref<128x128xf32, #tpu.memory_space<vmem>>, vector<1x16xf32>,
          %get3A_262 = vector.shape_cast %get3A_261 : vector<1x16xf32> to vector<16xf32>
          %get3A_263 = arith.index_cast %add3A_189 : i32 to index
          %get3A_264 = arith.constant 80 : index
          %get3A_265 = tpu.vector_load %arg13[%get3A_263, %get3A_264] {strides = array<i32>} : memref<128x128xf32, #tpu.memory_space<vmem>>, vector<1x16xf32>,
          %get3A_266 = vector.shape_cast %get3A_265 : vector<1x16xf32> to vector<16xf32>
          %add3A_267 = arith.addf %get3A_262, %get3A_266 : vector<16xf32>
          %max3A_268 = arith.constant 0.000000e+00 : f32
          %max3A_269 = vector.broadcast %max3A_268 : f32 to vector<16xf32>
          %max3A_270 = arith.maximumf %add3A_267, %max3A_269 : vector<16xf32>
          %mul3A_271 = arith.mulf %max3A_270, %get3A_73 : vector<16xf32>
          %add3A_272 = arith.addf %add3A_258, %mul3A_271 : vector<16xf32>
          %get3A_273 = arith.index_cast %add3A_189 : i32 to index
          %get3A_274 = arith.constant 96 : index
          %get3A_275 = tpu.vector_load %arg11[%get3A_273, %get3A_274] {strides = array<i32>} : memref<128x128xf32, #tpu.memory_space<vmem>>, vector<1x16xf32>,
          %get3A_276 = vector.shape_cast %get3A_275 : vector<1x16xf32> to vector<16xf32>
          %get3A_277 = arith.index_cast %add3A_189 : i32 to index
          %get3A_278 = arith.constant 96 : index
          %get3A_279 = tpu.vector_load %arg13[%get3A_277, %get3A_278] {strides = array<i32>} : memref<128x128xf32, #tpu.memory_space<vmem>>, vector<1x16xf32>,
          %get3A_280 = vector.shape_cast %get3A_279 : vector<1x16xf32> to vector<16xf32>
          %add3A_281 = arith.addf %get3A_276, %get3A_280 : vector<16xf32>
          %max3A_282 = arith.constant 0.000000e+00 : f32
          %max3A_283 = vector.broadcast %max3A_282 : f32 to vector<16xf32>
          %max3A_284 = arith.maximumf %add3A_281, %max3A_283 : vector<16xf32>
          %mul3A_285 = arith.mulf %max3A_284, %get3A_76 : vector<16xf32>
          %add3A_286 = arith.addf %add3A_272, %mul3A_285 : vector<16xf32>
          %get3A_287 = arith.index_cast %add3A_189 : i32 to index
          %get3A_288 = arith.constant 112 : index
          %get3A_289 = tpu.vector_load %arg11[%get3A_287, %get3A_288] {strides = array<i32>} : memref<128x128xf32, #tpu.memory_space<vmem>>, vector<1x16xf32>,
          %get3A_290 = vector.shape_cast %get3A_289 : vector<1x16xf32> to vector<16xf32>
          %get3A_291 = arith.index_cast %add3A_189 : i32 to index
          %get3A_292 = arith.constant 112 : index
          %get3A_293 = tpu.vector_load %arg13[%get3A_291, %get3A_292] {strides = array<i32>} : memref<128x128xf32, #tpu.memory_space<vmem>>, vector<1x16xf32>,
          %get3A_294 = vector.shape_cast %get3A_293 : vector<1x16xf32> to vector<16xf32>
          %add3A_295 = arith.addf %get3A_290, %get3A_294 : vector<16xf32>
          %max3A_296 = arith.constant 0.000000e+00 : f32
          %max3A_297 = vector.broadcast %max3A_296 : f32 to vector<16xf32>
          %max3A_298 = arith.maximumf %add3A_295, %max3A_297 : vector<16xf32>
          %mul3A_299 = arith.mulf %max3A_298, %get3A_79 : vector<16xf32>
          %add3A_300 = arith.addf %add3A_286, %mul3A_299 : vector<16xf32>
          %mul3A_301 = arith.constant 16 : i32
          %mul3A_302 = arith.muli %add3A_189, %mul3A_301 : i32
          %swap3A = arith.index_cast %mul3A_302 : i32 to index
          %swap3A_303 = tpu.vector_load %arg15[%swap3A] {strides = array<i32>} : memref<2048xf32, #tpu.memory_space<vmem>>, vector<16xf32>,
          %swap3A_304 = vector.shape_cast %swap3A_303 : vector<16xf32> to vector<16xf32>
          %swap3A_305 = vector.shape_cast %add3A_300 : vector<16xf32> to vector<16xf32>
          tpu.vector_store %arg15[%swap3A], %swap3A_305 {strides = array<i32>} : memref<2048xf32, #tpu.memory_space<vmem>>, vector<16xf32>,
          %mul3A_306 = arith.constant 8 : i32
          %mul3A_307 = arith.muli %scan3A_185, %mul3A_306 : i32
          %add3A_308 = arith.constant 1 : i32
          %add3A_309 = arith.addi %mul3A_307, %add3A_308 : i32
          %get3A_310 = arith.index_cast %add3A_309 : i32 to index
          %get3A_311 = arith.constant 0 : index
          %get3A_312 = tpu.vector_load %arg11[%get3A_310, %get3A_311] {strides = array<i32>} : memref<128x128xf32, #tpu.memory_space<vmem>>, vector<1x16xf32>,
          %get3A_313 = vector.shape_cast %get3A_312 : vector<1x16xf32> to vector<16xf32>
          %get3A_314 = arith.index_cast %add3A_309 : i32 to index
          %get3A_315 = arith.constant 0 : index
          %get3A_316 = tpu.vector_load %arg13[%get3A_314, %get3A_315] {strides = array<i32>} : memref<128x128xf32, #tpu.memory_space<vmem>>, vector<1x16xf32>,
          %get3A_317 = vector.shape_cast %get3A_316 : vector<1x16xf32> to vector<16xf32>
          %add3A_318 = arith.addf %get3A_313, %get3A_317 : vector<16xf32>
          %max3A_319 = arith.constant 0.000000e+00 : f32
          %max3A_320 = vector.broadcast %max3A_319 : f32 to vector<16xf32>
          %max3A_321 = arith.maximumf %add3A_318, %max3A_320 : vector<16xf32>
          %mul3A_322 = arith.mulf %max3A_321, %get3A_58 : vector<16xf32>
          %add3A_323 = arith.addf %get3A_82, %mul3A_322 : vector<16xf32>
          %get3A_324 = arith.index_cast %add3A_309 : i32 to index
          %get3A_325 = arith.constant 16 : index
          %get3A_326 = tpu.vector_load %arg11[%get3A_324, %get3A_325] {strides = array<i32>} : memref<128x128xf32, #tpu.memory_space<vmem>>, vector<1x16xf32>,
          %get3A_327 = vector.shape_cast %get3A_326 : vector<1x16xf32> to vector<16xf32>
          %get3A_328 = arith.index_cast %add3A_309 : i32 to index
          %get3A_329 = arith.constant 16 : index
          %get3A_330 = tpu.vector_load %arg13[%get3A_328, %get3A_329] {strides = array<i32>} : memref<128x128xf32, #tpu.memory_space<vmem>>, vector<1x16xf32>,
          %get3A_331 = vector.shape_cast %get3A_330 : vector<1x16xf32> to vector<16xf32>
          %add3A_332 = arith.addf %get3A_327, %get3A_331 : vector<16xf32>
          %max3A_333 = arith.constant 0.000000e+00 : f32
          %max3A_334 = vector.broadcast %max3A_333 : f32 to vector<16xf32>
          %max3A_335 = arith.maximumf %add3A_332, %max3A_334 : vector<16xf32>
          %mul3A_336 = arith.mulf %max3A_335, %get3A_61 : vector<16xf32>
          %add3A_337 = arith.addf %add3A_323, %mul3A_336 : vector<16xf32>
          %get3A_338 = arith.index_cast %add3A_309 : i32 to index
          %get3A_339 = arith.constant 32 : index
          %get3A_340 = tpu.vector_load %arg11[%get3A_338, %get3A_339] {strides = array<i32>} : memref<128x128xf32, #tpu.memory_space<vmem>>, vector<1x16xf32>,
          %get3A_341 = vector.shape_cast %get3A_340 : vector<1x16xf32> to vector<16xf32>
          %get3A_342 = arith.index_cast %add3A_309 : i32 to index
          %get3A_343 = arith.constant 32 : index
          %get3A_344 = tpu.vector_load %arg13[%get3A_342, %get3A_343] {strides = array<i32>} : memref<128x128xf32, #tpu.memory_space<vmem>>, vector<1x16xf32>,
          %get3A_345 = vector.shape_cast %get3A_344 : vector<1x16xf32> to vector<16xf32>
          %add3A_346 = arith.addf %get3A_341, %get3A_345 : vector<16xf32>
          %max3A_347 = arith.constant 0.000000e+00 : f32
          %max3A_348 = vector.broadcast %max3A_347 : f32 to vector<16xf32>
          %max3A_349 = arith.maximumf %add3A_346, %max3A_348 : vector<16xf32>
          %mul3A_350 = arith.mulf %max3A_349, %get3A_64 : vector<16xf32>
          %add3A_351 = arith.addf %add3A_337, %mul3A_350 : vector<16xf32>
          %get3A_352 = arith.index_cast %add3A_309 : i32 to index
          %get3A_353 = arith.constant 48 : index
          %get3A_354 = tpu.vector_load %arg11[%get3A_352, %get3A_353] {strides = array<i32>} : memref<128x128xf32, #tpu.memory_space<vmem>>, vector<1x16xf32>,
          %get3A_355 = vector.shape_cast %get3A_354 : vector<1x16xf32> to vector<16xf32>
          %get3A_356 = arith.index_cast %add3A_309 : i32 to index
          %get3A_357 = arith.constant 48 : index
          %get3A_358 = tpu.vector_load %arg13[%get3A_356, %get3A_357] {strides = array<i32>} : memref<128x128xf32, #tpu.memory_space<vmem>>, vector<1x16xf32>,
          %get3A_359 = vector.shape_cast %get3A_358 : vector<1x16xf32> to vector<16xf32>
          %add3A_360 = arith.addf %get3A_355, %get3A_359 : vector<16xf32>
          %max3A_361 = arith.constant 0.000000e+00 : f32
          %max3A_362 = vector.broadcast %max3A_361 : f32 to vector<16xf32>
          %max3A_363 = arith.maximumf %add3A_360, %max3A_362 : vector<16xf32>
          %mul3A_364 = arith.mulf %max3A_363, %get3A_67 : vector<16xf32>
          %add3A_365 = arith.addf %add3A_351, %mul3A_364 : vector<16xf32>
          %get3A_366 = arith.index_cast %add3A_309 : i32 to index
          %get3A_367 = arith.constant 64 : index
          %get3A_368 = tpu.vector_load %arg11[%get3A_366, %get3A_367] {strides = array<i32>} : memref<128x128xf32, #tpu.memory_space<vmem>>, vector<1x16xf32>,
          %get3A_369 = vector.shape_cast %get3A_368 : vector<1x16xf32> to vector<16xf32>
          %get3A_370 = arith.index_cast %add3A_309 : i32 to index
          %get3A_371 = arith.constant 64 : index
          %get3A_372 = tpu.vector_load %arg13[%get3A_370, %get3A_371] {strides = array<i32>} : memref<128x128xf32, #tpu.memory_space<vmem>>, vector<1x16xf32>,
          %get3A_373 = vector.shape_cast %get3A_372 : vector<1x16xf32> to vector<16xf32>
          %add3A_374 = arith.addf %get3A_369, %get3A_373 : vector<16xf32>
          %max3A_375 = arith.constant 0.000000e+00 : f32
          %max3A_376 = vector.broadcast %max3A_375 : f32 to vector<16xf32>
          %max3A_377 = arith.maximumf %add3A_374, %max3A_376 : vector<16xf32>
          %mul3A_378 = arith.mulf %max3A_377, %get3A_70 : vector<16xf32>
          %add3A_379 = arith.addf %add3A_365, %mul3A_378 : vector<16xf32>
          %get3A_380 = arith.index_cast %add3A_309 : i32 to index
          %get3A_381 = arith.constant 80 : index
          %get3A_382 = tpu.vector_load %arg11[%get3A_380, %get3A_381] {strides = array<i32>} : memref<128x128xf32, #tpu.memory_space<vmem>>, vector<1x16xf32>,
          %get3A_383 = vector.shape_cast %get3A_382 : vector<1x16xf32> to vector<16xf32>
          %get3A_384 = arith.index_cast %add3A_309 : i32 to index
          %get3A_385 = arith.constant 80 : index
          %get3A_386 = tpu.vector_load %arg13[%get3A_384, %get3A_385] {strides = array<i32>} : memref<128x128xf32, #tpu.memory_space<vmem>>, vector<1x16xf32>,
          %get3A_387 = vector.shape_cast %get3A_386 : vector<1x16xf32> to vector<16xf32>
          %add3A_388 = arith.addf %get3A_383, %get3A_387 : vector<16xf32>
          %max3A_389 = arith.constant 0.000000e+00 : f32
          %max3A_390 = vector.broadcast %max3A_389 : f32 to vector<16xf32>
          %max3A_391 = arith.maximumf %add3A_388, %max3A_390 : vector<16xf32>
          %mul3A_392 = arith.mulf %max3A_391, %get3A_73 : vector<16xf32>
          %add3A_393 = arith.addf %add3A_379, %mul3A_392 : vector<16xf32>
          %get3A_394 = arith.index_cast %add3A_309 : i32 to index
          %get3A_395 = arith.constant 96 : index
          %get3A_396 = tpu.vector_load %arg11[%get3A_394, %get3A_395] {strides = array<i32>} : memref<128x128xf32, #tpu.memory_space<vmem>>, vector<1x16xf32>,
          %get3A_397 = vector.shape_cast %get3A_396 : vector<1x16xf32> to vector<16xf32>
          %get3A_398 = arith.index_cast %add3A_309 : i32 to index
          %get3A_399 = arith.constant 96 : index
          %get3A_400 = tpu.vector_load %arg13[%get3A_398, %get3A_399] {strides = array<i32>} : memref<128x128xf32, #tpu.memory_space<vmem>>, vector<1x16xf32>,
          %get3A_401 = vector.shape_cast %get3A_400 : vector<1x16xf32> to vector<16xf32>
          %add3A_402 = arith.addf %get3A_397, %get3A_401 : vector<16xf32>
          %max3A_403 = arith.constant 0.000000e+00 : f32
          %max3A_404 = vector.broadcast %max3A_403 : f32 to vector<16xf32>
          %max3A_405 = arith.maximumf %add3A_402, %max3A_404 : vector<16xf32>
          %mul3A_406 = arith.mulf %max3A_405, %get3A_76 : vector<16xf32>
          %add3A_407 = arith.addf %add3A_393, %mul3A_406 : vector<16xf32>
          %get3A_408 = arith.index_cast %add3A_309 : i32 to index
          %get3A_409 = arith.constant 112 : index
          %get3A_410 = tpu.vector_load %arg11[%get3A_408, %get3A_409] {strides = array<i32>} : memref<128x128xf32, #tpu.memory_space<vmem>>, vector<1x16xf32>,
          %get3A_411 = vector.shape_cast %get3A_410 : vector<1x16xf32> to vector<16xf32>
          %get3A_412 = arith.index_cast %add3A_309 : i32 to index
          %get3A_413 = arith.constant 112 : index
          %get3A_414 = tpu.vector_load %arg13[%get3A_412, %get3A_413] {strides = array<i32>} : memref<128x128xf32, #tpu.memory_space<vmem>>, vector<1x16xf32>,
          %get3A_415 = vector.shape_cast %get3A_414 : vector<1x16xf32> to vector<16xf32>
          %add3A_416 = arith.addf %get3A_411, %get3A_415 : vector<16xf32>
          %max3A_417 = arith.constant 0.000000e+00 : f32
          %max3A_418 = vector.broadcast %max3A_417 : f32 to vector<16xf32>
          %max3A_419 = arith.maximumf %add3A_416, %max3A_418 : vector<16xf32>
          %mul3A_420 = arith.mulf %max3A_419, %get3A_79 : vector<16xf32>
          %add3A_421 = arith.addf %add3A_407, %mul3A_420 : vector<16xf32>
          %mul3A_422 = arith.constant 16 : i32
          %mul3A_423 = arith.muli %add3A_309, %mul3A_422 : i32
          %swap3A_424 = arith.index_cast %mul3A_423 : i32 to index
          %swap3A_425 = tpu.vector_load %arg15[%swap3A_424] {strides = array<i32>} : memref<2048xf32, #tpu.memory_space<vmem>>, vector<16xf32>,
          %swap3A_426 = vector.shape_cast %swap3A_425 : vector<16xf32> to vector<16xf32>
          %swap3A_427 = vector.shape_cast %add3A_421 : vector<16xf32> to vector<16xf32>
          tpu.vector_store %arg15[%swap3A_424], %swap3A_427 {strides = array<i32>} : memref<2048xf32, #tpu.memory_space<vmem>>, vector<16xf32>,
          %mul3A_428 = arith.constant 8 : i32
          %mul3A_429 = arith.muli %scan3A_185, %mul3A_428 : i32
          %add3A_430 = arith.constant 2 : i32
          %add3A_431 = arith.addi %mul3A_429, %add3A_430 : i32
          %get3A_432 = arith.index_cast %add3A_431 : i32 to index
          %get3A_433 = arith.constant 0 : index
          %get3A_434 = tpu.vector_load %arg11[%get3A_432, %get3A_433] {strides = array<i32>} : memref<128x128xf32, #tpu.memory_space<vmem>>, vector<1x16xf32>,
          %get3A_435 = vector.shape_cast %get3A_434 : vector<1x16xf32> to vector<16xf32>
          %get3A_436 = arith.index_cast %add3A_431 : i32 to index
          %get3A_437 = arith.constant 0 : index
          %get3A_438 = tpu.vector_load %arg13[%get3A_436, %get3A_437] {strides = array<i32>} : memref<128x128xf32, #tpu.memory_space<vmem>>, vector<1x16xf32>,
          %get3A_439 = vector.shape_cast %get3A_438 : vector<1x16xf32> to vector<16xf32>
          %add3A_440 = arith.addf %get3A_435, %get3A_439 : vector<16xf32>
          %max3A_441 = arith.constant 0.000000e+00 : f32
          %max3A_442 = vector.broadcast %max3A_441 : f32 to vector<16xf32>
          %max3A_443 = arith.maximumf %add3A_440, %max3A_442 : vector<16xf32>
          %mul3A_444 = arith.mulf %max3A_443, %get3A_58 : vector<16xf32>
          %add3A_445 = arith.addf %get3A_82, %mul3A_444 : vector<16xf32>
          %get3A_446 = arith.index_cast %add3A_431 : i32 to index
          %get3A_447 = arith.constant 16 : index
          %get3A_448 = tpu.vector_load %arg11[%get3A_446, %get3A_447] {strides = array<i32>} : memref<128x128xf32, #tpu.memory_space<vmem>>, vector<1x16xf32>,
          %get3A_449 = vector.shape_cast %get3A_448 : vector<1x16xf32> to vector<16xf32>
          %get3A_450 = arith.index_cast %add3A_431 : i32 to index
          %get3A_451 = arith.constant 16 : index
          %get3A_452 = tpu.vector_load %arg13[%get3A_450, %get3A_451] {strides = array<i32>} : memref<128x128xf32, #tpu.memory_space<vmem>>, vector<1x16xf32>,
          %get3A_453 = vector.shape_cast %get3A_452 : vector<1x16xf32> to vector<16xf32>
          %add3A_454 = arith.addf %get3A_449, %get3A_453 : vector<16xf32>
          %max3A_455 = arith.constant 0.000000e+00 : f32
          %max3A_456 = vector.broadcast %max3A_455 : f32 to vector<16xf32>
          %max3A_457 = arith.maximumf %add3A_454, %max3A_456 : vector<16xf32>
          %mul3A_458 = arith.mulf %max3A_457, %get3A_61 : vector<16xf32>
          %add3A_459 = arith.addf %add3A_445, %mul3A_458 : vector<16xf32>
          %get3A_460 = arith.index_cast %add3A_431 : i32 to index
          %get3A_461 = arith.constant 32 : index
          %get3A_462 = tpu.vector_load %arg11[%get3A_460, %get3A_461] {strides = array<i32>} : memref<128x128xf32, #tpu.memory_space<vmem>>, vector<1x16xf32>,
          %get3A_463 = vector.shape_cast %get3A_462 : vector<1x16xf32> to vector<16xf32>
          %get3A_464 = arith.index_cast %add3A_431 : i32 to index
          %get3A_465 = arith.constant 32 : index
          %get3A_466 = tpu.vector_load %arg13[%get3A_464, %get3A_465] {strides = array<i32>} : memref<128x128xf32, #tpu.memory_space<vmem>>, vector<1x16xf32>,
          %get3A_467 = vector.shape_cast %get3A_466 : vector<1x16xf32> to vector<16xf32>
          %add3A_468 = arith.addf %get3A_463, %get3A_467 : vector<16xf32>
          %max3A_469 = arith.constant 0.000000e+00 : f32
          %max3A_470 = vector.broadcast %max3A_469 : f32 to vector<16xf32>
          %max3A_471 = arith.maximumf %add3A_468, %max3A_470 : vector<16xf32>
          %mul3A_472 = arith.mulf %max3A_471, %get3A_64 : vector<16xf32>
          %add3A_473 = arith.addf %add3A_459, %mul3A_472 : vector<16xf32>
          %get3A_474 = arith.index_cast %add3A_431 : i32 to index
          %get3A_475 = arith.constant 48 : index
          %get3A_476 = tpu.vector_load %arg11[%get3A_474, %get3A_475] {strides = array<i32>} : memref<128x128xf32, #tpu.memory_space<vmem>>, vector<1x16xf32>,
          %get3A_477 = vector.shape_cast %get3A_476 : vector<1x16xf32> to vector<16xf32>
          %get3A_478 = arith.index_cast %add3A_431 : i32 to index
          %get3A_479 = arith.constant 48 : index
          %get3A_480 = tpu.vector_load %arg13[%get3A_478, %get3A_479] {strides = array<i32>} : memref<128x128xf32, #tpu.memory_space<vmem>>, vector<1x16xf32>,
          %get3A_481 = vector.shape_cast %get3A_480 : vector<1x16xf32> to vector<16xf32>
          %add3A_482 = arith.addf %get3A_477, %get3A_481 : vector<16xf32>
          %max3A_483 = arith.constant 0.000000e+00 : f32
          %max3A_484 = vector.broadcast %max3A_483 : f32 to vector<16xf32>
          %max3A_485 = arith.maximumf %add3A_482, %max3A_484 : vector<16xf32>
          %mul3A_486 = arith.mulf %max3A_485, %get3A_67 : vector<16xf32>
          %add3A_487 = arith.addf %add3A_473, %mul3A_486 : vector<16xf32>
          %get3A_488 = arith.index_cast %add3A_431 : i32 to index
          %get3A_489 = arith.constant 64 : index
          %get3A_490 = tpu.vector_load %arg11[%get3A_488, %get3A_489] {strides = array<i32>} : memref<128x128xf32, #tpu.memory_space<vmem>>, vector<1x16xf32>,
          %get3A_491 = vector.shape_cast %get3A_490 : vector<1x16xf32> to vector<16xf32>
          %get3A_492 = arith.index_cast %add3A_431 : i32 to index
          %get3A_493 = arith.constant 64 : index
          %get3A_494 = tpu.vector_load %arg13[%get3A_492, %get3A_493] {strides = array<i32>} : memref<128x128xf32, #tpu.memory_space<vmem>>, vector<1x16xf32>,
          %get3A_495 = vector.shape_cast %get3A_494 : vector<1x16xf32> to vector<16xf32>
          %add3A_496 = arith.addf %get3A_491, %get3A_495 : vector<16xf32>
          %max3A_497 = arith.constant 0.000000e+00 : f32
          %max3A_498 = vector.broadcast %max3A_497 : f32 to vector<16xf32>
          %max3A_499 = arith.maximumf %add3A_496, %max3A_498 : vector<16xf32>
          %mul3A_500 = arith.mulf %max3A_499, %get3A_70 : vector<16xf32>
          %add3A_501 = arith.addf %add3A_487, %mul3A_500 : vector<16xf32>
          %get3A_502 = arith.index_cast %add3A_431 : i32 to index
          %get3A_503 = arith.constant 80 : index
          %get3A_504 = tpu.vector_load %arg11[%get3A_502, %get3A_503] {strides = array<i32>} : memref<128x128xf32, #tpu.memory_space<vmem>>, vector<1x16xf32>,
          %get3A_505 = vector.shape_cast %get3A_504 : vector<1x16xf32> to vector<16xf32>
          %get3A_506 = arith.index_cast %add3A_431 : i32 to index
          %get3A_507 = arith.constant 80 : index
          %get3A_508 = tpu.vector_load %arg13[%get3A_506, %get3A_507] {strides = array<i32>} : memref<128x128xf32, #tpu.memory_space<vmem>>, vector<1x16xf32>,
          %get3A_509 = vector.shape_cast %get3A_508 : vector<1x16xf32> to vector<16xf32>
          %add3A_510 = arith.addf %get3A_505, %get3A_509 : vector<16xf32>
          %max3A_511 = arith.constant 0.000000e+00 : f32
          %max3A_512 = vector.broadcast %max3A_511 : f32 to vector<16xf32>
          %max3A_513 = arith.maximumf %add3A_510, %max3A_512 : vector<16xf32>
          %mul3A_514 = arith.mulf %max3A_513, %get3A_73 : vector<16xf32>
          %add3A_515 = arith.addf %add3A_501, %mul3A_514 : vector<16xf32>
          %get3A_516 = arith.index_cast %add3A_431 : i32 to index
          %get3A_517 = arith.constant 96 : index
          %get3A_518 = tpu.vector_load %arg11[%get3A_516, %get3A_517] {strides = array<i32>} : memref<128x128xf32, #tpu.memory_space<vmem>>, vector<1x16xf32>,
          %get3A_519 = vector.shape_cast %get3A_518 : vector<1x16xf32> to vector<16xf32>
          %get3A_520 = arith.index_cast %add3A_431 : i32 to index
          %get3A_521 = arith.constant 96 : index
          %get3A_522 = tpu.vector_load %arg13[%get3A_520, %get3A_521] {strides = array<i32>} : memref<128x128xf32, #tpu.memory_space<vmem>>, vector<1x16xf32>,
          %get3A_523 = vector.shape_cast %get3A_522 : vector<1x16xf32> to vector<16xf32>
          %add3A_524 = arith.addf %get3A_519, %get3A_523 : vector<16xf32>
          %max3A_525 = arith.constant 0.000000e+00 : f32
          %max3A_526 = vector.broadcast %max3A_525 : f32 to vector<16xf32>
          %max3A_527 = arith.maximumf %add3A_524, %max3A_526 : vector<16xf32>
          %mul3A_528 = arith.mulf %max3A_527, %get3A_76 : vector<16xf32>
          %add3A_529 = arith.addf %add3A_515, %mul3A_528 : vector<16xf32>
          %get3A_530 = arith.index_cast %add3A_431 : i32 to index
          %get3A_531 = arith.constant 112 : index
          %get3A_532 = tpu.vector_load %arg11[%get3A_530, %get3A_531] {strides = array<i32>} : memref<128x128xf32, #tpu.memory_space<vmem>>, vector<1x16xf32>,
          %get3A_533 = vector.shape_cast %get3A_532 : vector<1x16xf32> to vector<16xf32>
          %get3A_534 = arith.index_cast %add3A_431 : i32 to index
          %get3A_535 = arith.constant 112 : index
          %get3A_536 = tpu.vector_load %arg13[%get3A_534, %get3A_535] {strides = array<i32>} : memref<128x128xf32, #tpu.memory_space<vmem>>, vector<1x16xf32>,
          %get3A_537 = vector.shape_cast %get3A_536 : vector<1x16xf32> to vector<16xf32>
          %add3A_538 = arith.addf %get3A_533, %get3A_537 : vector<16xf32>
          %max3A_539 = arith.constant 0.000000e+00 : f32
          %max3A_540 = vector.broadcast %max3A_539 : f32 to vector<16xf32>
          %max3A_541 = arith.maximumf %add3A_538, %max3A_540 : vector<16xf32>
          %mul3A_542 = arith.mulf %max3A_541, %get3A_79 : vector<16xf32>
          %add3A_543 = arith.addf %add3A_529, %mul3A_542 : vector<16xf32>
          %mul3A_544 = arith.constant 16 : i32
          %mul3A_545 = arith.muli %add3A_431, %mul3A_544 : i32
          %swap3A_546 = arith.index_cast %mul3A_545 : i32 to index
          %swap3A_547 = tpu.vector_load %arg15[%swap3A_546] {strides = array<i32>} : memref<2048xf32, #tpu.memory_space<vmem>>, vector<16xf32>,
          %swap3A_548 = vector.shape_cast %swap3A_547 : vector<16xf32> to vector<16xf32>
          %swap3A_549 = vector.shape_cast %add3A_543 : vector<16xf32> to vector<16xf32>
          tpu.vector_store %arg15[%swap3A_546], %swap3A_549 {strides = array<i32>} : memref<2048xf32, #tpu.memory_space<vmem>>, vector<16xf32>,
          %mul3A_550 = arith.constant 8 : i32
          %mul3A_551 = arith.muli %scan3A_185, %mul3A_550 : i32
          %add3A_552 = arith.constant 3 : i32
          %add3A_553 = arith.addi %mul3A_551, %add3A_552 : i32
          %get3A_554 = arith.index_cast %add3A_553 : i32 to index
          %get3A_555 = arith.constant 0 : index
          %get3A_556 = tpu.vector_load %arg11[%get3A_554, %get3A_555] {strides = array<i32>} : memref<128x128xf32, #tpu.memory_space<vmem>>, vector<1x16xf32>,
          %get3A_557 = vector.shape_cast %get3A_556 : vector<1x16xf32> to vector<16xf32>
          %get3A_558 = arith.index_cast %add3A_553 : i32 to index
          %get3A_559 = arith.constant 0 : index
          %get3A_560 = tpu.vector_load %arg13[%get3A_558, %get3A_559] {strides = array<i32>} : memref<128x128xf32, #tpu.memory_space<vmem>>, vector<1x16xf32>,
          %get3A_561 = vector.shape_cast %get3A_560 : vector<1x16xf32> to vector<16xf32>
          %add3A_562 = arith.addf %get3A_557, %get3A_561 : vector<16xf32>
          %max3A_563 = arith.constant 0.000000e+00 : f32
          %max3A_564 = vector.broadcast %max3A_563 : f32 to vector<16xf32>
          %max3A_565 = arith.maximumf %add3A_562, %max3A_564 : vector<16xf32>
          %mul3A_566 = arith.mulf %max3A_565, %get3A_58 : vector<16xf32>
          %add3A_567 = arith.addf %get3A_82, %mul3A_566 : vector<16xf32>
          %get3A_568 = arith.index_cast %add3A_553 : i32 to index
          %get3A_569 = arith.constant 16 : index
          %get3A_570 = tpu.vector_load %arg11[%get3A_568, %get3A_569] {strides = array<i32>} : memref<128x128xf32, #tpu.memory_space<vmem>>, vector<1x16xf32>,
          %get3A_571 = vector.shape_cast %get3A_570 : vector<1x16xf32> to vector<16xf32>
          %get3A_572 = arith.index_cast %add3A_553 : i32 to index
          %get3A_573 = arith.constant 16 : index
          %get3A_574 = tpu.vector_load %arg13[%get3A_572, %get3A_573] {strides = array<i32>} : memref<128x128xf32, #tpu.memory_space<vmem>>, vector<1x16xf32>,
          %get3A_575 = vector.shape_cast %get3A_574 : vector<1x16xf32> to vector<16xf32>
          %add3A_576 = arith.addf %get3A_571, %get3A_575 : vector<16xf32>
          %max3A_577 = arith.constant 0.000000e+00 : f32
          %max3A_578 = vector.broadcast %max3A_577 : f32 to vector<16xf32>
          %max3A_579 = arith.maximumf %add3A_576, %max3A_578 : vector<16xf32>
          %mul3A_580 = arith.mulf %max3A_579, %get3A_61 : vector<16xf32>
          %add3A_581 = arith.addf %add3A_567, %mul3A_580 : vector<16xf32>
          %get3A_582 = arith.index_cast %add3A_553 : i32 to index
          %get3A_583 = arith.constant 32 : index
          %get3A_584 = tpu.vector_load %arg11[%get3A_582, %get3A_583] {strides = array<i32>} : memref<128x128xf32, #tpu.memory_space<vmem>>, vector<1x16xf32>,
          %get3A_585 = vector.shape_cast %get3A_584 : vector<1x16xf32> to vector<16xf32>
          %get3A_586 = arith.index_cast %add3A_553 : i32 to index
          %get3A_587 = arith.constant 32 : index
          %get3A_588 = tpu.vector_load %arg13[%get3A_586, %get3A_587] {strides = array<i32>} : memref<128x128xf32, #tpu.memory_space<vmem>>, vector<1x16xf32>,
          %get3A_589 = vector.shape_cast %get3A_588 : vector<1x16xf32> to vector<16xf32>
          %add3A_590 = arith.addf %get3A_585, %get3A_589 : vector<16xf32>
          %max3A_591 = arith.constant 0.000000e+00 : f32
          %max3A_592 = vector.broadcast %max3A_591 : f32 to vector<16xf32>
          %max3A_593 = arith.maximumf %add3A_590, %max3A_592 : vector<16xf32>
          %mul3A_594 = arith.mulf %max3A_593, %get3A_64 : vector<16xf32>
          %add3A_595 = arith.addf %add3A_581, %mul3A_594 : vector<16xf32>
          %get3A_596 = arith.index_cast %add3A_553 : i32 to index
          %get3A_597 = arith.constant 48 : index
          %get3A_598 = tpu.vector_load %arg11[%get3A_596, %get3A_597] {strides = array<i32>} : memref<128x128xf32, #tpu.memory_space<vmem>>, vector<1x16xf32>,
          %get3A_599 = vector.shape_cast %get3A_598 : vector<1x16xf32> to vector<16xf32>
          %get3A_600 = arith.index_cast %add3A_553 : i32 to index
          %get3A_601 = arith.constant 48 : index
          %get3A_602 = tpu.vector_load %arg13[%get3A_600, %get3A_601] {strides = array<i32>} : memref<128x128xf32, #tpu.memory_space<vmem>>, vector<1x16xf32>,
          %get3A_603 = vector.shape_cast %get3A_602 : vector<1x16xf32> to vector<16xf32>
          %add3A_604 = arith.addf %get3A_599, %get3A_603 : vector<16xf32>
          %max3A_605 = arith.constant 0.000000e+00 : f32
          %max3A_606 = vector.broadcast %max3A_605 : f32 to vector<16xf32>
          %max3A_607 = arith.maximumf %add3A_604, %max3A_606 : vector<16xf32>
          %mul3A_608 = arith.mulf %max3A_607, %get3A_67 : vector<16xf32>
          %add3A_609 = arith.addf %add3A_595, %mul3A_608 : vector<16xf32>
          %get3A_610 = arith.index_cast %add3A_553 : i32 to index
          %get3A_611 = arith.constant 64 : index
          %get3A_612 = tpu.vector_load %arg11[%get3A_610, %get3A_611] {strides = array<i32>} : memref<128x128xf32, #tpu.memory_space<vmem>>, vector<1x16xf32>,
          %get3A_613 = vector.shape_cast %get3A_612 : vector<1x16xf32> to vector<16xf32>
          %get3A_614 = arith.index_cast %add3A_553 : i32 to index
          %get3A_615 = arith.constant 64 : index
          %get3A_616 = tpu.vector_load %arg13[%get3A_614, %get3A_615] {strides = array<i32>} : memref<128x128xf32, #tpu.memory_space<vmem>>, vector<1x16xf32>,
          %get3A_617 = vector.shape_cast %get3A_616 : vector<1x16xf32> to vector<16xf32>
          %add3A_618 = arith.addf %get3A_613, %get3A_617 : vector<16xf32>
          %max3A_619 = arith.constant 0.000000e+00 : f32
          %max3A_620 = vector.broadcast %max3A_619 : f32 to vector<16xf32>
          %max3A_621 = arith.maximumf %add3A_618, %max3A_620 : vector<16xf32>
          %mul3A_622 = arith.mulf %max3A_621, %get3A_70 : vector<16xf32>
          %add3A_623 = arith.addf %add3A_609, %mul3A_622 : vector<16xf32>
          %get3A_624 = arith.index_cast %add3A_553 : i32 to index
          %get3A_625 = arith.constant 80 : index
          %get3A_626 = tpu.vector_load %arg11[%get3A_624, %get3A_625] {strides = array<i32>} : memref<128x128xf32, #tpu.memory_space<vmem>>, vector<1x16xf32>,
          %get3A_627 = vector.shape_cast %get3A_626 : vector<1x16xf32> to vector<16xf32>
          %get3A_628 = arith.index_cast %add3A_553 : i32 to index
          %get3A_629 = arith.constant 80 : index
          %get3A_630 = tpu.vector_load %arg13[%get3A_628, %get3A_629] {strides = array<i32>} : memref<128x128xf32, #tpu.memory_space<vmem>>, vector<1x16xf32>,
          %get3A_631 = vector.shape_cast %get3A_630 : vector<1x16xf32> to vector<16xf32>
          %add3A_632 = arith.addf %get3A_627, %get3A_631 : vector<16xf32>
          %max3A_633 = arith.constant 0.000000e+00 : f32
          %max3A_634 = vector.broadcast %max3A_633 : f32 to vector<16xf32>
          %max3A_635 = arith.maximumf %add3A_632, %max3A_634 : vector<16xf32>
          %mul3A_636 = arith.mulf %max3A_635, %get3A_73 : vector<16xf32>
          %add3A_637 = arith.addf %add3A_623, %mul3A_636 : vector<16xf32>
          %get3A_638 = arith.index_cast %add3A_553 : i32 to index
          %get3A_639 = arith.constant 96 : index
          %get3A_640 = tpu.vector_load %arg11[%get3A_638, %get3A_639] {strides = array<i32>} : memref<128x128xf32, #tpu.memory_space<vmem>>, vector<1x16xf32>,
          %get3A_641 = vector.shape_cast %get3A_640 : vector<1x16xf32> to vector<16xf32>
          %get3A_642 = arith.index_cast %add3A_553 : i32 to index
          %get3A_643 = arith.constant 96 : index
          %get3A_644 = tpu.vector_load %arg13[%get3A_642, %get3A_643] {strides = array<i32>} : memref<128x128xf32, #tpu.memory_space<vmem>>, vector<1x16xf32>,
          %get3A_645 = vector.shape_cast %get3A_644 : vector<1x16xf32> to vector<16xf32>
          %add3A_646 = arith.addf %get3A_641, %get3A_645 : vector<16xf32>
          %max3A_647 = arith.constant 0.000000e+00 : f32
          %max3A_648 = vector.broadcast %max3A_647 : f32 to vector<16xf32>
          %max3A_649 = arith.maximumf %add3A_646, %max3A_648 : vector<16xf32>
          %mul3A_650 = arith.mulf %max3A_649, %get3A_76 : vector<16xf32>
          %add3A_651 = arith.addf %add3A_637, %mul3A_650 : vector<16xf32>
          %get3A_652 = arith.index_cast %add3A_553 : i32 to index
          %get3A_653 = arith.constant 112 : index
          %get3A_654 = tpu.vector_load %arg11[%get3A_652, %get3A_653] {strides = array<i32>} : memref<128x128xf32, #tpu.memory_space<vmem>>, vector<1x16xf32>,
          %get3A_655 = vector.shape_cast %get3A_654 : vector<1x16xf32> to vector<16xf32>
          %get3A_656 = arith.index_cast %add3A_553 : i32 to index
          %get3A_657 = arith.constant 112 : index
          %get3A_658 = tpu.vector_load %arg13[%get3A_656, %get3A_657] {strides = array<i32>} : memref<128x128xf32, #tpu.memory_space<vmem>>, vector<1x16xf32>,
          %get3A_659 = vector.shape_cast %get3A_658 : vector<1x16xf32> to vector<16xf32>
          %add3A_660 = arith.addf %get3A_655, %get3A_659 : vector<16xf32>
          %max3A_661 = arith.constant 0.000000e+00 : f32
          %max3A_662 = vector.broadcast %max3A_661 : f32 to vector<16xf32>
          %max3A_663 = arith.maximumf %add3A_660, %max3A_662 : vector<16xf32>
          %mul3A_664 = arith.mulf %max3A_663, %get3A_79 : vector<16xf32>
          %add3A_665 = arith.addf %add3A_651, %mul3A_664 : vector<16xf32>
          %mul3A_666 = arith.constant 16 : i32
          %mul3A_667 = arith.muli %add3A_553, %mul3A_666 : i32
          %swap3A_668 = arith.index_cast %mul3A_667 : i32 to index
          %swap3A_669 = tpu.vector_load %arg15[%swap3A_668] {strides = array<i32>} : memref<2048xf32, #tpu.memory_space<vmem>>, vector<16xf32>,
          %swap3A_670 = vector.shape_cast %swap3A_669 : vector<16xf32> to vector<16xf32>
          %swap3A_671 = vector.shape_cast %add3A_665 : vector<16xf32> to vector<16xf32>
          tpu.vector_store %arg15[%swap3A_668], %swap3A_671 {strides = array<i32>} : memref<2048xf32, #tpu.memory_space<vmem>>, vector<16xf32>,
          %mul3A_672 = arith.constant 8 : i32
          %mul3A_673 = arith.muli %scan3A_185, %mul3A_672 : i32
          %add3A_674 = arith.constant 4 : i32
          %add3A_675 = arith.addi %mul3A_673, %add3A_674 : i32
          %get3A_676 = arith.index_cast %add3A_675 : i32 to index
          %get3A_677 = arith.constant 0 : index
          %get3A_678 = tpu.vector_load %arg11[%get3A_676, %get3A_677] {strides = array<i32>} : memref<128x128xf32, #tpu.memory_space<vmem>>, vector<1x16xf32>,
          %get3A_679 = vector.shape_cast %get3A_678 : vector<1x16xf32> to vector<16xf32>
          %get3A_680 = arith.index_cast %add3A_675 : i32 to index
          %get3A_681 = arith.constant 0 : index
          %get3A_682 = tpu.vector_load %arg13[%get3A_680, %get3A_681] {strides = array<i32>} : memref<128x128xf32, #tpu.memory_space<vmem>>, vector<1x16xf32>,
          %get3A_683 = vector.shape_cast %get3A_682 : vector<1x16xf32> to vector<16xf32>
          %add3A_684 = arith.addf %get3A_679, %get3A_683 : vector<16xf32>
          %max3A_685 = arith.constant 0.000000e+00 : f32
          %max3A_686 = vector.broadcast %max3A_685 : f32 to vector<16xf32>
          %max3A_687 = arith.maximumf %add3A_684, %max3A_686 : vector<16xf32>
          %mul3A_688 = arith.mulf %max3A_687, %get3A_58 : vector<16xf32>
          %add3A_689 = arith.addf %get3A_82, %mul3A_688 : vector<16xf32>
          %get3A_690 = arith.index_cast %add3A_675 : i32 to index
          %get3A_691 = arith.constant 16 : index
          %get3A_692 = tpu.vector_load %arg11[%get3A_690, %get3A_691] {strides = array<i32>} : memref<128x128xf32, #tpu.memory_space<vmem>>, vector<1x16xf32>,
          %get3A_693 = vector.shape_cast %get3A_692 : vector<1x16xf32> to vector<16xf32>
          %get3A_694 = arith.index_cast %add3A_675 : i32 to index
          %get3A_695 = arith.constant 16 : index
          %get3A_696 = tpu.vector_load %arg13[%get3A_694, %get3A_695] {strides = array<i32>} : memref<128x128xf32, #tpu.memory_space<vmem>>, vector<1x16xf32>,
          %get3A_697 = vector.shape_cast %get3A_696 : vector<1x16xf32> to vector<16xf32>
          %add3A_698 = arith.addf %get3A_693, %get3A_697 : vector<16xf32>
          %max3A_699 = arith.constant 0.000000e+00 : f32
          %max3A_700 = vector.broadcast %max3A_699 : f32 to vector<16xf32>
          %max3A_701 = arith.maximumf %add3A_698, %max3A_700 : vector<16xf32>
          %mul3A_702 = arith.mulf %max3A_701, %get3A_61 : vector<16xf32>
          %add3A_703 = arith.addf %add3A_689, %mul3A_702 : vector<16xf32>
          %get3A_704 = arith.index_cast %add3A_675 : i32 to index
          %get3A_705 = arith.constant 32 : index
          %get3A_706 = tpu.vector_load %arg11[%get3A_704, %get3A_705] {strides = array<i32>} : memref<128x128xf32, #tpu.memory_space<vmem>>, vector<1x16xf32>,
          %get3A_707 = vector.shape_cast %get3A_706 : vector<1x16xf32> to vector<16xf32>
          %get3A_708 = arith.index_cast %add3A_675 : i32 to index
          %get3A_709 = arith.constant 32 : index
          %get3A_710 = tpu.vector_load %arg13[%get3A_708, %get3A_709] {strides = array<i32>} : memref<128x128xf32, #tpu.memory_space<vmem>>, vector<1x16xf32>,
          %get3A_711 = vector.shape_cast %get3A_710 : vector<1x16xf32> to vector<16xf32>
          %add3A_712 = arith.addf %get3A_707, %get3A_711 : vector<16xf32>
          %max3A_713 = arith.constant 0.000000e+00 : f32
          %max3A_714 = vector.broadcast %max3A_713 : f32 to vector<16xf32>
          %max3A_715 = arith.maximumf %add3A_712, %max3A_714 : vector<16xf32>
          %mul3A_716 = arith.mulf %max3A_715, %get3A_64 : vector<16xf32>
          %add3A_717 = arith.addf %add3A_703, %mul3A_716 : vector<16xf32>
          %get3A_718 = arith.index_cast %add3A_675 : i32 to index
          %get3A_719 = arith.constant 48 : index
          %get3A_720 = tpu.vector_load %arg11[%get3A_718, %get3A_719] {strides = array<i32>} : memref<128x128xf32, #tpu.memory_space<vmem>>, vector<1x16xf32>,
          %get3A_721 = vector.shape_cast %get3A_720 : vector<1x16xf32> to vector<16xf32>
          %get3A_722 = arith.index_cast %add3A_675 : i32 to index
          %get3A_723 = arith.constant 48 : index
          %get3A_724 = tpu.vector_load %arg13[%get3A_722, %get3A_723] {strides = array<i32>} : memref<128x128xf32, #tpu.memory_space<vmem>>, vector<1x16xf32>,
          %get3A_725 = vector.shape_cast %get3A_724 : vector<1x16xf32> to vector<16xf32>
          %add3A_726 = arith.addf %get3A_721, %get3A_725 : vector<16xf32>
          %max3A_727 = arith.constant 0.000000e+00 : f32
          %max3A_728 = vector.broadcast %max3A_727 : f32 to vector<16xf32>
          %max3A_729 = arith.maximumf %add3A_726, %max3A_728 : vector<16xf32>
          %mul3A_730 = arith.mulf %max3A_729, %get3A_67 : vector<16xf32>
          %add3A_731 = arith.addf %add3A_717, %mul3A_730 : vector<16xf32>
          %get3A_732 = arith.index_cast %add3A_675 : i32 to index
          %get3A_733 = arith.constant 64 : index
          %get3A_734 = tpu.vector_load %arg11[%get3A_732, %get3A_733] {strides = array<i32>} : memref<128x128xf32, #tpu.memory_space<vmem>>, vector<1x16xf32>,
          %get3A_735 = vector.shape_cast %get3A_734 : vector<1x16xf32> to vector<16xf32>
          %get3A_736 = arith.index_cast %add3A_675 : i32 to index
          %get3A_737 = arith.constant 64 : index
          %get3A_738 = tpu.vector_load %arg13[%get3A_736, %get3A_737] {strides = array<i32>} : memref<128x128xf32, #tpu.memory_space<vmem>>, vector<1x16xf32>,
          %get3A_739 = vector.shape_cast %get3A_738 : vector<1x16xf32> to vector<16xf32>
          %add3A_740 = arith.addf %get3A_735, %get3A_739 : vector<16xf32>
          %max3A_741 = arith.constant 0.000000e+00 : f32
          %max3A_742 = vector.broadcast %max3A_741 : f32 to vector<16xf32>
          %max3A_743 = arith.maximumf %add3A_740, %max3A_742 : vector<16xf32>
          %mul3A_744 = arith.mulf %max3A_743, %get3A_70 : vector<16xf32>
          %add3A_745 = arith.addf %add3A_731, %mul3A_744 : vector<16xf32>
          %get3A_746 = arith.index_cast %add3A_675 : i32 to index
          %get3A_747 = arith.constant 80 : index
          %get3A_748 = tpu.vector_load %arg11[%get3A_746, %get3A_747] {strides = array<i32>} : memref<128x128xf32, #tpu.memory_space<vmem>>, vector<1x16xf32>,
          %get3A_749 = vector.shape_cast %get3A_748 : vector<1x16xf32> to vector<16xf32>
          %get3A_750 = arith.index_cast %add3A_675 : i32 to index
          %get3A_751 = arith.constant 80 : index
          %get3A_752 = tpu.vector_load %arg13[%get3A_750, %get3A_751] {strides = array<i32>} : memref<128x128xf32, #tpu.memory_space<vmem>>, vector<1x16xf32>,
          %get3A_753 = vector.shape_cast %get3A_752 : vector<1x16xf32> to vector<16xf32>
          %add3A_754 = arith.addf %get3A_749, %get3A_753 : vector<16xf32>
          %max3A_755 = arith.constant 0.000000e+00 : f32
          %max3A_756 = vector.broadcast %max3A_755 : f32 to vector<16xf32>
          %max3A_757 = arith.maximumf %add3A_754, %max3A_756 : vector<16xf32>
          %mul3A_758 = arith.mulf %max3A_757, %get3A_73 : vector<16xf32>
          %add3A_759 = arith.addf %add3A_745, %mul3A_758 : vector<16xf32>
          %get3A_760 = arith.index_cast %add3A_675 : i32 to index
          %get3A_761 = arith.constant 96 : index
          %get3A_762 = tpu.vector_load %arg11[%get3A_760, %get3A_761] {strides = array<i32>} : memref<128x128xf32, #tpu.memory_space<vmem>>, vector<1x16xf32>,
          %get3A_763 = vector.shape_cast %get3A_762 : vector<1x16xf32> to vector<16xf32>
          %get3A_764 = arith.index_cast %add3A_675 : i32 to index
          %get3A_765 = arith.constant 96 : index
          %get3A_766 = tpu.vector_load %arg13[%get3A_764, %get3A_765] {strides = array<i32>} : memref<128x128xf32, #tpu.memory_space<vmem>>, vector<1x16xf32>,
          %get3A_767 = vector.shape_cast %get3A_766 : vector<1x16xf32> to vector<16xf32>
          %add3A_768 = arith.addf %get3A_763, %get3A_767 : vector<16xf32>
          %max3A_769 = arith.constant 0.000000e+00 : f32
          %max3A_770 = vector.broadcast %max3A_769 : f32 to vector<16xf32>
          %max3A_771 = arith.maximumf %add3A_768, %max3A_770 : vector<16xf32>
          %mul3A_772 = arith.mulf %max3A_771, %get3A_76 : vector<16xf32>
          %add3A_773 = arith.addf %add3A_759, %mul3A_772 : vector<16xf32>
          %get3A_774 = arith.index_cast %add3A_675 : i32 to index
          %get3A_775 = arith.constant 112 : index
          %get3A_776 = tpu.vector_load %arg11[%get3A_774, %get3A_775] {strides = array<i32>} : memref<128x128xf32, #tpu.memory_space<vmem>>, vector<1x16xf32>,
          %get3A_777 = vector.shape_cast %get3A_776 : vector<1x16xf32> to vector<16xf32>
          %get3A_778 = arith.index_cast %add3A_675 : i32 to index
          %get3A_779 = arith.constant 112 : index
          %get3A_780 = tpu.vector_load %arg13[%get3A_778, %get3A_779] {strides = array<i32>} : memref<128x128xf32, #tpu.memory_space<vmem>>, vector<1x16xf32>,
          %get3A_781 = vector.shape_cast %get3A_780 : vector<1x16xf32> to vector<16xf32>
          %add3A_782 = arith.addf %get3A_777, %get3A_781 : vector<16xf32>
          %max3A_783 = arith.constant 0.000000e+00 : f32
          %max3A_784 = vector.broadcast %max3A_783 : f32 to vector<16xf32>
          %max3A_785 = arith.maximumf %add3A_782, %max3A_784 : vector<16xf32>
          %mul3A_786 = arith.mulf %max3A_785, %get3A_79 : vector<16xf32>
          %add3A_787 = arith.addf %add3A_773, %mul3A_786 : vector<16xf32>
          %mul3A_788 = arith.constant 16 : i32
          %mul3A_789 = arith.muli %add3A_675, %mul3A_788 : i32
          %swap3A_790 = arith.index_cast %mul3A_789 : i32 to index
          %swap3A_791 = tpu.vector_load %arg15[%swap3A_790] {strides = array<i32>} : memref<2048xf32, #tpu.memory_space<vmem>>, vector<16xf32>,
          %swap3A_792 = vector.shape_cast %swap3A_791 : vector<16xf32> to vector<16xf32>
          %swap3A_793 = vector.shape_cast %add3A_787 : vector<16xf32> to vector<16xf32>
          tpu.vector_store %arg15[%swap3A_790], %swap3A_793 {strides = array<i32>} : memref<2048xf32, #tpu.memory_space<vmem>>, vector<16xf32>,
          %mul3A_794 = arith.constant 8 : i32
          %mul3A_795 = arith.muli %scan3A_185, %mul3A_794 : i32
          %add3A_796 = arith.constant 5 : i32
          %add3A_797 = arith.addi %mul3A_795, %add3A_796 : i32
          %get3A_798 = arith.index_cast %add3A_797 : i32 to index
          %get3A_799 = arith.constant 0 : index
          %get3A_800 = tpu.vector_load %arg11[%get3A_798, %get3A_799] {strides = array<i32>} : memref<128x128xf32, #tpu.memory_space<vmem>>, vector<1x16xf32>,
          %get3A_801 = vector.shape_cast %get3A_800 : vector<1x16xf32> to vector<16xf32>
          %get3A_802 = arith.index_cast %add3A_797 : i32 to index
          %get3A_803 = arith.constant 0 : index
          %get3A_804 = tpu.vector_load %arg13[%get3A_802, %get3A_803] {strides = array<i32>} : memref<128x128xf32, #tpu.memory_space<vmem>>, vector<1x16xf32>,
          %get3A_805 = vector.shape_cast %get3A_804 : vector<1x16xf32> to vector<16xf32>
          %add3A_806 = arith.addf %get3A_801, %get3A_805 : vector<16xf32>
          %max3A_807 = arith.constant 0.000000e+00 : f32
          %max3A_808 = vector.broadcast %max3A_807 : f32 to vector<16xf32>
          %max3A_809 = arith.maximumf %add3A_806, %max3A_808 : vector<16xf32>
          %mul3A_810 = arith.mulf %max3A_809, %get3A_58 : vector<16xf32>
          %add3A_811 = arith.addf %get3A_82, %mul3A_810 : vector<16xf32>
          %get3A_812 = arith.index_cast %add3A_797 : i32 to index
          %get3A_813 = arith.constant 16 : index
          %get3A_814 = tpu.vector_load %arg11[%get3A_812, %get3A_813] {strides = array<i32>} : memref<128x128xf32, #tpu.memory_space<vmem>>, vector<1x16xf32>,
          %get3A_815 = vector.shape_cast %get3A_814 : vector<1x16xf32> to vector<16xf32>
          %get3A_816 = arith.index_cast %add3A_797 : i32 to index
          %get3A_817 = arith.constant 16 : index
          %get3A_818 = tpu.vector_load %arg13[%get3A_816, %get3A_817] {strides = array<i32>} : memref<128x128xf32, #tpu.memory_space<vmem>>, vector<1x16xf32>,
          %get3A_819 = vector.shape_cast %get3A_818 : vector<1x16xf32> to vector<16xf32>
          %add3A_820 = arith.addf %get3A_815, %get3A_819 : vector<16xf32>
          %max3A_821 = arith.constant 0.000000e+00 : f32
          %max3A_822 = vector.broadcast %max3A_821 : f32 to vector<16xf32>
          %max3A_823 = arith.maximumf %add3A_820, %max3A_822 : vector<16xf32>
          %mul3A_824 = arith.mulf %max3A_823, %get3A_61 : vector<16xf32>
          %add3A_825 = arith.addf %add3A_811, %mul3A_824 : vector<16xf32>
          %get3A_826 = arith.index_cast %add3A_797 : i32 to index
          %get3A_827 = arith.constant 32 : index
          %get3A_828 = tpu.vector_load %arg11[%get3A_826, %get3A_827] {strides = array<i32>} : memref<128x128xf32, #tpu.memory_space<vmem>>, vector<1x16xf32>,
          %get3A_829 = vector.shape_cast %get3A_828 : vector<1x16xf32> to vector<16xf32>
          %get3A_830 = arith.index_cast %add3A_797 : i32 to index
          %get3A_831 = arith.constant 32 : index
          %get3A_832 = tpu.vector_load %arg13[%get3A_830, %get3A_831] {strides = array<i32>} : memref<128x128xf32, #tpu.memory_space<vmem>>, vector<1x16xf32>,
          %get3A_833 = vector.shape_cast %get3A_832 : vector<1x16xf32> to vector<16xf32>
          %add3A_834 = arith.addf %get3A_829, %get3A_833 : vector<16xf32>
          %max3A_835 = arith.constant 0.000000e+00 : f32
          %max3A_836 = vector.broadcast %max3A_835 : f32 to vector<16xf32>
          %max3A_837 = arith.maximumf %add3A_834, %max3A_836 : vector<16xf32>
          %mul3A_838 = arith.mulf %max3A_837, %get3A_64 : vector<16xf32>
          %add3A_839 = arith.addf %add3A_825, %mul3A_838 : vector<16xf32>
          %get3A_840 = arith.index_cast %add3A_797 : i32 to index
          %get3A_841 = arith.constant 48 : index
          %get3A_842 = tpu.vector_load %arg11[%get3A_840, %get3A_841] {strides = array<i32>} : memref<128x128xf32, #tpu.memory_space<vmem>>, vector<1x16xf32>,
          %get3A_843 = vector.shape_cast %get3A_842 : vector<1x16xf32> to vector<16xf32>
          %get3A_844 = arith.index_cast %add3A_797 : i32 to index
          %get3A_845 = arith.constant 48 : index
          %get3A_846 = tpu.vector_load %arg13[%get3A_844, %get3A_845] {strides = array<i32>} : memref<128x128xf32, #tpu.memory_space<vmem>>, vector<1x16xf32>,
          %get3A_847 = vector.shape_cast %get3A_846 : vector<1x16xf32> to vector<16xf32>
          %add3A_848 = arith.addf %get3A_843, %get3A_847 : vector<16xf32>
          %max3A_849 = arith.constant 0.000000e+00 : f32
          %max3A_850 = vector.broadcast %max3A_849 : f32 to vector<16xf32>
          %max3A_851 = arith.maximumf %add3A_848, %max3A_850 : vector<16xf32>
          %mul3A_852 = arith.mulf %max3A_851, %get3A_67 : vector<16xf32>
          %add3A_853 = arith.addf %add3A_839, %mul3A_852 : vector<16xf32>
          %get3A_854 = arith.index_cast %add3A_797 : i32 to index
          %get3A_855 = arith.constant 64 : index
          %get3A_856 = tpu.vector_load %arg11[%get3A_854, %get3A_855] {strides = array<i32>} : memref<128x128xf32, #tpu.memory_space<vmem>>, vector<1x16xf32>,
          %get3A_857 = vector.shape_cast %get3A_856 : vector<1x16xf32> to vector<16xf32>
          %get3A_858 = arith.index_cast %add3A_797 : i32 to index
          %get3A_859 = arith.constant 64 : index
          %get3A_860 = tpu.vector_load %arg13[%get3A_858, %get3A_859] {strides = array<i32>} : memref<128x128xf32, #tpu.memory_space<vmem>>, vector<1x16xf32>,
          %get3A_861 = vector.shape_cast %get3A_860 : vector<1x16xf32> to vector<16xf32>
          %add3A_862 = arith.addf %get3A_857, %get3A_861 : vector<16xf32>
          %max3A_863 = arith.constant 0.000000e+00 : f32
          %max3A_864 = vector.broadcast %max3A_863 : f32 to vector<16xf32>
          %max3A_865 = arith.maximumf %add3A_862, %max3A_864 : vector<16xf32>
          %mul3A_866 = arith.mulf %max3A_865, %get3A_70 : vector<16xf32>
          %add3A_867 = arith.addf %add3A_853, %mul3A_866 : vector<16xf32>
          %get3A_868 = arith.index_cast %add3A_797 : i32 to index
          %get3A_869 = arith.constant 80 : index
          %get3A_870 = tpu.vector_load %arg11[%get3A_868, %get3A_869] {strides = array<i32>} : memref<128x128xf32, #tpu.memory_space<vmem>>, vector<1x16xf32>,
          %get3A_871 = vector.shape_cast %get3A_870 : vector<1x16xf32> to vector<16xf32>
          %get3A_872 = arith.index_cast %add3A_797 : i32 to index
          %get3A_873 = arith.constant 80 : index
          %get3A_874 = tpu.vector_load %arg13[%get3A_872, %get3A_873] {strides = array<i32>} : memref<128x128xf32, #tpu.memory_space<vmem>>, vector<1x16xf32>,
          %get3A_875 = vector.shape_cast %get3A_874 : vector<1x16xf32> to vector<16xf32>
          %add3A_876 = arith.addf %get3A_871, %get3A_875 : vector<16xf32>
          %max3A_877 = arith.constant 0.000000e+00 : f32
          %max3A_878 = vector.broadcast %max3A_877 : f32 to vector<16xf32>
          %max3A_879 = arith.maximumf %add3A_876, %max3A_878 : vector<16xf32>
          %mul3A_880 = arith.mulf %max3A_879, %get3A_73 : vector<16xf32>
          %add3A_881 = arith.addf %add3A_867, %mul3A_880 : vector<16xf32>
          %get3A_882 = arith.index_cast %add3A_797 : i32 to index
          %get3A_883 = arith.constant 96 : index
          %get3A_884 = tpu.vector_load %arg11[%get3A_882, %get3A_883] {strides = array<i32>} : memref<128x128xf32, #tpu.memory_space<vmem>>, vector<1x16xf32>,
          %get3A_885 = vector.shape_cast %get3A_884 : vector<1x16xf32> to vector<16xf32>
          %get3A_886 = arith.index_cast %add3A_797 : i32 to index
          %get3A_887 = arith.constant 96 : index
          %get3A_888 = tpu.vector_load %arg13[%get3A_886, %get3A_887] {strides = array<i32>} : memref<128x128xf32, #tpu.memory_space<vmem>>, vector<1x16xf32>,
          %get3A_889 = vector.shape_cast %get3A_888 : vector<1x16xf32> to vector<16xf32>
          %add3A_890 = arith.addf %get3A_885, %get3A_889 : vector<16xf32>
          %max3A_891 = arith.constant 0.000000e+00 : f32
          %max3A_892 = vector.broadcast %max3A_891 : f32 to vector<16xf32>
          %max3A_893 = arith.maximumf %add3A_890, %max3A_892 : vector<16xf32>
          %mul3A_894 = arith.mulf %max3A_893, %get3A_76 : vector<16xf32>
          %add3A_895 = arith.addf %add3A_881, %mul3A_894 : vector<16xf32>
          %get3A_896 = arith.index_cast %add3A_797 : i32 to index
          %get3A_897 = arith.constant 112 : index
          %get3A_898 = tpu.vector_load %arg11[%get3A_896, %get3A_897] {strides = array<i32>} : memref<128x128xf32, #tpu.memory_space<vmem>>, vector<1x16xf32>,
          %get3A_899 = vector.shape_cast %get3A_898 : vector<1x16xf32> to vector<16xf32>
          %get3A_900 = arith.index_cast %add3A_797 : i32 to index
          %get3A_901 = arith.constant 112 : index
          %get3A_902 = tpu.vector_load %arg13[%get3A_900, %get3A_901] {strides = array<i32>} : memref<128x128xf32, #tpu.memory_space<vmem>>, vector<1x16xf32>,
          %get3A_903 = vector.shape_cast %get3A_902 : vector<1x16xf32> to vector<16xf32>
          %add3A_904 = arith.addf %get3A_899, %get3A_903 : vector<16xf32>
          %max3A_905 = arith.constant 0.000000e+00 : f32
          %max3A_906 = vector.broadcast %max3A_905 : f32 to vector<16xf32>
          %max3A_907 = arith.maximumf %add3A_904, %max3A_906 : vector<16xf32>
          %mul3A_908 = arith.mulf %max3A_907, %get3A_79 : vector<16xf32>
          %add3A_909 = arith.addf %add3A_895, %mul3A_908 : vector<16xf32>
          %mul3A_910 = arith.constant 16 : i32
          %mul3A_911 = arith.muli %add3A_797, %mul3A_910 : i32
          %swap3A_912 = arith.index_cast %mul3A_911 : i32 to index
          %swap3A_913 = tpu.vector_load %arg15[%swap3A_912] {strides = array<i32>} : memref<2048xf32, #tpu.memory_space<vmem>>, vector<16xf32>,
          %swap3A_914 = vector.shape_cast %swap3A_913 : vector<16xf32> to vector<16xf32>
          %swap3A_915 = vector.shape_cast %add3A_909 : vector<16xf32> to vector<16xf32>
          tpu.vector_store %arg15[%swap3A_912], %swap3A_915 {strides = array<i32>} : memref<2048xf32, #tpu.memory_space<vmem>>, vector<16xf32>,
          %mul3A_916 = arith.constant 8 : i32
          %mul3A_917 = arith.muli %scan3A_185, %mul3A_916 : i32
          %add3A_918 = arith.constant 6 : i32
          %add3A_919 = arith.addi %mul3A_917, %add3A_918 : i32
          %get3A_920 = arith.index_cast %add3A_919 : i32 to index
          %get3A_921 = arith.constant 0 : index
          %get3A_922 = tpu.vector_load %arg11[%get3A_920, %get3A_921] {strides = array<i32>} : memref<128x128xf32, #tpu.memory_space<vmem>>, vector<1x16xf32>,
          %get3A_923 = vector.shape_cast %get3A_922 : vector<1x16xf32> to vector<16xf32>
          %get3A_924 = arith.index_cast %add3A_919 : i32 to index
          %get3A_925 = arith.constant 0 : index
          %get3A_926 = tpu.vector_load %arg13[%get3A_924, %get3A_925] {strides = array<i32>} : memref<128x128xf32, #tpu.memory_space<vmem>>, vector<1x16xf32>,
          %get3A_927 = vector.shape_cast %get3A_926 : vector<1x16xf32> to vector<16xf32>
          %add3A_928 = arith.addf %get3A_923, %get3A_927 : vector<16xf32>
          %max3A_929 = arith.constant 0.000000e+00 : f32
          %max3A_930 = vector.broadcast %max3A_929 : f32 to vector<16xf32>
          %max3A_931 = arith.maximumf %add3A_928, %max3A_930 : vector<16xf32>
          %mul3A_932 = arith.mulf %max3A_931, %get3A_58 : vector<16xf32>
          %add3A_933 = arith.addf %get3A_82, %mul3A_932 : vector<16xf32>
          %get3A_934 = arith.index_cast %add3A_919 : i32 to index
          %get3A_935 = arith.constant 16 : index
          %get3A_936 = tpu.vector_load %arg11[%get3A_934, %get3A_935] {strides = array<i32>} : memref<128x128xf32, #tpu.memory_space<vmem>>, vector<1x16xf32>,
          %get3A_937 = vector.shape_cast %get3A_936 : vector<1x16xf32> to vector<16xf32>
          %get3A_938 = arith.index_cast %add3A_919 : i32 to index
          %get3A_939 = arith.constant 16 : index
          %get3A_940 = tpu.vector_load %arg13[%get3A_938, %get3A_939] {strides = array<i32>} : memref<128x128xf32, #tpu.memory_space<vmem>>, vector<1x16xf32>,
          %get3A_941 = vector.shape_cast %get3A_940 : vector<1x16xf32> to vector<16xf32>
          %add3A_942 = arith.addf %get3A_937, %get3A_941 : vector<16xf32>
          %max3A_943 = arith.constant 0.000000e+00 : f32
          %max3A_944 = vector.broadcast %max3A_943 : f32 to vector<16xf32>
          %max3A_945 = arith.maximumf %add3A_942, %max3A_944 : vector<16xf32>
          %mul3A_946 = arith.mulf %max3A_945, %get3A_61 : vector<16xf32>
          %add3A_947 = arith.addf %add3A_933, %mul3A_946 : vector<16xf32>
          %get3A_948 = arith.index_cast %add3A_919 : i32 to index
          %get3A_949 = arith.constant 32 : index
          %get3A_950 = tpu.vector_load %arg11[%get3A_948, %get3A_949] {strides = array<i32>} : memref<128x128xf32, #tpu.memory_space<vmem>>, vector<1x16xf32>,
          %get3A_951 = vector.shape_cast %get3A_950 : vector<1x16xf32> to vector<16xf32>
          %get3A_952 = arith.index_cast %add3A_919 : i32 to index
          %get3A_953 = arith.constant 32 : index
          %get3A_954 = tpu.vector_load %arg13[%get3A_952, %get3A_953] {strides = array<i32>} : memref<128x128xf32, #tpu.memory_space<vmem>>, vector<1x16xf32>,
          %get3A_955 = vector.shape_cast %get3A_954 : vector<1x16xf32> to vector<16xf32>
          %add3A_956 = arith.addf %get3A_951, %get3A_955 : vector<16xf32>
          %max3A_957 = arith.constant 0.000000e+00 : f32
          %max3A_958 = vector.broadcast %max3A_957 : f32 to vector<16xf32>
          %max3A_959 = arith.maximumf %add3A_956, %max3A_958 : vector<16xf32>
          %mul3A_960 = arith.mulf %max3A_959, %get3A_64 : vector<16xf32>
          %add3A_961 = arith.addf %add3A_947, %mul3A_960 : vector<16xf32>
          %get3A_962 = arith.index_cast %add3A_919 : i32 to index
          %get3A_963 = arith.constant 48 : index
          %get3A_964 = tpu.vector_load %arg11[%get3A_962, %get3A_963] {strides = array<i32>} : memref<128x128xf32, #tpu.memory_space<vmem>>, vector<1x16xf32>,
          %get3A_965 = vector.shape_cast %get3A_964 : vector<1x16xf32> to vector<16xf32>
          %get3A_966 = arith.index_cast %add3A_919 : i32 to index
          %get3A_967 = arith.constant 48 : index
          %get3A_968 = tpu.vector_load %arg13[%get3A_966, %get3A_967] {strides = array<i32>} : memref<128x128xf32, #tpu.memory_space<vmem>>, vector<1x16xf32>,
          %get3A_969 = vector.shape_cast %get3A_968 : vector<1x16xf32> to vector<16xf32>
          %add3A_970 = arith.addf %get3A_965, %get3A_969 : vector<16xf32>
          %max3A_971 = arith.constant 0.000000e+00 : f32
          %max3A_972 = vector.broadcast %max3A_971 : f32 to vector<16xf32>
          %max3A_973 = arith.maximumf %add3A_970, %max3A_972 : vector<16xf32>
          %mul3A_974 = arith.mulf %max3A_973, %get3A_67 : vector<16xf32>
          %add3A_975 = arith.addf %add3A_961, %mul3A_974 : vector<16xf32>
          %get3A_976 = arith.index_cast %add3A_919 : i32 to index
          %get3A_977 = arith.constant 64 : index
          %get3A_978 = tpu.vector_load %arg11[%get3A_976, %get3A_977] {strides = array<i32>} : memref<128x128xf32, #tpu.memory_space<vmem>>, vector<1x16xf32>,
          %get3A_979 = vector.shape_cast %get3A_978 : vector<1x16xf32> to vector<16xf32>
          %get3A_980 = arith.index_cast %add3A_919 : i32 to index
          %get3A_981 = arith.constant 64 : index
          %get3A_982 = tpu.vector_load %arg13[%get3A_980, %get3A_981] {strides = array<i32>} : memref<128x128xf32, #tpu.memory_space<vmem>>, vector<1x16xf32>,
          %get3A_983 = vector.shape_cast %get3A_982 : vector<1x16xf32> to vector<16xf32>
          %add3A_984 = arith.addf %get3A_979, %get3A_983 : vector<16xf32>
          %max3A_985 = arith.constant 0.000000e+00 : f32
          %max3A_986 = vector.broadcast %max3A_985 : f32 to vector<16xf32>
          %max3A_987 = arith.maximumf %add3A_984, %max3A_986 : vector<16xf32>
          %mul3A_988 = arith.mulf %max3A_987, %get3A_70 : vector<16xf32>
          %add3A_989 = arith.addf %add3A_975, %mul3A_988 : vector<16xf32>
          %get3A_990 = arith.index_cast %add3A_919 : i32 to index
          %get3A_991 = arith.constant 80 : index
          %get3A_992 = tpu.vector_load %arg11[%get3A_990, %get3A_991] {strides = array<i32>} : memref<128x128xf32, #tpu.memory_space<vmem>>, vector<1x16xf32>,
          %get3A_993 = vector.shape_cast %get3A_992 : vector<1x16xf32> to vector<16xf32>
          %get3A_994 = arith.index_cast %add3A_919 : i32 to index
          %get3A_995 = arith.constant 80 : index
          %get3A_996 = tpu.vector_load %arg13[%get3A_994, %get3A_995] {strides = array<i32>} : memref<128x128xf32, #tpu.memory_space<vmem>>, vector<1x16xf32>,
          %get3A_997 = vector.shape_cast %get3A_996 : vector<1x16xf32> to vector<16xf32>
          %add3A_998 = arith.addf %get3A_993, %get3A_997 : vector<16xf32>
          %max3A_999 = arith.constant 0.000000e+00 : f32
          %max3A_1000 = vector.broadcast %max3A_999 : f32 to vector<16xf32>
          %max3A_1001 = arith.maximumf %add3A_998, %max3A_1000 : vector<16xf32>
          %mul3A_1002 = arith.mulf %max3A_1001, %get3A_73 : vector<16xf32>
          %add3A_1003 = arith.addf %add3A_989, %mul3A_1002 : vector<16xf32>
          %get3A_1004 = arith.index_cast %add3A_919 : i32 to index
          %get3A_1005 = arith.constant 96 : index
          %get3A_1006 = tpu.vector_load %arg11[%get3A_1004, %get3A_1005] {strides = array<i32>} : memref<128x128xf32, #tpu.memory_space<vmem>>, vector<1x16xf32>,
          %get3A_1007 = vector.shape_cast %get3A_1006 : vector<1x16xf32> to vector<16xf32>
          %get3A_1008 = arith.index_cast %add3A_919 : i32 to index
          %get3A_1009 = arith.constant 96 : index
          %get3A_1010 = tpu.vector_load %arg13[%get3A_1008, %get3A_1009] {strides = array<i32>} : memref<128x128xf32, #tpu.memory_space<vmem>>, vector<1x16xf32>,
          %get3A_1011 = vector.shape_cast %get3A_1010 : vector<1x16xf32> to vector<16xf32>
          %add3A_1012 = arith.addf %get3A_1007, %get3A_1011 : vector<16xf32>
          %max3A_1013 = arith.constant 0.000000e+00 : f32
          %max3A_1014 = vector.broadcast %max3A_1013 : f32 to vector<16xf32>
          %max3A_1015 = arith.maximumf %add3A_1012, %max3A_1014 : vector<16xf32>
          %mul3A_1016 = arith.mulf %max3A_1015, %get3A_76 : vector<16xf32>
          %add3A_1017 = arith.addf %add3A_1003, %mul3A_1016 : vector<16xf32>
          %get3A_1018 = arith.index_cast %add3A_919 : i32 to index
          %get3A_1019 = arith.constant 112 : index
          %get3A_1020 = tpu.vector_load %arg11[%get3A_1018, %get3A_1019] {strides = array<i32>} : memref<128x128xf32, #tpu.memory_space<vmem>>, vector<1x16xf32>,
          %get3A_1021 = vector.shape_cast %get3A_1020 : vector<1x16xf32> to vector<16xf32>
          %get3A_1022 = arith.index_cast %add3A_919 : i32 to index
          %get3A_1023 = arith.constant 112 : index
          %get3A_1024 = tpu.vector_load %arg13[%get3A_1022, %get3A_1023] {strides = array<i32>} : memref<128x128xf32, #tpu.memory_space<vmem>>, vector<1x16xf32>,
          %get3A_1025 = vector.shape_cast %get3A_1024 : vector<1x16xf32> to vector<16xf32>
          %add3A_1026 = arith.addf %get3A_1021, %get3A_1025 : vector<16xf32>
          %max3A_1027 = arith.constant 0.000000e+00 : f32
          %max3A_1028 = vector.broadcast %max3A_1027 : f32 to vector<16xf32>
          %max3A_1029 = arith.maximumf %add3A_1026, %max3A_1028 : vector<16xf32>
          %mul3A_1030 = arith.mulf %max3A_1029, %get3A_79 : vector<16xf32>
          %add3A_1031 = arith.addf %add3A_1017, %mul3A_1030 : vector<16xf32>
          %mul3A_1032 = arith.constant 16 : i32
          %mul3A_1033 = arith.muli %add3A_919, %mul3A_1032 : i32
          %swap3A_1034 = arith.index_cast %mul3A_1033 : i32 to index
          %swap3A_1035 = tpu.vector_load %arg15[%swap3A_1034] {strides = array<i32>} : memref<2048xf32, #tpu.memory_space<vmem>>, vector<16xf32>,
          %swap3A_1036 = vector.shape_cast %swap3A_1035 : vector<16xf32> to vector<16xf32>
          %swap3A_1037 = vector.shape_cast %add3A_1031 : vector<16xf32> to vector<16xf32>
          tpu.vector_store %arg15[%swap3A_1034], %swap3A_1037 {strides = array<i32>} : memref<2048xf32, #tpu.memory_space<vmem>>, vector<16xf32>,
          %mul3A_1038 = arith.constant 8 : i32
          %mul3A_1039 = arith.muli %scan3A_185, %mul3A_1038 : i32
          %add3A_1040 = arith.constant 7 : i32
          %add3A_1041 = arith.addi %mul3A_1039, %add3A_1040 : i32
          %get3A_1042 = arith.index_cast %add3A_1041 : i32 to index
          %get3A_1043 = arith.constant 0 : index
          %get3A_1044 = tpu.vector_load %arg11[%get3A_1042, %get3A_1043] {strides = array<i32>} : memref<128x128xf32, #tpu.memory_space<vmem>>, vector<1x16xf32>,
          %get3A_1045 = vector.shape_cast %get3A_1044 : vector<1x16xf32> to vector<16xf32>
          %get3A_1046 = arith.index_cast %add3A_1041 : i32 to index
          %get3A_1047 = arith.constant 0 : index
          %get3A_1048 = tpu.vector_load %arg13[%get3A_1046, %get3A_1047] {strides = array<i32>} : memref<128x128xf32, #tpu.memory_space<vmem>>, vector<1x16xf32>,
          %get3A_1049 = vector.shape_cast %get3A_1048 : vector<1x16xf32> to vector<16xf32>
          %add3A_1050 = arith.addf %get3A_1045, %get3A_1049 : vector<16xf32>
          %max3A_1051 = arith.constant 0.000000e+00 : f32
          %max3A_1052 = vector.broadcast %max3A_1051 : f32 to vector<16xf32>
          %max3A_1053 = arith.maximumf %add3A_1050, %max3A_1052 : vector<16xf32>
          %mul3A_1054 = arith.mulf %max3A_1053, %get3A_58 : vector<16xf32>
          %add3A_1055 = arith.addf %get3A_82, %mul3A_1054 : vector<16xf32>
          %get3A_1056 = arith.index_cast %add3A_1041 : i32 to index
          %get3A_1057 = arith.constant 16 : index
          %get3A_1058 = tpu.vector_load %arg11[%get3A_1056, %get3A_1057] {strides = array<i32>} : memref<128x128xf32, #tpu.memory_space<vmem>>, vector<1x16xf32>,
          %get3A_1059 = vector.shape_cast %get3A_1058 : vector<1x16xf32> to vector<16xf32>
          %get3A_1060 = arith.index_cast %add3A_1041 : i32 to index
          %get3A_1061 = arith.constant 16 : index
          %get3A_1062 = tpu.vector_load %arg13[%get3A_1060, %get3A_1061] {strides = array<i32>} : memref<128x128xf32, #tpu.memory_space<vmem>>, vector<1x16xf32>,
          %get3A_1063 = vector.shape_cast %get3A_1062 : vector<1x16xf32> to vector<16xf32>
          %add3A_1064 = arith.addf %get3A_1059, %get3A_1063 : vector<16xf32>
          %max3A_1065 = arith.constant 0.000000e+00 : f32
          %max3A_1066 = vector.broadcast %max3A_1065 : f32 to vector<16xf32>
          %max3A_1067 = arith.maximumf %add3A_1064, %max3A_1066 : vector<16xf32>
          %mul3A_1068 = arith.mulf %max3A_1067, %get3A_61 : vector<16xf32>
          %add3A_1069 = arith.addf %add3A_1055, %mul3A_1068 : vector<16xf32>
          %get3A_1070 = arith.index_cast %add3A_1041 : i32 to index
          %get3A_1071 = arith.constant 32 : index
          %get3A_1072 = tpu.vector_load %arg11[%get3A_1070, %get3A_1071] {strides = array<i32>} : memref<128x128xf32, #tpu.memory_space<vmem>>, vector<1x16xf32>,
          %get3A_1073 = vector.shape_cast %get3A_1072 : vector<1x16xf32> to vector<16xf32>
          %get3A_1074 = arith.index_cast %add3A_1041 : i32 to index
          %get3A_1075 = arith.constant 32 : index
          %get3A_1076 = tpu.vector_load %arg13[%get3A_1074, %get3A_1075] {strides = array<i32>} : memref<128x128xf32, #tpu.memory_space<vmem>>, vector<1x16xf32>,
          %get3A_1077 = vector.shape_cast %get3A_1076 : vector<1x16xf32> to vector<16xf32>
          %add3A_1078 = arith.addf %get3A_1073, %get3A_1077 : vector<16xf32>
          %max3A_1079 = arith.constant 0.000000e+00 : f32
          %max3A_1080 = vector.broadcast %max3A_1079 : f32 to vector<16xf32>
          %max3A_1081 = arith.maximumf %add3A_1078, %max3A_1080 : vector<16xf32>
          %mul3A_1082 = arith.mulf %max3A_1081, %get3A_64 : vector<16xf32>
          %add3A_1083 = arith.addf %add3A_1069, %mul3A_1082 : vector<16xf32>
          %get3A_1084 = arith.index_cast %add3A_1041 : i32 to index
          %get3A_1085 = arith.constant 48 : index
          %get3A_1086 = tpu.vector_load %arg11[%get3A_1084, %get3A_1085] {strides = array<i32>} : memref<128x128xf32, #tpu.memory_space<vmem>>, vector<1x16xf32>,
          %get3A_1087 = vector.shape_cast %get3A_1086 : vector<1x16xf32> to vector<16xf32>
          %get3A_1088 = arith.index_cast %add3A_1041 : i32 to index
          %get3A_1089 = arith.constant 48 : index
          %get3A_1090 = tpu.vector_load %arg13[%get3A_1088, %get3A_1089] {strides = array<i32>} : memref<128x128xf32, #tpu.memory_space<vmem>>, vector<1x16xf32>,
          %get3A_1091 = vector.shape_cast %get3A_1090 : vector<1x16xf32> to vector<16xf32>
          %add3A_1092 = arith.addf %get3A_1087, %get3A_1091 : vector<16xf32>
          %max3A_1093 = arith.constant 0.000000e+00 : f32
          %max3A_1094 = vector.broadcast %max3A_1093 : f32 to vector<16xf32>
          %max3A_1095 = arith.maximumf %add3A_1092, %max3A_1094 : vector<16xf32>
          %mul3A_1096 = arith.mulf %max3A_1095, %get3A_67 : vector<16xf32>
          %add3A_1097 = arith.addf %add3A_1083, %mul3A_1096 : vector<16xf32>
          %get3A_1098 = arith.index_cast %add3A_1041 : i32 to index
          %get3A_1099 = arith.constant 64 : index
          %get3A_1100 = tpu.vector_load %arg11[%get3A_1098, %get3A_1099] {strides = array<i32>} : memref<128x128xf32, #tpu.memory_space<vmem>>, vector<1x16xf32>,
          %get3A_1101 = vector.shape_cast %get3A_1100 : vector<1x16xf32> to vector<16xf32>
          %get3A_1102 = arith.index_cast %add3A_1041 : i32 to index
          %get3A_1103 = arith.constant 64 : index
          %get3A_1104 = tpu.vector_load %arg13[%get3A_1102, %get3A_1103] {strides = array<i32>} : memref<128x128xf32, #tpu.memory_space<vmem>>, vector<1x16xf32>,
          %get3A_1105 = vector.shape_cast %get3A_1104 : vector<1x16xf32> to vector<16xf32>
          %add3A_1106 = arith.addf %get3A_1101, %get3A_1105 : vector<16xf32>
          %max3A_1107 = arith.constant 0.000000e+00 : f32
          %max3A_1108 = vector.broadcast %max3A_1107 : f32 to vector<16xf32>
          %max3A_1109 = arith.maximumf %add3A_1106, %max3A_1108 : vector<16xf32>
          %mul3A_1110 = arith.mulf %max3A_1109, %get3A_70 : vector<16xf32>
          %add3A_1111 = arith.addf %add3A_1097, %mul3A_1110 : vector<16xf32>
          %get3A_1112 = arith.index_cast %add3A_1041 : i32 to index
          %get3A_1113 = arith.constant 80 : index
          %get3A_1114 = tpu.vector_load %arg11[%get3A_1112, %get3A_1113] {strides = array<i32>} : memref<128x128xf32, #tpu.memory_space<vmem>>, vector<1x16xf32>,
          %get3A_1115 = vector.shape_cast %get3A_1114 : vector<1x16xf32> to vector<16xf32>
          %get3A_1116 = arith.index_cast %add3A_1041 : i32 to index
          %get3A_1117 = arith.constant 80 : index
          %get3A_1118 = tpu.vector_load %arg13[%get3A_1116, %get3A_1117] {strides = array<i32>} : memref<128x128xf32, #tpu.memory_space<vmem>>, vector<1x16xf32>,
          %get3A_1119 = vector.shape_cast %get3A_1118 : vector<1x16xf32> to vector<16xf32>
          %add3A_1120 = arith.addf %get3A_1115, %get3A_1119 : vector<16xf32>
          %max3A_1121 = arith.constant 0.000000e+00 : f32
          %max3A_1122 = vector.broadcast %max3A_1121 : f32 to vector<16xf32>
          %max3A_1123 = arith.maximumf %add3A_1120, %max3A_1122 : vector<16xf32>
          %mul3A_1124 = arith.mulf %max3A_1123, %get3A_73 : vector<16xf32>
          %add3A_1125 = arith.addf %add3A_1111, %mul3A_1124 : vector<16xf32>
          %get3A_1126 = arith.index_cast %add3A_1041 : i32 to index
          %get3A_1127 = arith.constant 96 : index
          %get3A_1128 = tpu.vector_load %arg11[%get3A_1126, %get3A_1127] {strides = array<i32>} : memref<128x128xf32, #tpu.memory_space<vmem>>, vector<1x16xf32>,
          %get3A_1129 = vector.shape_cast %get3A_1128 : vector<1x16xf32> to vector<16xf32>
          %get3A_1130 = arith.index_cast %add3A_1041 : i32 to index
          %get3A_1131 = arith.constant 96 : index
          %get3A_1132 = tpu.vector_load %arg13[%get3A_1130, %get3A_1131] {strides = array<i32>} : memref<128x128xf32, #tpu.memory_space<vmem>>, vector<1x16xf32>,
          %get3A_1133 = vector.shape_cast %get3A_1132 : vector<1x16xf32> to vector<16xf32>
          %add3A_1134 = arith.addf %get3A_1129, %get3A_1133 : vector<16xf32>
          %max3A_1135 = arith.constant 0.000000e+00 : f32
          %max3A_1136 = vector.broadcast %max3A_1135 : f32 to vector<16xf32>
          %max3A_1137 = arith.maximumf %add3A_1134, %max3A_1136 : vector<16xf32>
          %mul3A_1138 = arith.mulf %max3A_1137, %get3A_76 : vector<16xf32>
          %add3A_1139 = arith.addf %add3A_1125, %mul3A_1138 : vector<16xf32>
          %get3A_1140 = arith.index_cast %add3A_1041 : i32 to index
          %get3A_1141 = arith.constant 112 : index
          %get3A_1142 = tpu.vector_load %arg11[%get3A_1140, %get3A_1141] {strides = array<i32>} : memref<128x128xf32, #tpu.memory_space<vmem>>, vector<1x16xf32>,
          %get3A_1143 = vector.shape_cast %get3A_1142 : vector<1x16xf32> to vector<16xf32>
          %get3A_1144 = arith.index_cast %add3A_1041 : i32 to index
          %get3A_1145 = arith.constant 112 : index
          %get3A_1146 = tpu.vector_load %arg13[%get3A_1144, %get3A_1145] {strides = array<i32>} : memref<128x128xf32, #tpu.memory_space<vmem>>, vector<1x16xf32>,
          %get3A_1147 = vector.shape_cast %get3A_1146 : vector<1x16xf32> to vector<16xf32>
          %add3A_1148 = arith.addf %get3A_1143, %get3A_1147 : vector<16xf32>
          %max3A_1149 = arith.constant 0.000000e+00 : f32
          %max3A_1150 = vector.broadcast %max3A_1149 : f32 to vector<16xf32>
          %max3A_1151 = arith.maximumf %add3A_1148, %max3A_1150 : vector<16xf32>
          %mul3A_1152 = arith.mulf %max3A_1151, %get3A_79 : vector<16xf32>
          %add3A_1153 = arith.addf %add3A_1139, %mul3A_1152 : vector<16xf32>
          %mul3A_1154 = arith.constant 16 : i32
          %mul3A_1155 = arith.muli %add3A_1041, %mul3A_1154 : i32
          %swap3A_1156 = arith.index_cast %mul3A_1155 : i32 to index
          %swap3A_1157 = tpu.vector_load %arg15[%swap3A_1156] {strides = array<i32>} : memref<2048xf32, #tpu.memory_space<vmem>>, vector<16xf32>,
          %swap3A_1158 = vector.shape_cast %swap3A_1157 : vector<16xf32> to vector<16xf32>
          %swap3A_1159 = vector.shape_cast %add3A_1153 : vector<16xf32> to vector<16xf32>
          tpu.vector_store %arg15[%swap3A_1156], %swap3A_1159 {strides = array<i32>} : memref<2048xf32, #tpu.memory_space<vmem>>, vector<16xf32>,
        }
        %scan3A_177 = arith.constant 16 : i32
        %add3A_178 = arith.addi %multiple_of3A, %add3A_135 : i32
        %dma_start3A_179 = arith.constant 0 : i32
        %dma_start3A_180 = tpu.memref_slice %arg7[%add3A_178, %dma_start3A_179] : memref<2500x2048xf32, #tpu.memory_space<hbm>> -> memref<1x2048xf32, #tpu.memory_space<hbm>>
        %dma_start3A_181 = tpu.memref_squeeze %dma_start3A_180 : memref<1x2048xf32, #tpu.memory_space<hbm>> -> memref<2048xf32, #tpu.memory_space<hbm>>
        %dma_start3A_182 = arith.constant 0 : i32
        %dma_start3A_183 = tpu.memref_slice %arg7[%add3A_178, %dma_start3A_182] : memref<2500x2048xf32, #tpu.memory_space<hbm>> -> memref<1x2048xf32, #tpu.memory_space<hbm>>
        %dma_start3A_184 = tpu.memref_squeeze %dma_start3A_183 : memref<1x2048xf32, #tpu.memory_space<hbm>> -> memref<2048xf32, #tpu.memory_space<hbm>>
        tpu.enqueue_dma source(%arg15 : memref<2048xf32, #tpu.memory_space<vmem>>) target(%dma_start3A_184 : memref<2048xf32, #tpu.memory_space<hbm>>) target_semaphore(%arg23 : memref<!tpu.dma_semaphore, #tpu.memory_space<semaphore_mem>>)
      } else {
      }
    }
    %scan3A_96 = arith.constant 40 : i32
    %dma_wait3A = arith.constant 0 : i32
    %dma_wait3A_97 = arith.constant 0 : i32
    %dma_wait3A_98 = tpu.memref_slice %arg7[%dma_wait3A, %dma_wait3A_97] : memref<2500x2048xf32, #tpu.memory_space<hbm>> -> memref<1x2048xf32, #tpu.memory_space<hbm>>
    %dma_wait3A_99 = tpu.memref_squeeze %dma_wait3A_98 : memref<1x2048xf32, #tpu.memory_space<hbm>> -> memref<2048xf32, #tpu.memory_space<hbm>>
    %dma_wait3A_100 = arith.constant 0 : i32
    %dma_wait3A_101 = tpu.memref_slice %arg7[%dma_wait3A, %dma_wait3A_100] : memref<2500x2048xf32, #tpu.memory_space<hbm>> -> memref<1x2048xf32, #tpu.memory_space<hbm>>
    %dma_wait3A_102 = tpu.memref_squeeze %dma_wait3A_101 : memref<1x2048xf32, #tpu.memory_space<hbm>> -> memref<2048xf32, #tpu.memory_space<hbm>>
    tpu.wait_dma2 semaphore(%arg22 : memref<!tpu.dma_semaphore, #tpu.memory_space<semaphore_mem>>) src(%dma_wait3A_102 : memref<2048xf32, #tpu.memory_space<hbm>>) dst(%arg14 : memref<2048xf32, #tpu.memory_space<vmem>>)
    %dma_wait3A_103 = arith.constant 0 : i32
    %dma_wait3A_104 = arith.constant 0 : i32
    %dma_wait3A_105 = tpu.memref_slice %arg7[%dma_wait3A_103, %dma_wait3A_104] : memref<2500x2048xf32, #tpu.memory_space<hbm>> -> memref<1x2048xf32, #tpu.memory_space<hbm>>
    %dma_wait3A_106 = tpu.memref_squeeze %dma_wait3A_105 : memref<1x2048xf32, #tpu.memory_space<hbm>> -> memref<2048xf32, #tpu.memory_space<hbm>>
    %dma_wait3A_107 = arith.constant 0 : i32
    %dma_wait3A_108 = tpu.memref_slice %arg7[%dma_wait3A_103, %dma_wait3A_107] : memref<2500x2048xf32, #tpu.memory_space<hbm>> -> memref<1x2048xf32, #tpu.memory_space<hbm>>
    %dma_wait3A_109 = tpu.memref_squeeze %dma_wait3A_108 : memref<1x2048xf32, #tpu.memory_space<hbm>> -> memref<2048xf32, #tpu.memory_space<hbm>>
    tpu.wait_dma2 semaphore(%arg23 : memref<!tpu.dma_semaphore, #tpu.memory_space<semaphore_mem>>) src(%dma_wait3A_109 : memref<2048xf32, #tpu.memory_space<hbm>>) dst(%arg15 : memref<2048xf32, #tpu.memory_space<vmem>>)
    return
  }
}

module attributes {stable_mosaic.version = 14 : i64} {
  func.func @body(%arg0: i32, %arg1: memref<2500x2048xf32, #tpu.memory_space<vmem>>, %arg2: memref<2500x128xf32, #tpu.memory_space<vmem>>) attributes {dimension_semantics = [#tpu.dimension_semantics<arbitrary>], iteration_bounds = array<i64: 1>, scalar_prefetch = 0 : i64, scratch_operands = 0 : i64, tpu.core_type = #tpu.core_type<tc>, window_params = [{pipeline_mode = #tpu.pipeline_mode<synchronous>, transform_indices = @transform_0, window_bounds = array<i64: 2500, 2048>}, {pipeline_mode = #tpu.pipeline_mode<synchronous>, transform_indices = @transform_1, window_bounds = array<i64: 2500, 128>}]} {
    %iota3A = tpu.iota {dimensions = array<i32: 0>} : vector<2048x128xi32>
    %jit3A = arith.constant 16 : i32
    %div3A = vector.broadcast %jit3A : i32 to vector<2048x128xi32>
    %div3A_0 = arith.divsi %iota3A, %div3A : vector<2048x128xi32>
    %sign3A = arith.constant 0 : i32
    %sign3A_1 = vector.broadcast %sign3A : i32 to vector<2048x128xi32>
    %sign3A_2 = arith.cmpi sgt, %iota3A, %sign3A_1 : vector<2048x128xi32>
    %sign3A_3 = arith.extui %sign3A_2 : vector<2048x128xi1> to vector<2048x128xi32>
    %sign3A_4 = arith.constant 0 : i32
    %sign3A_5 = vector.broadcast %sign3A_4 : i32 to vector<2048x128xi32>
    %sign3A_6 = arith.cmpi slt, %iota3A, %sign3A_5 : vector<2048x128xi32>
    %sign3A_7 = arith.extui %sign3A_6 : vector<2048x128xi1> to vector<2048x128xi32>
    %sign3A_8 = arith.subi %sign3A_3, %sign3A_7 : vector<2048x128xi32>
    %sign3A_9 = arith.constant 0 : i32
    %sign3A_10 = arith.cmpi sgt, %jit3A, %sign3A_9 : i32
    %sign3A_11 = arith.extui %sign3A_10 : i1 to i32
    %sign3A_12 = arith.constant 0 : i32
    %sign3A_13 = arith.cmpi slt, %jit3A, %sign3A_12 : i32
    %sign3A_14 = arith.extui %sign3A_13 : i1 to i32
    %sign3A_15 = arith.subi %sign3A_11, %sign3A_14 : i32
    %ne3A = vector.broadcast %sign3A_15 : i32 to vector<2048x128xi32>
    %ne3A_16 = arith.cmpi ne, %sign3A_8, %ne3A : vector<2048x128xi32>
    %rem3A = vector.broadcast %jit3A : i32 to vector<2048x128xi32>
    %rem3A_17 = arith.remsi %iota3A, %rem3A : vector<2048x128xi32>
    %ne3A_18 = arith.constant 0 : i32
    %ne3A_19 = vector.broadcast %ne3A_18 : i32 to vector<2048x128xi32>
    %ne3A_20 = arith.cmpi ne, %rem3A_17, %ne3A_19 : vector<2048x128xi32>
    %and3A = arith.andi %ne3A_16, %ne3A_20 : vector<2048x128xi1>
    %sub3A = arith.constant 1 : i32
    %sub3A_21 = vector.broadcast %sub3A : i32 to vector<2048x128xi32>
    %sub3A_22 = arith.subi %div3A_0, %sub3A_21 : vector<2048x128xi32>
    %select_n3A = arith.select %and3A, %sub3A_22, %div3A_0 : vector<2048x128xi1>, vector<2048x128xi32>
    %iota3A_23 = tpu.iota {dimensions = array<i32: 1>} : vector<2048x128xi32>
    %eq3A = arith.cmpi eq, %select_n3A, %iota3A_23 : vector<2048x128xi32>
    %convert_element_type3A = arith.extui %eq3A : vector<2048x128xi1> to vector<2048x128xi32>
    %convert_element_type3A_24 = arith.sitofp %convert_element_type3A : vector<2048x128xi32> to vector<2048x128xf32>
    %get3A = arith.constant 0 : index
    %get3A_25 = arith.constant 0 : index
    %get3A_26 = vector.load %arg1[%get3A, %get3A_25] : memref<2500x2048xf32, #tpu.memory_space<vmem>>, vector<2500x2048xf32>
    %dot_general3A = arith.constant dense<0.000000e+00> : vector<2500x128xf32>
    %dot_general3A_27 = tpu.matmul %get3A_26, %convert_element_type3A_24, %dot_general3A {dimension_numbers = #tpu.dot_dimension_numbers<[1], [0], [0], [1], [0, 0, 1, 1], [], []>, transpose_lhs_hint = false} : vector<2500x2048xf32>, vector<2048x128xf32>, vector<2500x128xf32> -> vector<2500x128xf32>
    %swap3A = arith.constant 0 : index
    %swap3A_28 = arith.constant 0 : index
    %swap3A_29 = vector.load %arg2[%swap3A, %swap3A_28] : memref<2500x128xf32, #tpu.memory_space<vmem>>, vector<2500x128xf32>
    tpu.vector_store %arg2[%swap3A, %swap3A_28], %dot_general3A_27 {strides = array<i32>} : memref<2500x128xf32, #tpu.memory_space<vmem>>, vector<2500x128xf32>,
    return
  }
  func.func @transform_0(%arg0: i32) -> (i32, i32) {
    %c0_i32 = arith.constant 0 : i32
    %c0_i32_0 = arith.constant 0 : i32
    %c0_i32_1 = arith.constant 0 : i32
    return %c0_i32, %c0_i32_0 : i32, i32
  }
  func.func @transform_1(%arg0: i32) -> (i32, i32) {
    %c0_i32 = arith.constant 0 : i32
    %c0_i32_0 = arith.constant 0 : i32
    %c0_i32_1 = arith.constant 0 : i32
    return %c0_i32, %c0_i32_0 : i32, i32
  }
}

module attributes {stable_mosaic.version = 14 : i64} {
  func.func @body(%arg0: i32, %arg1: memref<2000x128xf32, #tpu.memory_space<vmem>>, %arg2: memref<128x128xf32, #tpu.memory_space<vmem>>, %arg3: memref<1x128xf32, #tpu.memory_space<vmem>>, %arg4: memref<256x128xf32, #tpu.memory_space<vmem>>, %arg5: memref<1x128xf32, #tpu.memory_space<vmem>>, %arg6: memref<2000x128xf32, #tpu.memory_space<vmem>>, %arg7: memref<2000x128xf32, #tpu.memory_space<vmem>>) attributes {dimension_semantics = [#tpu.dimension_semantics<arbitrary>], iteration_bounds = array<i64: 5>, scalar_prefetch = 0 : i64, scratch_operands = 0 : i64, tpu.core_type = #tpu.core_type<tc>, window_params = [{transform_indices = @transform_0, window_bounds = array<i64: 2000, 128>}, {pipeline_mode = #tpu.pipeline_mode<synchronous>, transform_indices = @transform_1, window_bounds = array<i64: 128, 128>}, {pipeline_mode = #tpu.pipeline_mode<synchronous>, transform_indices = @transform_2, window_bounds = array<i64: 1, 128>}, {pipeline_mode = #tpu.pipeline_mode<synchronous>, transform_indices = @transform_3, window_bounds = array<i64: 256, 128>}, {pipeline_mode = #tpu.pipeline_mode<synchronous>, transform_indices = @transform_4, window_bounds = array<i64: 1, 128>}, {transform_indices = @transform_5, window_bounds = array<i64: 2000, 128>}, {transform_indices = @transform_6, window_bounds = array<i64: 2000, 128>}]} {
    %get3A = arith.constant 0 : index
    %get3A_0 = arith.constant 0 : index
    %get3A_1 = vector.load %arg1[%get3A, %get3A_0] : memref<2000x128xf32, #tpu.memory_space<vmem>>, vector<2000x128xf32>
    %get3A_2 = arith.constant 0 : index
    %get3A_3 = arith.constant 0 : index
    %get3A_4 = vector.load %arg2[%get3A_2, %get3A_3] : memref<128x128xf32, #tpu.memory_space<vmem>>, vector<128x128xf32>
    %dot_general3A = arith.constant dense<0.000000e+00> : vector<2000x128xf32>
    %dot_general3A_5 = tpu.matmul %get3A_1, %get3A_4, %dot_general3A {dimension_numbers = #tpu.dot_dimension_numbers<[1], [0], [0], [1], [0, 0, 1, 1], [], []>, transpose_lhs_hint = false} : vector<2000x128xf32>, vector<128x128xf32>, vector<2000x128xf32> -> vector<2000x128xf32>
    %get3A_6 = arith.constant 0 : index
    %get3A_7 = arith.constant 0 : index
    %get3A_8 = vector.load %arg3[%get3A_6, %get3A_7] : memref<1x128xf32, #tpu.memory_space<vmem>>, vector<1x128xf32>
    %add3A = vector.broadcast %get3A_8 : vector<1x128xf32> to vector<2000x128xf32>
    %add3A_9 = arith.addf %dot_general3A_5, %add3A : vector<2000x128xf32>
    %max3A = arith.constant 0.000000e+00 : f32
    %max3A_10 = vector.broadcast %max3A : f32 to vector<2000x128xf32>
    %max3A_11 = arith.maximumf %add3A_9, %max3A_10 : vector<2000x128xf32>
    %get3A_12 = arith.constant 0 : index
    %get3A_13 = arith.constant 0 : index
    %get3A_14 = vector.load %arg4[%get3A_12, %get3A_13] : memref<256x128xf32, #tpu.memory_space<vmem>>, vector<256x128xf32>
    %slice3A = vector.extract_strided_slice %get3A_14 {offsets = [0, 0], sizes = [128, 128], strides = [1, 1]} : vector<256x128xf32> to vector<128x128xf32>
    %dot_general3A_15 = arith.constant dense<0.000000e+00> : vector<2000x128xf32>
    %dot_general3A_16 = tpu.matmul %max3A_11, %slice3A, %dot_general3A_15 {dimension_numbers = #tpu.dot_dimension_numbers<[1], [0], [0], [1], [0, 0, 1, 1], [], []>, transpose_lhs_hint = false} : vector<2000x128xf32>, vector<128x128xf32>, vector<2000x128xf32> -> vector<2000x128xf32>
    %get3A_17 = arith.constant 0 : index
    %get3A_18 = arith.constant 0 : index
    %get3A_19 = vector.load %arg5[%get3A_17, %get3A_18] : memref<1x128xf32, #tpu.memory_space<vmem>>, vector<1x128xf32>
    %add3A_20 = vector.broadcast %get3A_19 : vector<1x128xf32> to vector<2000x128xf32>
    %add3A_21 = arith.addf %dot_general3A_16, %add3A_20 : vector<2000x128xf32>
    %swap3A = arith.constant 0 : index
    %swap3A_22 = arith.constant 0 : index
    %swap3A_23 = vector.load %arg6[%swap3A, %swap3A_22] : memref<2000x128xf32, #tpu.memory_space<vmem>>, vector<2000x128xf32>
    tpu.vector_store %arg6[%swap3A, %swap3A_22], %add3A_21 {strides = array<i32>} : memref<2000x128xf32, #tpu.memory_space<vmem>>, vector<2000x128xf32>,
    %slice3A_24 = vector.extract_strided_slice %get3A_14 {offsets = [128, 0], sizes = [128, 128], strides = [1, 1]} : vector<256x128xf32> to vector<128x128xf32>
    %dot_general3A_25 = arith.constant dense<0.000000e+00> : vector<2000x128xf32>
    %dot_general3A_26 = tpu.matmul %max3A_11, %slice3A_24, %dot_general3A_25 {dimension_numbers = #tpu.dot_dimension_numbers<[1], [0], [0], [1], [0, 0, 1, 1], [], []>, transpose_lhs_hint = false} : vector<2000x128xf32>, vector<128x128xf32>, vector<2000x128xf32> -> vector<2000x128xf32>
    %swap3A_27 = arith.constant 0 : index
    %swap3A_28 = arith.constant 0 : index
    %swap3A_29 = vector.load %arg7[%swap3A_27, %swap3A_28] : memref<2000x128xf32, #tpu.memory_space<vmem>>, vector<2000x128xf32>
    tpu.vector_store %arg7[%swap3A_27, %swap3A_28], %dot_general3A_26 {strides = array<i32>} : memref<2000x128xf32, #tpu.memory_space<vmem>>, vector<2000x128xf32>,
    return
  }
  func.func @transform_0(%arg0: i32) -> (i32, i32) {
    %c0_i32 = arith.constant 0 : i32
    %c0_i32_0 = arith.constant 0 : i32
    return %arg0, %c0_i32 : i32, i32
  }
  func.func @transform_1(%arg0: i32) -> (i32, i32) {
    %c0_i32 = arith.constant 0 : i32
    %c0_i32_0 = arith.constant 0 : i32
    %c0_i32_1 = arith.constant 0 : i32
    return %c0_i32, %c0_i32_0 : i32, i32
  }
  func.func @transform_2(%arg0: i32) -> (i32, i32) {
    %c0_i32 = arith.constant 0 : i32
    %c0_i32_0 = arith.constant 0 : i32
    %c0_i32_1 = arith.constant 0 : i32
    return %c0_i32, %c0_i32_0 : i32, i32
  }
  func.func @transform_3(%arg0: i32) -> (i32, i32) {
    %c0_i32 = arith.constant 0 : i32
    %c0_i32_0 = arith.constant 0 : i32
    %c0_i32_1 = arith.constant 0 : i32
    return %c0_i32, %c0_i32_0 : i32, i32
  }
  func.func @transform_4(%arg0: i32) -> (i32, i32) {
    %c0_i32 = arith.constant 0 : i32
    %c0_i32_0 = arith.constant 0 : i32
    %c0_i32_1 = arith.constant 0 : i32
    return %c0_i32, %c0_i32_0 : i32, i32
  }
  func.func @transform_5(%arg0: i32) -> (i32, i32) {
    %c0_i32 = arith.constant 0 : i32
    %c0_i32_0 = arith.constant 0 : i32
    return %arg0, %c0_i32 : i32, i32
  }
  func.func @transform_6(%arg0: i32) -> (i32, i32) {
    %c0_i32 = arith.constant 0 : i32
    %c0_i32_0 = arith.constant 0 : i32
    return %arg0, %c0_i32 : i32, i32
  }
}

</mosaic_0001>

<sc_bundles>
// kernel: kernel.5.cloned.1.call-start
scs
__scs_entry_jumppad:
0x0: {  	(pc) =	sbr.rel $0x88, $3  }
0x1: {  	(tag) =	ssettag $0x0;
	lr =	simm.s32 $0x1  }
0x2: {  	[smem:$0x3F99] =	sst lr;
	_ =	strace $0xD0000000  }
0x3: {  	_ = 	snop  }
0x4: {  	_ = 	snop  }
0x5: {  	_ = 	snop  }
0x6: {  	_ = 	snop  }
0x7: {  	_ = 	snop  }
__scs_overlays_trampoline_lowered:
0x8: {  	[smem:$0x3FA8] =	sst s0  }
0x9: {  	[smem:$0x3FA9] =	sst s1  }
0xa: {  	[smem:$0x3FAA] =	sst s2  }
0xb: {  	[smem:$0x3FAB] =	sst s3  }
0xc: {  	[smem:$0x3FAC] =	sst s4  }
0xd: {  	[smem:$0x3FAD] =	sst s5  }
0xe: {  	[smem:$0x3FAE] =	sst s6  }
0xf: {  	[smem:$0x3FAF] =	sst s7  }
0x10: {  	[smem:$0x3FB0] =	sst s8  }
0x11: {  	[smem:$0x3FB1] =	sst s9;
	s0 =	simm.s32 @!p0 $0x0  }
0x12: {  	s1 =	sld [smem:$0x3F97];
	s0 =	simm.s32 @p0 $0x1  }
0x13: {  	[smem:$0x3FB2] =	sst s0;
	s0 =	simm.s32 @!p1 $0x0  }
0x14: {  	s2 =	sld [smem:$0x3F96];
	s0 =	simm.s32 @p1 $0x1  }
0x15: {  	[smem:$0x3FB3] =	sst s0;
	s0 =	simm.s32 @!p2 $0x0  }
0x16: {  	s3 =	sld [smem:$0x3FDB];
	s0 =	simm.s32 @p2 $0x1  }
0x17: {  	s4 =	simm.s32 $0x1BF5;
	[smem:$0x3FB5] =	sst s0  }
0x18: {  	s0 =	sld [smem:$0x3F98];
	_ =	swait.ge [sflag:s4], $0x0  }
0x19: {  	s7 =	sld [smem:$0x3F99]  }
0x1a: {  	s8 =	sadd.s32 $0xFFFFE003, lr  }
0x1b: {  	s9 =	sadd.s32 $0xFFFFFEF7, lr;
	s5 =	simm.s32 $0xFFFFFFFF;
	p2 =	slt.u32 s8, $0xFFFFF086  }
0x1c: {  	p1 =	slt.u32 s9, $0xF7A;
	s5 =	simm.s32 @!p2 $0x0  }
0x1d: {  	s5 =	simm.s32 @p1 $0x1;
	p0 =	seq.s32 s7, s2  }
0x1e: {  	s7 =	smul.u32 @!p0 $0xF7A, s2;
	p2 =	seq.s32 @!p0 s5, $0x0  }
0x1f: {  	s9 =	smul.u32 $0xF7A, s1;
	s8 =	simm.s32 @!p0 $0x1BF5;
	p2 =	por !p2, p0  }
0x20: {  	[sflag:s8] =	ssyncset.s32 @!p0 $0xFFFFF086;
	s6 =	sadd.s32 @!p0 s3, s7;
	s7 =	simm.s32 @!p0 $0x108  }
0x21: {  	s3 =	sadd.s32 s3, s9;
	s6 =	sadd.s32 @!p0 $0x88, s6;
	s7 =	simm.s32 @p2 $0x1082  }
0x22: {  	[simem:s7], [sflag:s8] =	dma.local @!p0 [hbm:s6], $0xF7A  }
0x23: {  	s9 =	sor.u32 $0xD0000000, s2;
	s6 =	simm.s32 $0x108;
	_ =	swait.ge @!p0 [sflag:s8], $0x0  }
0x24: {  	s3 =	sadd.s32 $0x88, s3;
	s6 =	simm.s32 @!p1 $0x1082;
	[sflag:s4] =	ssyncset.s32 $0xFFFFF086  }
0x25: {  	[simem:s6], [sflag:s4] =	dma.local [hbm:s3], $0xF7A  }
0x26: {  	[smem:$0x3F99] =	sst s1;
	(tag) =	ssettag s2;
	_ =	strace s9  }
0x27: {  	s1 =	sld [smem:$0x3FA9]  }
0x28: {  	s2 =	sld [smem:$0x3FAA]  }
0x29: {  	s4 =	sld [smem:$0x3FAC]  }
0x2a: {  	p0 =	seq.s32 s5, $0x0;
	s5 =	sld [smem:$0x3FAD]  }
0x2b: {  	s6 =	sld [smem:$0x3FAE]  }
0x2c: {  	s7 =	sld [smem:$0x3FAF]  }
0x2d: {  	s3 =	simm.s32 $0x108;
	s8 =	sld [smem:$0x3FB0]  }
0x2e: {  	s3 =	simm.s32 @!p0 $0x1082;
	s9 =	sld [smem:$0x3FB1]  }
0x2f: {  	lr =	sadd.s32 s0, s3;
	s0 =	sld [smem:$0x3FA8]  }
0x30: {  	s3 =	sld [smem:$0x3FAB]  }
0x31: {  	[smem:$0x3FB4] =	sst s10  }
0x32: {  	s10 =	sld [smem:$0x3FB2];
	_ =	sdelay $0x3  }
0x33: {  	p0 =	seq.s32 s10, $0x1;
	s10 =	sld [smem:$0x3FB4];
	_ =	sdelay $0x3  }
0x34: {  	[smem:$0x3FB4] =	sst s10  }
0x35: {  	s10 =	sld [smem:$0x3FB3];
	_ =	sdelay $0x3  }
0x36: {  	p1 =	seq.s32 s10, $0x1;
	s10 =	sld [smem:$0x3FB4];
	_ =	sdelay $0x3  }
0x37: {  	[smem:$0x3FB4] =	sst s10  }
0x38: {  	s10 =	sld [smem:$0x3FB5]  }
0x39: {  	_ = 	snop;
	(pc) =	sbr.ind lr, $3  }
0x3a: {  	_ = 	snop  }
0x3b: {  	_ = 	snop  }
0x3c: {  	p2 =	seq.s32 s10, $0x1;
	s10 =	sld [smem:$0x3FB4]  }
0x3d: {  	_ =	shalt  }
0x3e: {  	_ =	shalt  }
0x3f: {  	_ =	shalt  }
0x40: {  	_ =	shalt  }
0x41: {  	_ =	shalt  }
0x42: {  	_ =	shalt  }
0x43: {  	_ =	shalt  }
0x44: {  	_ =	shalt  }
0x45: {  	_ =	shalt  }
0x46: {  	_ =	shalt  }
0x47: {  	_ =	shalt  }
0x48: {  	_ =	shalt  }
0x49: {  	_ =	shalt  }
0x4a: {  	_ =	shalt  }
0x4b: {  	_ =	shalt  }
0x4c: {  	_ =	shalt  }
0x4d: {  	_ =	shalt  }
0x4e: {  	_ =	shalt  }
0x4f: {  	_ =	shalt  }
0x50: {  	_ =	shalt  }
0x51: {  	_ =	shalt  }
0x52: {  	_ =	shalt  }
0x53: {  	_ =	shalt  }
0x54: {  	_ =	shalt  }
0x55: {  	_ =	shalt  }
0x56: {  	_ =	shalt  }
0x57: {  	_ =	shalt  }
0x58: {  	_ =	shalt  }
0x59: {  	_ =	shalt  }
0x5a: {  	_ =	shalt  }
0x5b: {  	_ =	shalt  }
0x5c: {  	_ =	shalt  }
0x5d: {  	_ =	shalt  }
0x5e: {  	_ =	shalt  }
0x5f: {  	_ =	shalt  }
0x60: {  	_ =	shalt  }
0x61: {  	_ =	shalt  }
0x62: {  	_ =	shalt  }
0x63: {  	_ =	shalt  }
0x64: {  	_ =	shalt  }
0x65: {  	_ =	shalt  }
0x66: {  	_ =	shalt  }
0x67: {  	_ =	shalt  }
0x68: {  	_ =	shalt  }
0x69: {  	_ =	shalt  }
0x6a: {  	_ =	shalt  }
0x6b: {  	_ =	shalt  }
0x6c: {  	_ =	shalt  }
0x6d: {  	_ =	shalt  }
0x6e: {  	_ =	shalt  }
0x6f: {  	_ =	shalt  }
0x70: {  	_ =	shalt  }
0x71: {  	_ =	shalt  }
0x72: {  	_ =	shalt  }
0x73: {  	_ =	shalt  }
0x74: {  	_ =	shalt  }
0x75: {  	_ =	shalt  }
0x76: {  	_ =	shalt  }
0x77: {  	_ =	shalt  }
0x78: {  	_ =	shalt  }
0x79: {  	_ =	shalt  }
0x7a: {  	_ =	shalt  }
0x7b: {  	_ =	shalt  }
0x7c: {  	_ =	shalt  }
0x7d: {  	_ =	shalt  }
0x7e: {  	_ =	shalt  }
0x7f: {  	_ =	shalt  }
0x80: {  	_ =	shalt  }
0x81: {  	_ =	shalt  }
0x82: {  	_ =	shalt  }
0x83: {  	_ =	shalt  }
0x84: {  	_ =	shalt  }
0x85: {  	_ =	shalt  }
0x86: {  	_ =	shalt  }
0x87: {  	_ =	shalt  }
.Lfunc_end0:
.L_simem_size_0:
called_computation_lowered:
.L_overlay_start_0:
0x88: {  	s2 =	sld [smem:$0x3FD9]  }
0x89: {  	s3 =	sld [smem:$0x3FFE];
	_ =	sdelay $0x1  }
0x8a: {  	s1 =	srdreg.scid  }
0x8b: {  	s0 =	sand.u32 $0x1, s1  }
0x8c: {  	s17 =	sshll.u32 s0, $0xA;
	s2 =	sadd.s32 s3, s2  }
0x8d: {  	s2 =	sadd.s32 s2, s17  }
0x8e: {  	[smem:$0x3FC0] =	sst s2  }
0x8f: {  	_ = 	snop  }
0x90: {  	s2 =	sld [smem:$0x3FC3];
	(tm) =	ssettm $0x1  }
0x91: {  	s18 =	sld [smem:$0x3FFB];
	_ =	sdelay $0x3  }
0x92: {  	_ =	strace s18  }
0x93: {  	s3 =	sld [smem:$0x3FFC];
	_ =	sdelay $0x3  }
0x94: {  	_ =	strace s3  }
0x95: {  	s3 =	sld [smem:$0x3FFD];
	_ =	sdelay $0x3  }
0x96: {  	_ =	strace s3  }
0x97: {  	_ =	strace $0x8FFFFFFF  }
0x98: {  	s19 =	sld [smem:$0x3FDB];
	_ =	sdelay $0x1  }
0x99: {  	s4 =	simm.s32 $_scs_section_size  }
0x9a: {  	s5 =	simm.s32 $_size__tile_overlayer_lowered;
	s6 =	simm.s32 $_tile_overlayer_lowered  }
0x9b: {  	s22 =	simm.s32 $0x1BFF;
	s21 =	sshll.u32 s6, $0x1;
	s3 =	sadd.s32 s4, s19  }
0x9c: {  	s7 =	simm.s32 $0x0;
	s20 =	sshll.u32 s5, $0x1;
	s5 =	sadd.s32 s21, s3  }
0x9d: {  	[timem:s7], [sflag:s22] =	dma.local [hbm:s5], s20  }
0x9e: {  	_ =	swait.ge [sflag:s22], s20  }
0x9f: {  	s4 =	ssub.s32 $0x0, s20;
	[sflag:s22] =	ssyncset.done $0x0  }
0xa0: {  	[sflag:s22] =	ssyncadd.s32 s4;
	_ =	sdelay $0x1  }
0xa1: {  	s23 =	simm.s32 $0x1B8B  }
0xa2: {  	_ =	swait.ge [sflag:s23], $0x1  }
0xa3: {  	[sflag:s23] =	ssyncset.done $0x0  }
0xa4: {  	s25 =	simm.s32 $0x1B8E;
	s24 =	sld [smem:$0x3FFE];
	[sflag:s23] =	ssyncadd.s32 $0xFFFFFFFF  }
0xa5: {  	s26 =	simm.s32 $execute0_lowered;
	[smem:$0x3FD2] =	sst s25  }
0xa6: {  	s5 =	sshll.u32 s26, $0x1;
	_ =	strace $0x80000046;
	[dreg:$0x1] =	wrdreg $0xFFFFFFFF  }
0xa7: {  	s28 =	simm.s32 $_size_execute0_lowered;
	s3 =	sadd.s32 s3, s5;
	[dreg:$0x0] =	wrdreg $0x0  }
0xa8: {  	s5 =	sshll.u32 s28, $0x1;
	[dreg:$0x2] =	wrdreg s3  }
0xa9: {  	[dreg:$0x3] =	wrdreg s5  }
0xaa: {  	[dreg:$0x4] =	wrdreg $0xC0  }
0xab: {  	_ =	task [dreg:s7], $0x5FFFF  }
0xac: {  	[dreg:$0x1] =	wrdreg $0xFFFFFFFF  }
0xad: {  	[dreg:$0x0] =	wrdreg $0x60  }
0xae: {  	[dreg:$0x2] =	wrdreg s24  }
0xaf: {  	[dreg:$0x3] =	wrdreg s2  }
0xb0: {  	[dreg:$0x4] =	wrdreg $0x9  }
0xb1: {  	_ =	task.clear_ibuf [dreg:s7], $0x5FFFF;
	_ =	strace $0x90000046  }
0xb2: {  	s29 =	simm.s32 $0x9;
	_ =	strace $0x80000048  }
0xb3: {  	_ =	swait.ge [sflag:s29], $0x1  }
0xb4: {  	[sflag:s29] =	ssyncadd.s32 $0xFFFFFFFF  }
0xb5: {  	_ =	strace $0x90000048  }
0xb6: {  	_ =	sfence  }
0xb7: {  	s30 =	sld [smem:$0x0];
	_ =	sdelay $0x2  }
0xb8: {  	s31 =	sshll.u32 s1, $0xD;
	s1 =	sshrl.u32 s1, $0x2  }
0xb9: {  	s3 =	sand.u32 $0x4000, s31;
	s1 =	sadd.s32 s1, s30  }
0xba: {  	s0 =	sor.u32 s3, s0;
	s1 =	sshll.u32 s1, $0x11  }
0xbb: {  	s0 =	sor.u32 s1, s0  }
0xbc: {  	s0 =	sadd.s32 $0x8F2B, s0  }
0xbd: {  	[sflag:s0] =	ssyncadd.remote.s32 $0x1  }
0xbe: {  	_ =	sfence.sel $0xFFFF  }
0xbf: {  	[dreg:$0x0] =	wrdreg $0xFFFFFFFF;
	(pc) =	sbr.abs _section_cstart, $3  }
0xc0: {  	[dreg:$0x1] =	wrdreg $0xFFFFFFFF  }
0xc1: {  	_ =	task.clear_ibuf [dreg:s7], $0x2FFFF;
	_ =	strace $0x9FFFFFFF  }
0xc2: {  	(tm) =	ssettm $0x7FFFFFFF  }
0xc3: {  	_ =	shalt  }
tec
execute0_lowered:
.L_overlay_start_1:
0x0: {  	(tag) =	ssettag $0x1  }
0x1: {  	s0 =	srdreg.scid  }
0x2: {  	s1 =	stileid.u32;
	s2 =	rddreg [dreg:$0x0];
	s3 =	simm.s32 $0x0  }
0x3: {  	s14 =	simm.s32 $0x7;
	s16 =	simm.s32 $0x80;
	s17 =	simm.s32 $0x100  }
0x4: {  	s18 =	simm.s32 $0x2800;
	s21 =	simm.s32 $0x1;
	s22 =	simm.s32 $0x3  }
0x5: {  	s23 =	simm.s32 $0x400;
	s24 =	simm.s32 $0x15000;
	s25 =	simm.s32 $0x2  }
0x6: {  	s28 =	simm.s32 $0x15800;
	s29 =	simm.s32 $0x5;
	s30 =	simm.s32 $0x6  }
0x7: {  	s31 =	simm.s32 $0x0;
	s0 =	sand.u32 $0x1, s0;
	s1 =	sshll.u32 s1, $0x1  }
0x8: {  	[smem:$0x7FF] =	sst s3;
	s4 =	sadd.s32 $0x15200, s2;
	s1 =	sor.u32 s0, s1  }
0x9: {  	s5 =	sadd.s32 $0x3C400, s2;
	s0 =	ssub.s32 $0x2, s0;
	s1 =	smul.u32 $0x13C, s1  }
0xa: {  	s7 =	sadd.s32 $0x63800, s2;
	_ =	strace $0x80000047;
	s26 =	sshrl.u32 s0, $0x1  }
.Ltmp0:
0xb: {  	s0 =	ssub.s32 s0, s26;
	s8 =	sshrl.u32 s1, $0x5;
	(pc) =	sbr.rel .LBB2_1-.Ltmp0, $4  }
0xc: {  	s26 =	simm.s32 $0x4;
	s1 =	sadd.s32 $0x13C, s1;
	s6 =	sshll.u32 s8, $0x8  }
0xd: {  	s12 =	smax.u32 s0, $0x1;
	s1 =	sshrl.u32 s1, $0x5;
	s11 =	sadd.s32 s6, s2  }
0xe: {  	s6 =	sadd.s32 $0x63600, s2;
	s1 =	ssub.s32 s1, s8;
	s8 =	sshll.u32 s8, $0x3  }
0xf: {  	s9 =	sshll.u32 s1, $0x3;
	s10 =	sadd.s32 $0x1600, s11;
	s11 =	sadd.s32 $0x1610, s11  }
.LBB2_11:
0x10: {  	s31 =	sadd.s32 $0x1, s31  }
0x11: {  	_ =	swait.ge [sflag:s29], $0x800;
	p0 =	sne.s32 s31, s12  }
.Ltmp1:
0x12: {  	[sflag:s29] =	ssyncset.done $0x0;
	(pc) =	sbr.rel @!p0 .LBB2_12-.Ltmp1, $4  }
0x13: {  	[sflag:s29] =	ssyncadd.s32 $0xFFFFF800  }
0x14: {  	_ =	swait.ge [sflag:s30], $0x800  }
0x15: {  	[sflag:s30] =	ssyncset.done $0x0  }
0x16: {  	[sflag:s30] =	ssyncadd.s32 $0xFFFFF800  }
.LBB2_1:
0x17: {  	s0 =	rddreg [dreg:$0x1];
	s1 =	simm.s32 $0x16000  }
0x18: {  	[tilespmem:s1], [sflag:$0x7] =	stream.linear.gather [hbm4b:s0+s3], $0x80, $0x38;
	[tilespmem:$0x16100] =	vst v63  }
0x19: {  	_ =	swait.ge [sflag:s14], $0x80  }
0x1a: {  	[sflag:s14] =	ssyncset.done $0x0  }
0x1b: {  	s15 =	simm.s32 $0x16080;
	[sflag:s14] =	ssyncadd.s32 $0xFFFFFF80  }
0x1c: {  	[tilespmem:s15], [sflag:$0x7] =	stream.linear.gather [hbm4b:s6+s3], $0x80, $0x38;
	[tilespmem:$0x16100] =	vst v63  }
0x1d: {  	_ =	swait.ge [sflag:s14], $0x80  }
0x1e: {  	[sflag:s14] =	ssyncset.done $0x0  }
0x1f: {  	[sflag:s14] =	ssyncadd.s32 $0xFFFFFF80  }
0x20: {  	[tilespmem:s3], [sflag:$0x7] =	stream.strided.gather [hbm4b:s10+s16], $0x2800, s17, s16, $0x38;
	[tilespmem:$0x16100] =	vst v63  }
0x21: {  	_ =	swait.ge [sflag:s14], $0x2800  }
0x22: {  	[sflag:s14] =	ssyncset.done $0x0  }
0x23: {  	[sflag:s14] =	ssyncadd.s32 $0xFFFFD800  }
0x24: {  	[tilespmem:s18], [sflag:$0x7] =	stream.strided.gather [hbm4b:s11+s16], $0x2800, s17, s16, $0x38;
	[tilespmem:$0x16100] =	vst v63  }
0x25: {  	_ =	swait.ge [sflag:s14], $0x2800  }
0x26: {  	[sflag:s14] =	ssyncset.done $0x0  }
0x27: {  	[sflag:s14] =	ssyncadd.s32 $0xFFFFD800  }
0x28: {  	v0 =	vld [tilespmem:$0x16000]  }
0x29: {  	v1 =	vld [tilespmem:$0x16010]  }
0x2a: {  	v2 =	vld [tilespmem:$0x16020]  }
0x2b: {  	v3 =	vld [tilespmem:$0x16030]  }
0x2c: {  	v4 =	vld [tilespmem:$0x16040]  }
0x2d: {  	v5 =	vld [tilespmem:$0x16050]  }
.Ltmp2:
0x2e: {  	v6 =	vld [tilespmem:$0x16060];
	(pc) =	sbr.rel .LBB2_2-.Ltmp2, $4  }
0x2f: {  	s19 =	simm.s32 $0x5000;
	v7 =	vld [tilespmem:$0x16070]  }
0x30: {  	v8 =	vld [tilespmem:$0x16080];
	[tilespmem:s19], [sflag:$0x1] =	stream.indirect.gather [hbm4b:s4+s16], $0x80, s3, s16, $0xb8  }
0x31: {  	s20 =	simm.s32 $0xD000;
	s1 =	simm.s32 $0x0  }
0x32: {  	[tilespmem:s20], [sflag:$0x3] =	stream.indirect.gather [hbm4b:s5+s16], $0x80, s18, s16, $0xb8;
	[tilespmem:$0x16100] =	vst v63  }
.LBB2_10:
0x33: {  	s1 =	sadd.s32 $0x1, s1  }
0x34: {  	p0 =	sne.s32 s1, $0x28  }
.Ltmp3:
0x35: {  	_ = 	snop;
	(pc) =	sbr.rel @!p0 .LBB2_11-.Ltmp3, $1  }
0x36: {  	_ =	sdelay $0x3  }
.LBB2_2:
0x37: {  	s2 =	sshll.u32 s1, $0x1;
	s0 =	sshllo.u32 s1, $0x1  }
0x38: {  	p0 =	sge.s32 s0, s9;
	s13 =	sadd.s32 s8, s2  }
0x39: {  	p1 =	sgt.u32 @!p0 s13, $0x9C3  }
0x3a: {  	p1 =	por p1, p0  }
0x3b: {  	s15 =	sshll.u32 @!p1 s0, $0x7;
	s19 =	simm.s32 @!p1 $0x80;
	s20 =	simm.s32 @!p1 $0x9000  }
0x3c: {  	[tilespmem:s20], [sflag:$0x2] =	stream.indirect.gather @!p1 [hbm4b:s4+s19], $0x80, s15, s19, $0xb8;
	[tilespmem:$0x16100] =	vst v63  }
0x3d: {  	s15 =	sadd.s32 @!p1 $0x2800, s15;
	s20 =	simm.s32 @!p1 $0x11000  }
0x3e: {  	[tilespmem:s20], [sflag:$0x4] =	stream.indirect.gather @!p1 [hbm4b:s5+s19], $0x80, s15, s19, $0xb8;
	[tilespmem:$0x16100] =	vst v63  }
0x3f: {  	p1 =	sge.s32 s2, s9  }
0x40: {  	p2 =	sgt.u32 @!p1 s13, $0x9C3  }
0x41: {  	p1 =	por p1, p2  }
.Ltmp4:
0x42: {  	_ = 	snop;
	(pc) =	sbr.rel @p1 .LBB2_6-.Ltmp4, $1  }
0x43: {  	_ =	sdelay $0x3  }
0x44: {  	_ =	swait.ge [sflag:s21], $0x4000  }
0x45: {  	[sflag:s21] =	ssyncset.done $0x0  }
0x46: {  	[sflag:s21] =	ssyncadd.s32 $0xFFFFC000  }
0x47: {  	_ =	swait.ge [sflag:s22], $0x4000  }
0x48: {  	p1 =	seq.s32 s1, $0x0;
	[sflag:s22] =	ssyncset.done $0x0  }
0x49: {  	s15 =	simm.s32 @!p1 $0x5;
	[sflag:s22] =	ssyncadd.s32 $0xFFFFC000  }
0x4a: {  	_ =	swait.ge @!p1 [sflag:s15], $0x800  }
0x4b: {  	[sflag:s15] =	ssyncset.done @!p1 $0x0  }
0x4c: {  	s19 =	simm.s32 $0x15040;
	[sflag:s15] =	ssyncadd.s32 @!p1 $0xFFFFF800;
	s15 =	simm.s32 $0x0  }
.LBB2_4:
0x4d: {  	s20 =	sshra.s32 s15, $0x2  }
0x4e: {  	v9 =	vld [tilespmem:s20+$0x5000]  }
0x4f: {  	v10 =	vld [tilespmem:s20+$0xD000]  }
0x50: {  	v11 =	vld [tilespmem:s20+$0x5010]  }
0x51: {  	v12 =	vld [tilespmem:s20+$0xD010]  }
0x52: {  	v13 =	vld [tilespmem:s20+$0x5020]  }
0x53: {  	v14 =	vld [tilespmem:s20+$0xD020]  }
0x54: {  	v15 =	vld [tilespmem:s20+$0xD030];
	v9 =	vadd.f32 v10, v9  }
0x55: {  	v10 =	vld [tilespmem:s20+$0x5030]  }
0x56: {  	v54 =	vld [tilespmem:s20+$0x5040];
	v11 =	vadd.f32 v12, v11;
	v9 =	vmax.f32 v9, $0.0e+00  }
0x57: {  	v16 =	vld [tilespmem:s20+$0xD040];
	v9 =	vmul.f32 v9, v0  }
0x58: {  	v55 =	vld [tilespmem:s20+$0x5050];
	v13 =	vadd.f32 v14, v13;
	v11 =	vmax.f32 v11, $0.0e+00  }
0x59: {  	v17 =	vld [tilespmem:s20+$0xD050];
	v11 =	vmul.f32 v11, v1;
	v9 =	vadd.f32 v9, v8  }
0x5a: {  	v56 =	vld [tilespmem:s20+$0x5060];
	v13 =	vmax.f32 v13, $0.0e+00;
	v10 =	vadd.f32 v15, v10  }
0x5b: {  	v57 =	vld [tilespmem:s20+$0xD060];
	v9 =	vadd.f32 v11, v9;
	v11 =	vmul.f32 v13, v2  }
0x5c: {  	v58 =	vld [tilespmem:s20+$0x5070];
	v12 =	vadd.f32 v16, v54;
	v10 =	vmax.f32 v10, $0.0e+00  }
0x5d: {  	v10 =	vmul.f32 v10, v3;
	v9 =	vadd.f32 v11, v9;
	v11 =	vld [tilespmem:s20+$0xD070]  }
0x5e: {  	v14 =	vadd.f32 v17, v55;
	v12 =	vmax.f32 v12, $0.0e+00  }
0x5f: {  	v9 =	vadd.f32 v10, v9;
	v10 =	vmul.f32 v12, v4  }
0x60: {  	v59 =	vmax.f32 v14, $0.0e+00;
	v13 =	vadd.f32 v57, v56  }
0x61: {  	v9 =	vadd.f32 v10, v9;
	v10 =	vmul.f32 v59, v5  }
0x62: {  	v60 =	vmax.f32 v13, $0.0e+00;
	v11 =	vadd.f32 v11, v58  }
0x63: {  	v9 =	vadd.f32 v10, v9;
	v10 =	vmul.f32 v60, v6  }
0x64: {  	v11 =	vmax.f32 v11, $0.0e+00  }
0x65: {  	v9 =	vadd.f32 v10, v9;
	v10 =	vmul.f32 v11, v7;
	_ =	sdelay $0x1  }
0x66: {  	v9 =	vadd.f32 v10, v9;
	_ =	sdelay $0x1  }
0x67: {  	[tilespmem:s19+$0xFFFFFFC0] =	vst v9  }
0x68: {  	v9 =	vld [tilespmem:s20+$0x5080]  }
0x69: {  	v10 =	vld [tilespmem:s20+$0xD080]  }
0x6a: {  	v11 =	vld [tilespmem:s20+$0x5090]  }
0x6b: {  	v61 =	vld [tilespmem:s20+$0xD090]  }
0x6c: {  	v62 =	vld [tilespmem:s20+$0x50A0]  }
0x6d: {  	v63 =	vld [tilespmem:s20+$0xD0A0]  }
0x6e: {  	v20 =	vld [tilespmem:s20+$0xD0B0];
	v9 =	vadd.f32 v10, v9  }
0x6f: {  	v10 =	vld [tilespmem:s20+$0x50B0]  }
0x70: {  	v21 =	vld [tilespmem:s20+$0x50C0];
	v11 =	vadd.f32 v61, v11;
	v9 =	vmax.f32 v9, $0.0e+00  }
0x71: {  	v22 =	vld [tilespmem:s20+$0xD0C0];
	v9 =	vmul.f32 v9, v0  }
0x72: {  	v23 =	vld [tilespmem:s20+$0x50D0];
	v13 =	vadd.f32 v63, v62;
	v11 =	vmax.f32 v11, $0.0e+00  }
0x73: {  	v24 =	vld [tilespmem:s20+$0xD0D0];
	v11 =	vmul.f32 v11, v1;
	v9 =	vadd.f32 v9, v8  }
0x74: {  	v25 =	vld [tilespmem:s20+$0x50E0];
	v13 =	vmax.f32 v13, $0.0e+00;
	v10 =	vadd.f32 v20, v10  }
0x75: {  	v26 =	vld [tilespmem:s20+$0xD0E0];
	v9 =	vadd.f32 v11, v9;
	v11 =	vmul.f32 v13, v2  }
0x76: {  	v27 =	vld [tilespmem:s20+$0x50F0];
	v12 =	vadd.f32 v22, v21;
	v10 =	vmax.f32 v10, $0.0e+00  }
0x77: {  	v10 =	vmul.f32 v10, v3;
	v9 =	vadd.f32 v11, v9;
	v11 =	vld [tilespmem:s20+$0xD0F0]  }
0x78: {  	v14 =	vadd.f32 v24, v23;
	v12 =	vmax.f32 v12, $0.0e+00  }
0x79: {  	v9 =	vadd.f32 v10, v9;
	v10 =	vmul.f32 v12, v4  }
0x7a: {  	v28 =	vmax.f32 v14, $0.0e+00;
	v13 =	vadd.f32 v26, v25  }
0x7b: {  	v9 =	vadd.f32 v10, v9;
	v10 =	vmul.f32 v28, v5  }
0x7c: {  	v29 =	vmax.f32 v13, $0.0e+00;
	v11 =	vadd.f32 v11, v27  }
0x7d: {  	v9 =	vadd.f32 v10, v9;
	v10 =	vmul.f32 v29, v6  }
0x7e: {  	v11 =	vmax.f32 v11, $0.0e+00  }
0x7f: {  	v9 =	vadd.f32 v10, v9;
	v10 =	vmul.f32 v11, v7;
	_ =	sdelay $0x1  }
0x80: {  	v9 =	vadd.f32 v10, v9;
	_ =	sdelay $0x1  }
0x81: {  	[tilespmem:s19+$0xFFFFFFD0] =	vst v9  }
0x82: {  	v9 =	vld [tilespmem:s20+$0x5100]  }
0x83: {  	v10 =	vld [tilespmem:s20+$0xD100]  }
0x84: {  	v11 =	vld [tilespmem:s20+$0x5110]  }
0x85: {  	v30 =	vld [tilespmem:s20+$0xD110]  }
0x86: {  	v31 =	vld [tilespmem:s20+$0x5120]  }
0x87: {  	v32 =	vld [tilespmem:s20+$0xD120]  }
0x88: {  	v33 =	vld [tilespmem:s20+$0xD130];
	v9 =	vadd.f32 v10, v9  }
0x89: {  	v10 =	vld [tilespmem:s20+$0x5130]  }
0x8a: {  	v34 =	vld [tilespmem:s20+$0x5140];
	v11 =	vadd.f32 v30, v11;
	v9 =	vmax.f32 v9, $0.0e+00  }
0x8b: {  	v35 =	vld [tilespmem:s20+$0xD140];
	v9 =	vmul.f32 v9, v0  }
0x8c: {  	v36 =	vld [tilespmem:s20+$0x5150];
	v13 =	vadd.f32 v32, v31;
	v11 =	vmax.f32 v11, $0.0e+00  }
0x8d: {  	v37 =	vld [tilespmem:s20+$0xD150];
	v11 =	vmul.f32 v11, v1;
	v9 =	vadd.f32 v9, v8  }
0x8e: {  	v38 =	vld [tilespmem:s20+$0x5160];
	v13 =	vmax.f32 v13, $0.0e+00;
	v10 =	vadd.f32 v33, v10  }
0x8f: {  	v39 =	vld [tilespmem:s20+$0xD160];
	v9 =	vadd.f32 v11, v9;
	v11 =	vmul.f32 v13, v2  }
0x90: {  	v40 =	vld [tilespmem:s20+$0x5170];
	v12 =	vadd.f32 v35, v34;
	v10 =	vmax.f32 v10, $0.0e+00  }
0x91: {  	v10 =	vmul.f32 v10, v3;
	v9 =	vadd.f32 v11, v9;
	v11 =	vld [tilespmem:s20+$0xD170]  }
0x92: {  	v14 =	vadd.f32 v37, v36;
	v12 =	vmax.f32 v12, $0.0e+00  }
0x93: {  	v9 =	vadd.f32 v10, v9;
	v10 =	vmul.f32 v12, v4  }
0x94: {  	v41 =	vmax.f32 v14, $0.0e+00;
	v13 =	vadd.f32 v39, v38  }
0x95: {  	v9 =	vadd.f32 v10, v9;
	v10 =	vmul.f32 v41, v5  }
0x96: {  	v42 =	vmax.f32 v13, $0.0e+00;
	v11 =	vadd.f32 v11, v40  }
0x97: {  	v9 =	vadd.f32 v10, v9;
	v10 =	vmul.f32 v42, v6  }
0x98: {  	v11 =	vmax.f32 v11, $0.0e+00  }
0x99: {  	v9 =	vadd.f32 v10, v9;
	v10 =	vmul.f32 v11, v7;
	_ =	sdelay $0x1  }
0x9a: {  	v9 =	vadd.f32 v10, v9;
	_ =	sdelay $0x1  }
0x9b: {  	[tilespmem:s19+$0xFFFFFFE0] =	vst v9  }
0x9c: {  	v9 =	vld [tilespmem:s20+$0x5180]  }
0x9d: {  	v10 =	vld [tilespmem:s20+$0xD180]  }
0x9e: {  	v11 =	vld [tilespmem:s20+$0x5190]  }
0x9f: {  	v43 =	vld [tilespmem:s20+$0xD190]  }
0xa0: {  	v44 =	vld [tilespmem:s20+$0x51A0]  }
0xa1: {  	v45 =	vld [tilespmem:s20+$0xD1A0]  }
0xa2: {  	v46 =	vld [tilespmem:s20+$0xD1B0];
	v9 =	vadd.f32 v10, v9  }
0xa3: {  	v10 =	vld [tilespmem:s20+$0x51B0]  }
0xa4: {  	v47 =	vld [tilespmem:s20+$0x51C0];
	v11 =	vadd.f32 v43, v11;
	v9 =	vmax.f32 v9, $0.0e+00  }
0xa5: {  	v48 =	vld [tilespmem:s20+$0xD1C0];
	v9 =	vmul.f32 v9, v0  }
0xa6: {  	v49 =	vld [tilespmem:s20+$0x51D0];
	v13 =	vadd.f32 v45, v44;
	v11 =	vmax.f32 v11, $0.0e+00  }
0xa7: {  	v50 =	vld [tilespmem:s20+$0xD1D0];
	v11 =	vmul.f32 v11, v1;
	v9 =	vadd.f32 v9, v8  }
0xa8: {  	v51 =	vld [tilespmem:s20+$0x51E0];
	v13 =	vmax.f32 v13, $0.0e+00;
	v10 =	vadd.f32 v46, v10  }
0xa9: {  	v52 =	vld [tilespmem:s20+$0xD1E0];
	v9 =	vadd.f32 v11, v9;
	v11 =	vmul.f32 v13, v2  }
0xaa: {  	v53 =	vld [tilespmem:s20+$0x51F0];
	v12 =	vadd.f32 v48, v47;
	v10 =	vmax.f32 v10, $0.0e+00  }
0xab: {  	v10 =	vmul.f32 v10, v3;
	v9 =	vadd.f32 v11, v9;
	v11 =	vld [tilespmem:s20+$0xD1F0]  }
0xac: {  	v14 =	vadd.f32 v50, v49;
	v12 =	vmax.f32 v12, $0.0e+00  }
0xad: {  	v9 =	vadd.f32 v10, v9;
	v10 =	vmul.f32 v12, v4  }
0xae: {  	v54 =	vmax.f32 v14, $0.0e+00;
	v13 =	vadd.f32 v52, v51  }
0xaf: {  	v9 =	vadd.f32 v10, v9;
	v10 =	vmul.f32 v54, v5  }
0xb0: {  	v55 =	vmax.f32 v13, $0.0e+00;
	v11 =	vadd.f32 v11, v53  }
0xb1: {  	v9 =	vadd.f32 v10, v9;
	v10 =	vmul.f32 v55, v6  }
0xb2: {  	v11 =	vmax.f32 v11, $0.0e+00  }
0xb3: {  	v9 =	vadd.f32 v10, v9;
	v10 =	vmul.f32 v11, v7;
	_ =	sdelay $0x1  }
0xb4: {  	v9 =	vadd.f32 v10, v9;
	_ =	sdelay $0x1  }
0xb5: {  	[tilespmem:s19+$0xFFFFFFF0] =	vst v9  }
0xb6: {  	v9 =	vld [tilespmem:s20+$0x5200]  }
0xb7: {  	v10 =	vld [tilespmem:s20+$0xD200]  }
0xb8: {  	v11 =	vld [tilespmem:s20+$0x5210]  }
0xb9: {  	v56 =	vld [tilespmem:s20+$0xD210]  }
0xba: {  	v57 =	vld [tilespmem:s20+$0x5220]  }
0xbb: {  	v58 =	vld [tilespmem:s20+$0xD220]  }
0xbc: {  	v59 =	vld [tilespmem:s20+$0xD230];
	v9 =	vadd.f32 v10, v9  }
0xbd: {  	v10 =	vld [tilespmem:s20+$0x5230]  }
0xbe: {  	v60 =	vld [tilespmem:s20+$0x5240];
	v11 =	vadd.f32 v56, v11;
	v9 =	vmax.f32 v9, $0.0e+00  }
0xbf: {  	v61 =	vld [tilespmem:s20+$0xD240];
	v9 =	vmul.f32 v9, v0  }
0xc0: {  	v62 =	vld [tilespmem:s20+$0x5250];
	v13 =	vadd.f32 v58, v57;
	v11 =	vmax.f32 v11, $0.0e+00  }
0xc1: {  	v63 =	vld [tilespmem:s20+$0xD250];
	v11 =	vmul.f32 v11, v1;
	v9 =	vadd.f32 v9, v8  }
0xc2: {  	v20 =	vld [tilespmem:s20+$0x5260];
	v13 =	vmax.f32 v13, $0.0e+00;
	v10 =	vadd.f32 v59, v10  }
0xc3: {  	v21 =	vld [tilespmem:s20+$0xD260];
	v9 =	vadd.f32 v11, v9;
	v11 =	vmul.f32 v13, v2  }
0xc4: {  	v22 =	vld [tilespmem:s20+$0x5270];
	v12 =	vadd.f32 v61, v60;
	v10 =	vmax.f32 v10, $0.0e+00  }
0xc5: {  	v10 =	vmul.f32 v10, v3;
	v9 =	vadd.f32 v11, v9;
	v11 =	vld [tilespmem:s20+$0xD270]  }
0xc6: {  	v14 =	vadd.f32 v63, v62;
	v12 =	vmax.f32 v12, $0.0e+00  }
0xc7: {  	v9 =	vadd.f32 v10, v9;
	v10 =	vmul.f32 v12, v4  }
0xc8: {  	v23 =	vmax.f32 v14, $0.0e+00;
	v13 =	vadd.f32 v21, v20  }
0xc9: {  	v9 =	vadd.f32 v10, v9;
	v10 =	vmul.f32 v23, v5  }
0xca: {  	v24 =	vmax.f32 v13, $0.0e+00;
	v11 =	vadd.f32 v11, v22  }
0xcb: {  	v9 =	vadd.f32 v10, v9;
	v10 =	vmul.f32 v24, v6  }
0xcc: {  	v11 =	vmax.f32 v11, $0.0e+00  }
0xcd: {  	v9 =	vadd.f32 v10, v9;
	v10 =	vmul.f32 v11, v7;
	_ =	sdelay $0x1  }
0xce: {  	v9 =	vadd.f32 v10, v9;
	_ =	sdelay $0x1  }
0xcf: {  	[tilespmem:s19+$0x0] =	vst v9  }
0xd0: {  	v9 =	vld [tilespmem:s20+$0x5280]  }
0xd1: {  	v10 =	vld [tilespmem:s20+$0xD280]  }
0xd2: {  	v11 =	vld [tilespmem:s20+$0x5290]  }
0xd3: {  	v25 =	vld [tilespmem:s20+$0xD290]  }
0xd4: {  	v26 =	vld [tilespmem:s20+$0x52A0]  }
0xd5: {  	v27 =	vld [tilespmem:s20+$0xD2A0]  }
0xd6: {  	v28 =	vld [tilespmem:s20+$0xD2B0];
	v9 =	vadd.f32 v10, v9  }
0xd7: {  	v10 =	vld [tilespmem:s20+$0x52B0]  }
0xd8: {  	v29 =	vld [tilespmem:s20+$0x52C0];
	v11 =	vadd.f32 v25, v11;
	v9 =	vmax.f32 v9, $0.0e+00  }
0xd9: {  	v30 =	vld [tilespmem:s20+$0xD2C0];
	v9 =	vmul.f32 v9, v0  }
0xda: {  	v31 =	vld [tilespmem:s20+$0x52D0];
	v13 =	vadd.f32 v27, v26;
	v11 =	vmax.f32 v11, $0.0e+00  }
0xdb: {  	v32 =	vld [tilespmem:s20+$0xD2D0];
	v11 =	vmul.f32 v11, v1;
	v9 =	vadd.f32 v9, v8  }
0xdc: {  	v33 =	vld [tilespmem:s20+$0x52E0];
	v13 =	vmax.f32 v13, $0.0e+00;
	v10 =	vadd.f32 v28, v10  }
0xdd: {  	v34 =	vld [tilespmem:s20+$0xD2E0];
	v9 =	vadd.f32 v11, v9;
	v11 =	vmul.f32 v13, v2  }
0xde: {  	v35 =	vld [tilespmem:s20+$0x52F0];
	v12 =	vadd.f32 v30, v29;
	v10 =	vmax.f32 v10, $0.0e+00  }
0xdf: {  	v10 =	vmul.f32 v10, v3;
	v9 =	vadd.f32 v11, v9;
	v11 =	vld [tilespmem:s20+$0xD2F0]  }
0xe0: {  	v14 =	vadd.f32 v32, v31;
	v12 =	vmax.f32 v12, $0.0e+00  }
0xe1: {  	v9 =	vadd.f32 v10, v9;
	v10 =	vmul.f32 v12, v4  }
0xe2: {  	v36 =	vmax.f32 v14, $0.0e+00;
	v13 =	vadd.f32 v34, v33  }
0xe3: {  	v9 =	vadd.f32 v10, v9;
	v10 =	vmul.f32 v36, v5  }
0xe4: {  	v37 =	vmax.f32 v13, $0.0e+00;
	v11 =	vadd.f32 v11, v35  }
0xe5: {  	v9 =	vadd.f32 v10, v9;
	v10 =	vmul.f32 v37, v6  }
0xe6: {  	v11 =	vmax.f32 v11, $0.0e+00  }
0xe7: {  	v9 =	vadd.f32 v10, v9;
	v10 =	vmul.f32 v11, v7;
	_ =	sdelay $0x1  }
0xe8: {  	v9 =	vadd.f32 v10, v9;
	_ =	sdelay $0x1  }
0xe9: {  	[tilespmem:s19+$0x10] =	vst v9  }
0xea: {  	v9 =	vld [tilespmem:s20+$0x5300]  }
0xeb: {  	v10 =	vld [tilespmem:s20+$0xD300]  }
0xec: {  	v11 =	vld [tilespmem:s20+$0x5310]  }
0xed: {  	v38 =	vld [tilespmem:s20+$0xD310]  }
0xee: {  	v39 =	vld [tilespmem:s20+$0x5320]  }
0xef: {  	v40 =	vld [tilespmem:s20+$0xD320]  }
0xf0: {  	v41 =	vld [tilespmem:s20+$0xD330];
	v9 =	vadd.f32 v10, v9  }
0xf1: {  	v10 =	vld [tilespmem:s20+$0x5330]  }
0xf2: {  	v42 =	vld [tilespmem:s20+$0x5340];
	v11 =	vadd.f32 v38, v11;
	v9 =	vmax.f32 v9, $0.0e+00  }
0xf3: {  	v43 =	vld [tilespmem:s20+$0xD340];
	v9 =	vmul.f32 v9, v0  }
0xf4: {  	v44 =	vld [tilespmem:s20+$0x5350];
	v13 =	vadd.f32 v40, v39;
	v11 =	vmax.f32 v11, $0.0e+00  }
0xf5: {  	v45 =	vld [tilespmem:s20+$0xD350];
	v11 =	vmul.f32 v11, v1;
	v9 =	vadd.f32 v9, v8  }
0xf6: {  	v46 =	vld [tilespmem:s20+$0x5360];
	v13 =	vmax.f32 v13, $0.0e+00;
	v10 =	vadd.f32 v41, v10  }
0xf7: {  	v47 =	vld [tilespmem:s20+$0xD360];
	v9 =	vadd.f32 v11, v9;
	v11 =	vmul.f32 v13, v2  }
0xf8: {  	v48 =	vld [tilespmem:s20+$0x5370];
	v12 =	vadd.f32 v43, v42;
	v10 =	vmax.f32 v10, $0.0e+00  }
0xf9: {  	v10 =	vmul.f32 v10, v3;
	v9 =	vadd.f32 v11, v9;
	v11 =	vld [tilespmem:s20+$0xD370]  }
0xfa: {  	v14 =	vadd.f32 v45, v44;
	v12 =	vmax.f32 v12, $0.0e+00  }
0xfb: {  	v9 =	vadd.f32 v10, v9;
	v10 =	vmul.f32 v12, v4  }
0xfc: {  	v49 =	vmax.f32 v14, $0.0e+00;
	v13 =	vadd.f32 v47, v46  }
0xfd: {  	v9 =	vadd.f32 v10, v9;
	v10 =	vmul.f32 v49, v5  }
0xfe: {  	v50 =	vmax.f32 v13, $0.0e+00;
	v11 =	vadd.f32 v11, v48  }
0xff: {  	v9 =	vadd.f32 v10, v9;
	v10 =	vmul.f32 v50, v6  }
0x100: {  	v11 =	vmax.f32 v11, $0.0e+00  }
0x101: {  	v9 =	vadd.f32 v10, v9;
	v10 =	vmul.f32 v11, v7;
	_ =	sdelay $0x1  }
0x102: {  	v9 =	vadd.f32 v10, v9;
	_ =	sdelay $0x1  }
0x103: {  	[tilespmem:s19+$0x20] =	vst v9  }
0x104: {  	v9 =	vld [tilespmem:s20+$0x5380]  }
0x105: {  	v10 =	vld [tilespmem:s20+$0xD380]  }
0x106: {  	v11 =	vld [tilespmem:s20+$0x5390]  }
0x107: {  	v51 =	vld [tilespmem:s20+$0xD390]  }
0x108: {  	v52 =	vld [tilespmem:s20+$0x53A0]  }
0x109: {  	v53 =	vld [tilespmem:s20+$0xD3A0]  }
0x10a: {  	v54 =	vld [tilespmem:s20+$0xD3B0];
	v9 =	vadd.f32 v10, v9  }
0x10b: {  	v10 =	vld [tilespmem:s20+$0x53B0]  }
0x10c: {  	v55 =	vld [tilespmem:s20+$0x53C0];
	v11 =	vadd.f32 v51, v11;
	v9 =	vmax.f32 v9, $0.0e+00  }
0x10d: {  	v56 =	vld [tilespmem:s20+$0xD3C0];
	v9 =	vmul.f32 v9, v0  }
0x10e: {  	v57 =	vld [tilespmem:s20+$0x53D0];
	v13 =	vadd.f32 v53, v52;
	v11 =	vmax.f32 v11, $0.0e+00  }
0x10f: {  	v58 =	vld [tilespmem:s20+$0xD3D0];
	v11 =	vmul.f32 v11, v1;
	v9 =	vadd.f32 v9, v8  }
0x110: {  	v59 =	vld [tilespmem:s20+$0x53E0];
	v13 =	vmax.f32 v13, $0.0e+00;
	v10 =	vadd.f32 v54, v10  }
0x111: {  	v60 =	vld [tilespmem:s20+$0xD3E0];
	v9 =	vadd.f32 v11, v9;
	v11 =	vmul.f32 v13, v2  }
0x112: {  	v61 =	vld [tilespmem:s20+$0x53F0];
	v12 =	vadd.f32 v56, v55;
	v10 =	vmax.f32 v10, $0.0e+00  }
0x113: {  	v10 =	vmul.f32 v10, v3;
	v9 =	vadd.f32 v11, v9;
	v11 =	vld [tilespmem:s20+$0xD3F0]  }
0x114: {  	v14 =	vadd.f32 v58, v57;
	v12 =	vmax.f32 v12, $0.0e+00  }
0x115: {  	v9 =	vadd.f32 v10, v9;
	v10 =	vmul.f32 v12, v4  }
0x116: {  	v62 =	vadd.f32 v60, v59;
	v63 =	vmax.f32 v14, $0.0e+00  }
0x117: {  	v9 =	vadd.f32 v10, v9;
	v10 =	vmul.f32 v63, v5  }
0x118: {  	v12 =	vmax.f32 v62, $0.0e+00;
	v11 =	vadd.f32 v11, v61  }
0x119: {  	v9 =	vadd.f32 v10, v9;
	v10 =	vmul.f32 v12, v6  }
0x11a: {  	p1 =	sne.s32 s15, $0xF000;
	v11 =	vmax.f32 v11, $0.0e+00  }
.Ltmp5:
0x11b: {  	v9 =	vadd.f32 v10, v9;
	v10 =	vmul.f32 v11, v7;
	(pc) =	sbr.rel @p1 .LBB2_4-.Ltmp5, $3  }
0x11c: {  	_ = 	snop  }
0x11d: {  	v9 =	vadd.f32 v10, v9;
	_ =	sdelay $0x1  }
0x11e: {  	s15 =	sadd.s32 $0x1000, s15;
	[tilespmem:s19+$0x30] =	vst v9;
	s19 =	sadd.s32 $0x80, s19  }
0x11f: {  	s15 =	sshll.u32 s1, $0x5  }
0x120: {  	s13 =	sshll.u32 s13, $0x8;
	s15 =	sand.u32 $0x60, s15  }
0x121: {  	s13 =	sand.u32 $0xFF800, s13;
	s15 =	sadd.s32 s7, s15  }
0x122: {  	s13 =	sadd.s32 s13, s15  }
0x123: {  	[hbm4b:s13+s16] =	stream.strided.scatter [tilespmem:s24], [sflag:$0x5], $0x800, s23, s16, $0x38;
	[tilespmem:$0x16100] =	vst v63  }
.LBB2_6:
0x124: {  	s13 =	sadd.s32 $0x2, s2  }
0x125: {  	s2 =	sadd.s32 s8, s0;
	p1 =	sge.s32 s13, s9  }
0x126: {  	p2 =	sgt.u32 @!p1 s2, $0x9C2  }
0x127: {  	p1 =	por p2, p1  }
0x128: {  	s13 =	sshll.u32 @!p1 s13, $0x7;
	s15 =	simm.s32 @!p1 $0x80;
	s19 =	simm.s32 @!p1 $0x5000  }
0x129: {  	[tilespmem:s19], [sflag:$0x1] =	stream.indirect.gather @!p1 [hbm4b:s4+s15], $0x80, s13, s15, $0xb8;
	[tilespmem:$0x16100] =	vst v63  }
0x12a: {  	s13 =	sadd.s32 @!p1 $0x2800, s13;
	s19 =	simm.s32 @!p1 $0xD000  }
0x12b: {  	[tilespmem:s19], [sflag:$0x3] =	stream.indirect.gather @!p1 [hbm4b:s5+s15], $0x80, s13, s15, $0xb8;
	[tilespmem:$0x16100] =	vst v63  }
0x12c: {  	p1 =	sgt.u32 @!p0 s2, $0x9C3  }
0x12d: {  	p0 =	por p0, p1  }
.Ltmp6:
0x12e: {  	_ = 	snop;
	(pc) =	sbr.rel @p0 .LBB2_10-.Ltmp6, $1  }
0x12f: {  	_ =	sdelay $0x3  }
0x130: {  	_ =	swait.ge [sflag:s25], $0x4000  }
0x131: {  	[sflag:s25] =	ssyncset.done $0x0  }
0x132: {  	[sflag:s25] =	ssyncadd.s32 $0xFFFFC000  }
0x133: {  	_ =	swait.ge [sflag:s26], $0x4000  }
0x134: {  	p0 =	seq.s32 s1, $0x0;
	[sflag:s26] =	ssyncset.done $0x0  }
0x135: {  	s13 =	simm.s32 @!p0 $0x6;
	[sflag:s26] =	ssyncadd.s32 $0xFFFFC000  }
0x136: {  	_ =	swait.ge @!p0 [sflag:s13], $0x800  }
0x137: {  	[sflag:s13] =	ssyncset.done @!p0 $0x0  }
0x138: {  	s15 =	simm.s32 $0x15840;
	[sflag:s13] =	ssyncadd.s32 @!p0 $0xFFFFF800;
	s13 =	simm.s32 $0x0  }
.LBB2_8:
0x139: {  	s19 =	sshra.s32 s13, $0x2  }
0x13a: {  	v9 =	vld [tilespmem:s19+$0x9000]  }
0x13b: {  	v10 =	vld [tilespmem:s19+$0x11000]  }
0x13c: {  	v11 =	vld [tilespmem:s19+$0x9010]  }
0x13d: {  	v12 =	vld [tilespmem:s19+$0x11010]  }
0x13e: {  	v13 =	vld [tilespmem:s19+$0x9020]  }
0x13f: {  	v14 =	vld [tilespmem:s19+$0x11020]  }
0x140: {  	v15 =	vld [tilespmem:s19+$0x11030];
	v9 =	vadd.f32 v10, v9  }
0x141: {  	v10 =	vld [tilespmem:s19+$0x9030]  }
0x142: {  	v54 =	vld [tilespmem:s19+$0x9040];
	v11 =	vadd.f32 v12, v11;
	v9 =	vmax.f32 v9, $0.0e+00  }
0x143: {  	v16 =	vld [tilespmem:s19+$0x11040];
	v9 =	vmul.f32 v9, v0  }
0x144: {  	v55 =	vld [tilespmem:s19+$0x9050];
	v13 =	vadd.f32 v14, v13;
	v11 =	vmax.f32 v11, $0.0e+00  }
0x145: {  	v17 =	vld [tilespmem:s19+$0x11050];
	v11 =	vmul.f32 v11, v1;
	v9 =	vadd.f32 v9, v8  }
0x146: {  	v56 =	vld [tilespmem:s19+$0x9060];
	v13 =	vmax.f32 v13, $0.0e+00;
	v10 =	vadd.f32 v15, v10  }
0x147: {  	v57 =	vld [tilespmem:s19+$0x11060];
	v9 =	vadd.f32 v11, v9;
	v11 =	vmul.f32 v13, v2  }
0x148: {  	v58 =	vld [tilespmem:s19+$0x9070];
	v12 =	vadd.f32 v16, v54;
	v10 =	vmax.f32 v10, $0.0e+00  }
0x149: {  	v10 =	vmul.f32 v10, v3;
	v9 =	vadd.f32 v11, v9;
	v11 =	vld [tilespmem:s19+$0x11070]  }
0x14a: {  	v14 =	vadd.f32 v17, v55;
	v12 =	vmax.f32 v12, $0.0e+00  }
0x14b: {  	v9 =	vadd.f32 v10, v9;
	v10 =	vmul.f32 v12, v4  }
0x14c: {  	v59 =	vmax.f32 v14, $0.0e+00;
	v13 =	vadd.f32 v57, v56  }
0x14d: {  	v9 =	vadd.f32 v10, v9;
	v10 =	vmul.f32 v59, v5  }
0x14e: {  	v60 =	vmax.f32 v13, $0.0e+00;
	v11 =	vadd.f32 v11, v58  }
0x14f: {  	v9 =	vadd.f32 v10, v9;
	v10 =	vmul.f32 v60, v6  }
0x150: {  	v11 =	vmax.f32 v11, $0.0e+00  }
0x151: {  	v9 =	vadd.f32 v10, v9;
	v10 =	vmul.f32 v11, v7;
	_ =	sdelay $0x1  }
0x152: {  	v9 =	vadd.f32 v10, v9;
	_ =	sdelay $0x1  }
0x153: {  	[tilespmem:s15+$0xFFFFFFC0] =	vst v9  }
0x154: {  	v9 =	vld [tilespmem:s19+$0x9080]  }
0x155: {  	v10 =	vld [tilespmem:s19+$0x11080]  }
0x156: {  	v11 =	vld [tilespmem:s19+$0x9090]  }
0x157: {  	v61 =	vld [tilespmem:s19+$0x11090]  }
0x158: {  	v62 =	vld [tilespmem:s19+$0x90A0]  }
0x159: {  	v63 =	vld [tilespmem:s19+$0x110A0]  }
0x15a: {  	v20 =	vld [tilespmem:s19+$0x110B0];
	v9 =	vadd.f32 v10, v9  }
0x15b: {  	v10 =	vld [tilespmem:s19+$0x90B0]  }
0x15c: {  	v21 =	vld [tilespmem:s19+$0x90C0];
	v11 =	vadd.f32 v61, v11;
	v9 =	vmax.f32 v9, $0.0e+00  }
0x15d: {  	v22 =	vld [tilespmem:s19+$0x110C0];
	v9 =	vmul.f32 v9, v0  }
0x15e: {  	v23 =	vld [tilespmem:s19+$0x90D0];
	v13 =	vadd.f32 v63, v62;
	v11 =	vmax.f32 v11, $0.0e+00  }
0x15f: {  	v24 =	vld [tilespmem:s19+$0x110D0];
	v11 =	vmul.f32 v11, v1;
	v9 =	vadd.f32 v9, v8  }
0x160: {  	v25 =	vld [tilespmem:s19+$0x90E0];
	v13 =	vmax.f32 v13, $0.0e+00;
	v10 =	vadd.f32 v20, v10  }
0x161: {  	v26 =	vld [tilespmem:s19+$0x110E0];
	v9 =	vadd.f32 v11, v9;
	v11 =	vmul.f32 v13, v2  }
0x162: {  	v27 =	vld [tilespmem:s19+$0x90F0];
	v12 =	vadd.f32 v22, v21;
	v10 =	vmax.f32 v10, $0.0e+00  }
0x163: {  	v10 =	vmul.f32 v10, v3;
	v9 =	vadd.f32 v11, v9;
	v11 =	vld [tilespmem:s19+$0x110F0]  }
0x164: {  	v14 =	vadd.f32 v24, v23;
	v12 =	vmax.f32 v12, $0.0e+00  }
0x165: {  	v9 =	vadd.f32 v10, v9;
	v10 =	vmul.f32 v12, v4  }
0x166: {  	v28 =	vmax.f32 v14, $0.0e+00;
	v13 =	vadd.f32 v26, v25  }
0x167: {  	v9 =	vadd.f32 v10, v9;
	v10 =	vmul.f32 v28, v5  }
0x168: {  	v29 =	vmax.f32 v13, $0.0e+00;
	v11 =	vadd.f32 v11, v27  }
0x169: {  	v9 =	vadd.f32 v10, v9;
	v10 =	vmul.f32 v29, v6  }
0x16a: {  	v11 =	vmax.f32 v11, $0.0e+00  }
0x16b: {  	v9 =	vadd.f32 v10, v9;
	v10 =	vmul.f32 v11, v7;
	_ =	sdelay $0x1  }
0x16c: {  	v9 =	vadd.f32 v10, v9;
	_ =	sdelay $0x1  }
0x16d: {  	[tilespmem:s15+$0xFFFFFFD0] =	vst v9  }
0x16e: {  	v9 =	vld [tilespmem:s19+$0x9100]  }
0x16f: {  	v10 =	vld [tilespmem:s19+$0x11100]  }
0x170: {  	v11 =	vld [tilespmem:s19+$0x9110]  }
0x171: {  	v30 =	vld [tilespmem:s19+$0x11110]  }
0x172: {  	v31 =	vld [tilespmem:s19+$0x9120]  }
0x173: {  	v32 =	vld [tilespmem:s19+$0x11120]  }
0x174: {  	v33 =	vld [tilespmem:s19+$0x11130];
	v9 =	vadd.f32 v10, v9  }
0x175: {  	v10 =	vld [tilespmem:s19+$0x9130]  }
0x176: {  	v34 =	vld [tilespmem:s19+$0x9140];
	v11 =	vadd.f32 v30, v11;
	v9 =	vmax.f32 v9, $0.0e+00  }
0x177: {  	v35 =	vld [tilespmem:s19+$0x11140];
	v9 =	vmul.f32 v9, v0  }
0x178: {  	v36 =	vld [tilespmem:s19+$0x9150];
	v13 =	vadd.f32 v32, v31;
	v11 =	vmax.f32 v11, $0.0e+00  }
0x179: {  	v37 =	vld [tilespmem:s19+$0x11150];
	v11 =	vmul.f32 v11, v1;
	v9 =	vadd.f32 v9, v8  }
0x17a: {  	v38 =	vld [tilespmem:s19+$0x9160];
	v13 =	vmax.f32 v13, $0.0e+00;
	v10 =	vadd.f32 v33, v10  }
0x17b: {  	v39 =	vld [tilespmem:s19+$0x11160];
	v9 =	vadd.f32 v11, v9;
	v11 =	vmul.f32 v13, v2  }
0x17c: {  	v40 =	vld [tilespmem:s19+$0x9170];
	v12 =	vadd.f32 v35, v34;
	v10 =	vmax.f32 v10, $0.0e+00  }
0x17d: {  	v10 =	vmul.f32 v10, v3;
	v9 =	vadd.f32 v11, v9;
	v11 =	vld [tilespmem:s19+$0x11170]  }
0x17e: {  	v14 =	vadd.f32 v37, v36;
	v12 =	vmax.f32 v12, $0.0e+00  }
0x17f: {  	v9 =	vadd.f32 v10, v9;
	v10 =	vmul.f32 v12, v4  }
0x180: {  	v41 =	vmax.f32 v14, $0.0e+00;
	v13 =	vadd.f32 v39, v38  }
0x181: {  	v9 =	vadd.f32 v10, v9;
	v10 =	vmul.f32 v41, v5  }
0x182: {  	v42 =	vmax.f32 v13, $0.0e+00;
	v11 =	vadd.f32 v11, v40  }
0x183: {  	v9 =	vadd.f32 v10, v9;
	v10 =	vmul.f32 v42, v6  }
0x184: {  	v11 =	vmax.f32 v11, $0.0e+00  }
0x185: {  	v9 =	vadd.f32 v10, v9;
	v10 =	vmul.f32 v11, v7;
	_ =	sdelay $0x1  }
0x186: {  	v9 =	vadd.f32 v10, v9;
	_ =	sdelay $0x1  }
0x187: {  	[tilespmem:s15+$0xFFFFFFE0] =	vst v9  }
0x188: {  	v9 =	vld [tilespmem:s19+$0x9180]  }
0x189: {  	v10 =	vld [tilespmem:s19+$0x11180]  }
0x18a: {  	v11 =	vld [tilespmem:s19+$0x9190]  }
0x18b: {  	v43 =	vld [tilespmem:s19+$0x11190]  }
0x18c: {  	v44 =	vld [tilespmem:s19+$0x91A0]  }
0x18d: {  	v45 =	vld [tilespmem:s19+$0x111A0]  }
0x18e: {  	v46 =	vld [tilespmem:s19+$0x111B0];
	v9 =	vadd.f32 v10, v9  }
0x18f: {  	v10 =	vld [tilespmem:s19+$0x91B0]  }
0x190: {  	v47 =	vld [tilespmem:s19+$0x91C0];
	v11 =	vadd.f32 v43, v11;
	v9 =	vmax.f32 v9, $0.0e+00  }
0x191: {  	v48 =	vld [tilespmem:s19+$0x111C0];
	v9 =	vmul.f32 v9, v0  }
0x192: {  	v49 =	vld [tilespmem:s19+$0x91D0];
	v13 =	vadd.f32 v45, v44;
	v11 =	vmax.f32 v11, $0.0e+00  }
0x193: {  	v50 =	vld [tilespmem:s19+$0x111D0];
	v11 =	vmul.f32 v11, v1;
	v9 =	vadd.f32 v9, v8  }
0x194: {  	v51 =	vld [tilespmem:s19+$0x91E0];
	v13 =	vmax.f32 v13, $0.0e+00;
	v10 =	vadd.f32 v46, v10  }
0x195: {  	v52 =	vld [tilespmem:s19+$0x111E0];
	v9 =	vadd.f32 v11, v9;
	v11 =	vmul.f32 v13, v2  }
0x196: {  	v53 =	vld [tilespmem:s19+$0x91F0];
	v12 =	vadd.f32 v48, v47;
	v10 =	vmax.f32 v10, $0.0e+00  }
0x197: {  	v10 =	vmul.f32 v10, v3;
	v9 =	vadd.f32 v11, v9;
	v11 =	vld [tilespmem:s19+$0x111F0]  }
0x198: {  	v14 =	vadd.f32 v50, v49;
	v12 =	vmax.f32 v12, $0.0e+00  }
0x199: {  	v9 =	vadd.f32 v10, v9;
	v10 =	vmul.f32 v12, v4  }
0x19a: {  	v54 =	vmax.f32 v14, $0.0e+00;
	v13 =	vadd.f32 v52, v51  }
0x19b: {  	v9 =	vadd.f32 v10, v9;
	v10 =	vmul.f32 v54, v5  }
0x19c: {  	v55 =	vmax.f32 v13, $0.0e+00;
	v11 =	vadd.f32 v11, v53  }
0x19d: {  	v9 =	vadd.f32 v10, v9;
	v10 =	vmul.f32 v55, v6  }
0x19e: {  	v11 =	vmax.f32 v11, $0.0e+00  }
0x19f: {  	v9 =	vadd.f32 v10, v9;
	v10 =	vmul.f32 v11, v7;
	_ =	sdelay $0x1  }
0x1a0: {  	v9 =	vadd.f32 v10, v9;
	_ =	sdelay $0x1  }
0x1a1: {  	[tilespmem:s15+$0xFFFFFFF0] =	vst v9  }
0x1a2: {  	v9 =	vld [tilespmem:s19+$0x9200]  }
0x1a3: {  	v10 =	vld [tilespmem:s19+$0x11200]  }
0x1a4: {  	v11 =	vld [tilespmem:s19+$0x9210]  }
0x1a5: {  	v56 =	vld [tilespmem:s19+$0x11210]  }
0x1a6: {  	v57 =	vld [tilespmem:s19+$0x9220]  }
0x1a7: {  	v58 =	vld [tilespmem:s19+$0x11220]  }
0x1a8: {  	v59 =	vld [tilespmem:s19+$0x11230];
	v9 =	vadd.f32 v10, v9  }
0x1a9: {  	v10 =	vld [tilespmem:s19+$0x9230]  }
0x1aa: {  	v60 =	vld [tilespmem:s19+$0x9240];
	v11 =	vadd.f32 v56, v11;
	v9 =	vmax.f32 v9, $0.0e+00  }
0x1ab: {  	v61 =	vld [tilespmem:s19+$0x11240];
	v9 =	vmul.f32 v9, v0  }
0x1ac: {  	v62 =	vld [tilespmem:s19+$0x9250];
	v13 =	vadd.f32 v58, v57;
	v11 =	vmax.f32 v11, $0.0e+00  }
0x1ad: {  	v63 =	vld [tilespmem:s19+$0x11250];
	v11 =	vmul.f32 v11, v1;
	v9 =	vadd.f32 v9, v8  }
0x1ae: {  	v20 =	vld [tilespmem:s19+$0x9260];
	v13 =	vmax.f32 v13, $0.0e+00;
	v10 =	vadd.f32 v59, v10  }
0x1af: {  	v21 =	vld [tilespmem:s19+$0x11260];
	v9 =	vadd.f32 v11, v9;
	v11 =	vmul.f32 v13, v2  }
0x1b0: {  	v22 =	vld [tilespmem:s19+$0x9270];
	v12 =	vadd.f32 v61, v60;
	v10 =	vmax.f32 v10, $0.0e+00  }
0x1b1: {  	v10 =	vmul.f32 v10, v3;
	v9 =	vadd.f32 v11, v9;
	v11 =	vld [tilespmem:s19+$0x11270]  }
0x1b2: {  	v14 =	vadd.f32 v63, v62;
	v12 =	vmax.f32 v12, $0.0e+00  }
0x1b3: {  	v9 =	vadd.f32 v10, v9;
	v10 =	vmul.f32 v12, v4  }
0x1b4: {  	v23 =	vmax.f32 v14, $0.0e+00;
	v13 =	vadd.f32 v21, v20  }
0x1b5: {  	v9 =	vadd.f32 v10, v9;
	v10 =	vmul.f32 v23, v5  }
0x1b6: {  	v24 =	vmax.f32 v13, $0.0e+00;
	v11 =	vadd.f32 v11, v22  }
0x1b7: {  	v9 =	vadd.f32 v10, v9;
	v10 =	vmul.f32 v24, v6  }
0x1b8: {  	v11 =	vmax.f32 v11, $0.0e+00  }
0x1b9: {  	v9 =	vadd.f32 v10, v9;
	v10 =	vmul.f32 v11, v7;
	_ =	sdelay $0x1  }
0x1ba: {  	v9 =	vadd.f32 v10, v9;
	_ =	sdelay $0x1  }
0x1bb: {  	[tilespmem:s15+$0x0] =	vst v9  }
0x1bc: {  	v9 =	vld [tilespmem:s19+$0x9280]  }
0x1bd: {  	v10 =	vld [tilespmem:s19+$0x11280]  }
0x1be: {  	v11 =	vld [tilespmem:s19+$0x9290]  }
0x1bf: {  	v25 =	vld [tilespmem:s19+$0x11290]  }
0x1c0: {  	v26 =	vld [tilespmem:s19+$0x92A0]  }
0x1c1: {  	v27 =	vld [tilespmem:s19+$0x112A0]  }
0x1c2: {  	v28 =	vld [tilespmem:s19+$0x112B0];
	v9 =	vadd.f32 v10, v9  }
0x1c3: {  	v10 =	vld [tilespmem:s19+$0x92B0]  }
0x1c4: {  	v29 =	vld [tilespmem:s19+$0x92C0];
	v11 =	vadd.f32 v25, v11;
	v9 =	vmax.f32 v9, $0.0e+00  }
0x1c5: {  	v30 =	vld [tilespmem:s19+$0x112C0];
	v9 =	vmul.f32 v9, v0  }
0x1c6: {  	v31 =	vld [tilespmem:s19+$0x92D0];
	v13 =	vadd.f32 v27, v26;
	v11 =	vmax.f32 v11, $0.0e+00  }
0x1c7: {  	v32 =	vld [tilespmem:s19+$0x112D0];
	v11 =	vmul.f32 v11, v1;
	v9 =	vadd.f32 v9, v8  }
0x1c8: {  	v33 =	vld [tilespmem:s19+$0x92E0];
	v13 =	vmax.f32 v13, $0.0e+00;
	v10 =	vadd.f32 v28, v10  }
0x1c9: {  	v34 =	vld [tilespmem:s19+$0x112E0];
	v9 =	vadd.f32 v11, v9;
	v11 =	vmul.f32 v13, v2  }
0x1ca: {  	v35 =	vld [tilespmem:s19+$0x92F0];
	v12 =	vadd.f32 v30, v29;
	v10 =	vmax.f32 v10, $0.0e+00  }
0x1cb: {  	v10 =	vmul.f32 v10, v3;
	v9 =	vadd.f32 v11, v9;
	v11 =	vld [tilespmem:s19+$0x112F0]  }
0x1cc: {  	v14 =	vadd.f32 v32, v31;
	v12 =	vmax.f32 v12, $0.0e+00  }
0x1cd: {  	v9 =	vadd.f32 v10, v9;
	v10 =	vmul.f32 v12, v4  }
0x1ce: {  	v36 =	vmax.f32 v14, $0.0e+00;
	v13 =	vadd.f32 v34, v33  }
0x1cf: {  	v9 =	vadd.f32 v10, v9;
	v10 =	vmul.f32 v36, v5  }
0x1d0: {  	v37 =	vmax.f32 v13, $0.0e+00;
	v11 =	vadd.f32 v11, v35  }
0x1d1: {  	v9 =	vadd.f32 v10, v9;
	v10 =	vmul.f32 v37, v6  }
0x1d2: {  	v11 =	vmax.f32 v11, $0.0e+00  }
0x1d3: {  	v9 =	vadd.f32 v10, v9;
	v10 =	vmul.f32 v11, v7;
	_ =	sdelay $0x1  }
0x1d4: {  	v9 =	vadd.f32 v10, v9;
	_ =	sdelay $0x1  }
0x1d5: {  	[tilespmem:s15+$0x10] =	vst v9  }
0x1d6: {  	v9 =	vld [tilespmem:s19+$0x9300]  }
0x1d7: {  	v10 =	vld [tilespmem:s19+$0x11300]  }
0x1d8: {  	v11 =	vld [tilespmem:s19+$0x9310]  }
0x1d9: {  	v38 =	vld [tilespmem:s19+$0x11310]  }
0x1da: {  	v39 =	vld [tilespmem:s19+$0x9320]  }
0x1db: {  	v40 =	vld [tilespmem:s19+$0x11320]  }
0x1dc: {  	v41 =	vld [tilespmem:s19+$0x11330];
	v9 =	vadd.f32 v10, v9  }
0x1dd: {  	v10 =	vld [tilespmem:s19+$0x9330]  }
0x1de: {  	v42 =	vld [tilespmem:s19+$0x9340];
	v11 =	vadd.f32 v38, v11;
	v9 =	vmax.f32 v9, $0.0e+00  }
0x1df: {  	v43 =	vld [tilespmem:s19+$0x11340];
	v9 =	vmul.f32 v9, v0  }
0x1e0: {  	v44 =	vld [tilespmem:s19+$0x9350];
	v13 =	vadd.f32 v40, v39;
	v11 =	vmax.f32 v11, $0.0e+00  }
0x1e1: {  	v45 =	vld [tilespmem:s19+$0x11350];
	v11 =	vmul.f32 v11, v1;
	v9 =	vadd.f32 v9, v8  }
0x1e2: {  	v46 =	vld [tilespmem:s19+$0x9360];
	v13 =	vmax.f32 v13, $0.0e+00;
	v10 =	vadd.f32 v41, v10  }
0x1e3: {  	v47 =	vld [tilespmem:s19+$0x11360];
	v9 =	vadd.f32 v11, v9;
	v11 =	vmul.f32 v13, v2  }
0x1e4: {  	v48 =	vld [tilespmem:s19+$0x9370];
	v12 =	vadd.f32 v43, v42;
	v10 =	vmax.f32 v10, $0.0e+00  }
0x1e5: {  	v10 =	vmul.f32 v10, v3;
	v9 =	vadd.f32 v11, v9;
	v11 =	vld [tilespmem:s19+$0x11370]  }
0x1e6: {  	v14 =	vadd.f32 v45, v44;
	v12 =	vmax.f32 v12, $0.0e+00  }
0x1e7: {  	v9 =	vadd.f32 v10, v9;
	v10 =	vmul.f32 v12, v4  }
0x1e8: {  	v49 =	vmax.f32 v14, $0.0e+00;
	v13 =	vadd.f32 v47, v46  }
0x1e9: {  	v9 =	vadd.f32 v10, v9;
	v10 =	vmul.f32 v49, v5  }
0x1ea: {  	v50 =	vmax.f32 v13, $0.0e+00;
	v11 =	vadd.f32 v11, v48  }
0x1eb: {  	v9 =	vadd.f32 v10, v9;
	v10 =	vmul.f32 v50, v6  }
0x1ec: {  	v11 =	vmax.f32 v11, $0.0e+00  }
0x1ed: {  	v9 =	vadd.f32 v10, v9;
	v10 =	vmul.f32 v11, v7;
	_ =	sdelay $0x1  }
0x1ee: {  	v9 =	vadd.f32 v10, v9;
	_ =	sdelay $0x1  }
0x1ef: {  	[tilespmem:s15+$0x20] =	vst v9  }
0x1f0: {  	v9 =	vld [tilespmem:s19+$0x9380]  }
0x1f1: {  	v10 =	vld [tilespmem:s19+$0x11380]  }
0x1f2: {  	v11 =	vld [tilespmem:s19+$0x9390]  }
0x1f3: {  	v51 =	vld [tilespmem:s19+$0x11390]  }
0x1f4: {  	v52 =	vld [tilespmem:s19+$0x93A0]  }
0x1f5: {  	v53 =	vld [tilespmem:s19+$0x113A0]  }
0x1f6: {  	v54 =	vld [tilespmem:s19+$0x113B0];
	v9 =	vadd.f32 v10, v9  }
0x1f7: {  	v10 =	vld [tilespmem:s19+$0x93B0]  }
0x1f8: {  	v55 =	vld [tilespmem:s19+$0x93C0];
	v11 =	vadd.f32 v51, v11;
	v9 =	vmax.f32 v9, $0.0e+00  }
0x1f9: {  	v56 =	vld [tilespmem:s19+$0x113C0];
	v9 =	vmul.f32 v9, v0  }
0x1fa: {  	v57 =	vld [tilespmem:s19+$0x93D0];
	v13 =	vadd.f32 v53, v52;
	v11 =	vmax.f32 v11, $0.0e+00  }
0x1fb: {  	v58 =	vld [tilespmem:s19+$0x113D0];
	v11 =	vmul.f32 v11, v1;
	v9 =	vadd.f32 v9, v8  }
0x1fc: {  	v59 =	vld [tilespmem:s19+$0x93E0];
	v13 =	vmax.f32 v13, $0.0e+00;
	v10 =	vadd.f32 v54, v10  }
0x1fd: {  	v60 =	vld [tilespmem:s19+$0x113E0];
	v9 =	vadd.f32 v11, v9;
	v11 =	vmul.f32 v13, v2  }
0x1fe: {  	v61 =	vld [tilespmem:s19+$0x93F0];
	v12 =	vadd.f32 v56, v55;
	v10 =	vmax.f32 v10, $0.0e+00  }
0x1ff: {  	v10 =	vmul.f32 v10, v3;
	v9 =	vadd.f32 v11, v9;
	v11 =	vld [tilespmem:s19+$0x113F0]  }
0x200: {  	v14 =	vadd.f32 v58, v57;
	v12 =	vmax.f32 v12, $0.0e+00  }
0x201: {  	v9 =	vadd.f32 v10, v9;
	v10 =	vmul.f32 v12, v4  }
0x202: {  	v62 =	vadd.f32 v60, v59;
	v63 =	vmax.f32 v14, $0.0e+00  }
0x203: {  	v9 =	vadd.f32 v10, v9;
	v10 =	vmul.f32 v63, v5  }
0x204: {  	v12 =	vmax.f32 v62, $0.0e+00;
	v11 =	vadd.f32 v11, v61  }
0x205: {  	v9 =	vadd.f32 v10, v9;
	v10 =	vmul.f32 v12, v6  }
0x206: {  	p0 =	sne.s32 s13, $0xF000;
	v11 =	vmax.f32 v11, $0.0e+00  }
.Ltmp7:
0x207: {  	v9 =	vadd.f32 v10, v9;
	v10 =	vmul.f32 v11, v7;
	(pc) =	sbr.rel @p0 .LBB2_8-.Ltmp7, $3  }
0x208: {  	_ = 	snop  }
0x209: {  	v9 =	vadd.f32 v10, v9;
	_ =	sdelay $0x1  }
0x20a: {  	s13 =	sadd.s32 $0x1000, s13;
	[tilespmem:s15+$0x30] =	vst v9;
	s15 =	sadd.s32 $0x80, s15  }
.Ltmp8:
0x20b: {  	s0 =	sshll.u32 s0, $0x4;
	(pc) =	sbr.rel .LBB2_10-.Ltmp8, $4  }
0x20c: {  	s2 =	sshll.u32 s2, $0x8;
	s0 =	sand.u32 $0x70, s0  }
0x20d: {  	s2 =	sand.u32 $0xFF800, s2;
	s0 =	sadd.s32 s7, s0  }
0x20e: {  	s0 =	sadd.s32 s2, s0  }
0x20f: {  	[hbm4b:s0+s16] =	stream.strided.scatter [tilespmem:s28], [sflag:$0x6], $0x800, s23, s16, $0x38;
	[tilespmem:$0x16100] =	vst v63  }
.LBB2_12:
0x210: {  	_ =	sfence.sel $0x180000  }
0x211: {  	[bflag:$0x0] =	sbarrier.arrive $0xFFFF  }
0x212: {  	_ =	strace $0x90000047  }
0x213: {  	s0 =	stileid.u32;
	[bflag:$0x2] =	sbarrier.arrive $0xFFFF  }
0x214: {  	p0 =	sne.s32 s0, $0x0;
	s0 =	rddreg [dreg:$0x2]  }
0x215: {  	s0 =	sadd.s32 @!p0 $0x100000, s0  }
0x216: {  	[sflag:s0] =	ssyncadd.tile.s32 @!p0 $0x1;
	_ =	shalt  }
.Lfunc_end2:
_tile_overlayer_lowered:
.L_overlay_start_2:
0x217: {  	(tag) =	ssettag $0x2  }
0x218: {  	s0 =	rddreg [dreg:$0x0];
	s2 =	stileid.u32  }
0x219: {  	s1 =	rddreg [dreg:$0x1];
	p0 =	sne.s32 s2, $0x0  }
0x21a: {  	s3 =	rddreg [dreg:$0x2];
	[bflag:$0x3] =	sbarrier.arrive $0xFFFF;
	s2 =	simm.s32 @!p0 $0x1C07  }
0x21b: {  	[timem:s3], [sflag:s2] =	dma.local @!p0 [hbm:s0], s1  }
0x21c: {  	s0 =	simm.s32 @!p0 $0x7  }
0x21d: {  	_ =	swait.ge @!p0 [sflag:s0], s1  }
0x21e: {  	s1 =	ssub.s32 @!p0 $0x0, s1;
	[sflag:s0] =	ssyncset.done @!p0 $0x0  }
0x21f: {  	[sflag:s0] =	ssyncadd.s32 @!p0 s1  }
0x220: {  	[bflag:$0x3] =	sbarrier.arrive $0xFFFF  }
0x221: {  	_ =	shalt  }

</sc_bundles>
